<compile_context>
chip_gen: v7x
topology: tpu7x:2x2x1
jax: 0.10.2.dev20260603
libtpu: 0.0.44.dev20260713+nightly
codegen_flags: <defaults>
</compile_context>

<pallas_src>
import jax
import jax.numpy as jnp
from jax import lax
from jax.experimental import pallas as pl
from jax.experimental.pallas import tpu as pltpu
from jax.experimental.pallas import tpu_sc as plsc

N_ROWS = 1000000
DIM = 32
BATCH = 16384

NC = 2
NS = 16
NW = NC * NS
RB = 31232
LTAIL = 512
TBASE = NW * RB + LTAIL
T64 = N_ROWS - TBASE
RMAX = RB + LTAIL
CPC = 512
NCOPY = RB // CPC
ISTG = 2048
NVREG = ISTG // 16
NICH = BATCH // ISTG
POSB = 14
PMASK = (1 << POSB) - 1
FIN_CAP = BATCH + 32
VTC = 128

_SENTINEL = 0x7FFFFFF0
_IMIN = -2147483648


def _sc_set_kernel(mem_hbm, idx_hbm, val_hbm, tmem_hbm, out_hbm, tout_hbm,
                   istg_v, tab_v, fin_v, cbuf0_v, cbuf1_v, cbuf2_v, cbuf3_v,
                   vt0_v, vt1_v, tbuf_v,
                   cg0_sem, cg1_sem, cg2_sem, cg3_sem,
                   cs0_sem, cs1_sem, cs2_sem, cs3_sem,
                   vs0_sem, vs1_sem):
    w = lax.axis_index("s") * NC + lax.axis_index("c")
    lo = pl.multiple_of(w * RB, 128)
    nrows = jnp.where(w == NW - 1, RB + LTAIL, RB)
    iota = lax.iota(jnp.int32, 16)
    cbufs = (cbuf0_v, cbuf1_v, cbuf2_v, cbuf3_v)
    cgsems = (cg0_sem, cg1_sem, cg2_sem, cg3_sem)
    csems = (cs0_sem, cs1_sem, cs2_sem, cs3_sem)
    vts = (vt0_v, vt1_v)
    vsems = (vs0_sem, vs1_sem)

    for j in range(2):
        pltpu.async_copy(
            mem_hbm.at[:, pl.ds(pl.multiple_of(lo + j * CPC, 128), CPC)],
            cbufs[j], cgsems[j])

    neg1 = jnp.full((16,), -1, jnp.int32)

    def memset(i, carry):
        tab_v[pl.ds(i * 16, 16)] = neg1
        return carry

    lax.fori_loop(0, RMAX // 16, memset, jnp.int32(0))

    def make_pass_a(ci):
        def pass_a(i, carry):
            base = i * 16
            vec = istg_v[pl.ds(base, 16)]
            loc = vec - lo
            tail_hit = (vec >= TBASE) & (w == 0)
            loc = jnp.where(tail_hit, RB + (vec - TBASE), loc)
            valid = ((loc >= 0) & (loc < nrows)) | tail_hit
            key = jnp.where(valid, (loc << 4) | iota, _SENTINEL)
            pos = jnp.where(valid, ci * ISTG + base + iota, -1)
            sk, sv = plsc.sort_key_val(key, pos)
            nbr = jnp.minimum(iota + 1, 15)
            knext = sk.at[nbr].get(mode="promise_in_bounds")
            run_last = ((sk >> 4) != (knext >> 4)) | (iota == 15)
            m = run_last & (sv >= 0)
            plsc.store_scatter(tab_v, [sk >> 4], sv, mask=m)
            return carry
        return pass_a

    with jax.named_scope("pass_a"):
        for ci in range(NICH):
            pltpu.sync_copy(idx_hbm.at[pl.ds(ci * ISTG, ISTG)], istg_v)
            lax.fori_loop(0, NVREG, make_pass_a(ci), jnp.int32(0))

    def scan(i, cnt):
        v = tab_v[pl.ds(i * 16, 16)]
        m = v >= 0
        packed = ((i * 16 + iota) << POSB) | (v & PMASK)
        plsc.store_compressed(fin_v.at[pl.ds(cnt, 16)], packed, mask=m)
        return cnt + jnp.max(plsc.all_reduce_population_count(m))

    with jax.named_scope("tab_scan"):
        cnt = lax.fori_loop(0, RMAX // 16, scan, jnp.int32(0))

    def read_packed(p):
        base = (p >> 4) << 4
        va = fin_v[pl.ds(base, 16)]
        x = jnp.max(jnp.where(iota == (p - base), va, _IMIN))
        return jnp.where(p < cnt, x, _SENTINEL)

    def issue_vtile(packed, slot):
        vb = pl.multiple_of(((packed & PMASK) >> 7) * VTC, 128)
        pltpu.async_copy(val_hbm.at[:, pl.ds(vb, VTC)], vts[slot],
                         vsems[slot])

    def issue_next(nxt, wp1):
        @pl.when(nxt != _SENTINEL)
        def _():
            @pl.when(wp1 % 2 == 0)
            def _():
                issue_vtile(nxt, 0)

            @pl.when(wp1 % 2 == 1)
            def _():
                issue_vtile(nxt, 1)

    def merge_cur(cur, wptr, base_loc, cb):
        tgt = jnp.zeros((16,), jnp.int32) + ((cur >> POSB) - base_loc)
        vt_col = jnp.zeros((16,), jnp.int32) + ((cur & PMASK) & (VTC - 1))
        for slot in range(2):
            @pl.when(wptr % 2 == slot)
            def _():
                pltpu.make_async_copy(val_hbm.at[:, pl.ds(0, VTC)], vts[slot],
                                      vsems[slot]).wait()
                lo16 = plsc.load_gather(vts[slot], [iota, vt_col])
                hi16 = plsc.load_gather(vts[slot], [iota + 16, vt_col])
                plsc.store_scatter(cb, [iota, tgt], lo16)
                plsc.store_scatter(cb, [iota + 16, tgt], hi16)

    def merge_chunk(state, base_loc, hi_loc, cb):
        def cond(st):
            _, cur = st
            return (cur >> POSB) < hi_loc

        def body(st):
            wptr, cur = st
            nxt = read_packed(wptr + 1)
            issue_next(nxt, wptr + 1)
            merge_cur(cur, wptr, base_loc, cb)
            return (wptr + 1, nxt)

        return lax.while_loop(cond, body, state)

    cur0 = read_packed(jnp.int32(0))

    @pl.when(cur0 != _SENTINEL)
    def _():
        issue_vtile(cur0, 0)

    def do_chunk(k, j, state, ncopy):
        base = pl.multiple_of(lo + k * CPC, 128)
        base_loc = k * CPC

        pltpu.make_async_copy(mem_hbm.at[:, pl.ds(base, CPC)], cbufs[j],
                              cgsems[j]).wait()
        state = merge_chunk(state, base_loc, base_loc + CPC, cbufs[j])
        pltpu.async_copy(cbufs[j], out_hbm.at[:, pl.ds(base, CPC)], csems[j])

        b2 = (j + 2) % 4

        @pl.when(k >= 2)
        def _():
            pltpu.make_async_copy(cbufs[b2], out_hbm.at[:, pl.ds(base, CPC)],
                                  csems[b2]).wait()

        @pl.when(k + 2 < ncopy)
        def _():
            base2 = pl.multiple_of(lo + (k + 2) * CPC, 128)
            pltpu.async_copy(mem_hbm.at[:, pl.ds(base2, CPC)], cbufs[b2],
                             cgsems[b2])
        return state

    nc_w = jnp.where(w == NW - 1, NCOPY + 1, NCOPY)

    with jax.named_scope("copy_merge"):
        def trip(t, state):
            for j in range(4):
                state = do_chunk(t * 4 + j, j, state, nc_w)
            return state

        state = lax.fori_loop(0, NCOPY // 4, trip, (jnp.int32(0), cur0))
        state = do_chunk(jnp.int32(NCOPY - 1), (NCOPY - 1) % 4, state, nc_w)

        @pl.when(w == NW - 1)
        def _extra():
            do_chunk(jnp.int32(NCOPY), NCOPY % 4, state, nc_w)

        def _drain_sem(i):
            pltpu.make_async_copy(cbufs[i % 4], out_hbm.at[:, pl.ds(lo, CPC)],
                                  csems[i % 4]).wait()

        @pl.when(w != NW - 1)
        def _drain():
            _drain_sem(NCOPY - 2)
            _drain_sem(NCOPY - 1)

        @pl.when(w == NW - 1)
        def _drain_extra():
            _drain_sem(NCOPY - 1)
            _drain_sem(NCOPY)

        @pl.when(w == 0)
        def _tail():
            pltpu.async_copy(tmem_hbm, tbuf_v, cg1_sem).wait()
            merge_chunk(state, RB, RB + T64, tbuf_v)
            pltpu.async_copy(tbuf_v, tout_hbm, cs1_sem).wait()


@jax.jit
def _sc_set(memory, node_idxs, values):
    out_t, out_tail = pl.kernel(
        _sc_set_kernel,
        out_type=(jax.ShapeDtypeStruct((DIM, N_ROWS), jnp.float32),
                  jax.ShapeDtypeStruct((DIM, T64), jnp.float32)),
        mesh=plsc.VectorSubcoreMesh(core_axis_name="c", subcore_axis_name="s"),
        compiler_params=pltpu.CompilerParams(
            needs_layout_passes=False, use_tc_tiling_on_sc=True),
        scratch_types=[
            pltpu.VMEM((ISTG,), jnp.int32),
            pltpu.VMEM((RMAX,), jnp.int32),
            pltpu.VMEM((FIN_CAP,), jnp.int32),
            pltpu.VMEM((DIM, CPC), jnp.float32),
            pltpu.VMEM((DIM, CPC), jnp.float32),
            pltpu.VMEM((DIM, CPC), jnp.float32),
            pltpu.VMEM((DIM, CPC), jnp.float32),
            pltpu.VMEM((DIM, VTC), jnp.float32),
            pltpu.VMEM((DIM, VTC), jnp.float32),
            pltpu.VMEM((DIM, T64), jnp.float32),
            pltpu.SemaphoreType.DMA,
            pltpu.SemaphoreType.DMA,
            pltpu.SemaphoreType.DMA,
            pltpu.SemaphoreType.DMA,
            pltpu.SemaphoreType.DMA,
            pltpu.SemaphoreType.DMA,
            pltpu.SemaphoreType.DMA,
            pltpu.SemaphoreType.DMA,
            pltpu.SemaphoreType.DMA,
            pltpu.SemaphoreType.DMA,
        ],
    )(memory.T, node_idxs, values.T,
      lax.slice(memory, (TBASE, 0), (N_ROWS, DIM)).T)
    return lax.dynamic_update_slice(out_t.T, out_tail.T, (TBASE, 0))


def kernel(memory, node_idxs, values):
    return _sc_set(memory, node_idxs, values)

# --- scband reference (transcript-rebuilt; emitter-appended) ---
"""Pipeline reference for scband-memory-module-12240656794123 (READ-ONLY COPY).

The authoritative reference and input builder live on the scoring server;
editing this copy changes nothing except your own understanding.
"""

import jax, jax.numpy as jnp
import numpy as np

N_NODE = 1000000
HIDDEN_DIM = 32
BATCH = 16384


def setup_inputs(seed: int = 0) -> dict:
    key = jax.random.key(seed)
    k1, k2 = jax.random.split(key)
    # Module state (buffers materialized per init_kwargs; TGN initializes memory to zeros)
    memory = jnp.zeros((N_NODE, HIDDEN_DIM), dtype=jnp.float32)
    # Forward args
    node_idxs = jax.random.randint(k1, (BATCH,), 0, N_NODE, dtype=jnp.int32)
    values = jax.random.normal(k2, (BATCH, HIDDEN_DIM), dtype=jnp.float32)
    return {"memory": memory, "node_idxs": node_idxs, "values": values}


def reference(memory, node_idxs, values):
    # Faithful translation of MemoryModule.set_memory:
    #   self.memory[node_idxs, :] = values   (scatter-overwrite into the memory table)
    # JAX is functional, so we return the updated memory table.
    new_memory = memory.at[node_idxs].set(values)
    return new_memory

if __name__ == "__main__":
    import jax
    _d = setup_inputs()
    print(jax.jit(kernel)(*tuple(_d.values())))

</pallas_src>

<mosaic_0001>
#map = affine_map<(d0, d1) -> (0, 0)>
#map1 = affine_map<(d0, d1) -> (0)>
module attributes {stable_mosaic.version = 14 : i64} {
  func.func @_sc_set_kernel(%arg0: i32, %arg1: i32, %arg2: memref<32x1000000xf32, #tpu.memory_space<hbm>>, %arg3: memref<16384xi32, #tpu.memory_space<hbm>>, %arg4: memref<32x16384xf32, #tpu.memory_space<hbm>>, %arg5: memref<32x64xf32, #tpu.memory_space<hbm>>, %arg6: memref<32x1000000xf32, #tpu.memory_space<hbm>>, %arg7: memref<32x64xf32, #tpu.memory_space<hbm>>, %arg8: memref<2048xi32, #tpu.memory_space<vmem>>, %arg9: memref<31744xi32, #tpu.memory_space<vmem>>, %arg10: memref<16416xi32, #tpu.memory_space<vmem>>, %arg11: memref<32x512xf32, #tpu.memory_space<vmem>>, %arg12: memref<32x512xf32, #tpu.memory_space<vmem>>, %arg13: memref<32x512xf32, #tpu.memory_space<vmem>>, %arg14: memref<32x512xf32, #tpu.memory_space<vmem>>, %arg15: memref<32x128xf32, #tpu.memory_space<vmem>>, %arg16: memref<32x128xf32, #tpu.memory_space<vmem>>, %arg17: memref<32x64xf32, #tpu.memory_space<vmem>>, %arg18: memref<!tpu.dma_semaphore, #tpu.memory_space<semaphore_mem>>, %arg19: memref<!tpu.dma_semaphore, #tpu.memory_space<semaphore_mem>>, %arg20: memref<!tpu.dma_semaphore, #tpu.memory_space<semaphore_mem>>, %arg21: memref<!tpu.dma_semaphore, #tpu.memory_space<semaphore_mem>>, %arg22: memref<!tpu.dma_semaphore, #tpu.memory_space<semaphore_mem>>, %arg23: memref<!tpu.dma_semaphore, #tpu.memory_space<semaphore_mem>>, %arg24: memref<!tpu.dma_semaphore, #tpu.memory_space<semaphore_mem>>, %arg25: memref<!tpu.dma_semaphore, #tpu.memory_space<semaphore_mem>>, %arg26: memref<!tpu.dma_semaphore, #tpu.memory_space<semaphore_mem>>, %arg27: memref<!tpu.dma_semaphore, #tpu.memory_space<semaphore_mem>>) attributes {dimension_semantics = [#tpu.dimension_semantics<core_parallel>, #tpu.dimension_semantics<subcore_parallel>], iteration_bounds = array<i64: 2, 16>, scalar_prefetch = 0 : i64, scratch_operands = 20 : i64, tpu.core_type = #tpu.core_type<sc_vector_subcore>, window_params = [{transform_indices = #map}, {transform_indices = #map1}, {transform_indices = #map}, {transform_indices = #map}, {transform_indices = #map}, {transform_indices = #map}]} {
    %mul3A = arith.constant 2 : i32
    %mul3A_0 = arith.muli %arg1, %mul3A : i32
    %add3A = arith.addi %mul3A_0, %arg0 : i32
    %mul3A_1 = arith.constant 31232 : i32
    %mul3A_2 = arith.muli %add3A, %mul3A_1 : i32
    %multiple_of3A = tpu.assume_multiple %mul3A_2, 128 : i32
    %eq3A = arith.constant 31 : i32
    %eq3A_3 = arith.cmpi eq, %add3A, %eq3A : i32
    %jit3A = arith.constant 31744 : i32
    %jit3A_4 = arith.constant 31232 : i32
    %select_n3A = arith.select %eq3A_3, %jit3A, %jit3A_4 : i32
    %iota3A = tpu.iota {dimensions = array<i32: 0>} : vector<16xi32>
    %add3A_5 = arith.constant 0 : i32
    %add3A_6 = arith.addi %multiple_of3A, %add3A_5 : i32
    %multiple_of3A_7 = tpu.assume_multiple %add3A_6, 128 : i32
    %dma_start3A = arith.constant 0 : i32
    %dma_start3A_8 = tpu.memref_slice %arg2[%dma_start3A, %multiple_of3A_7] : memref<32x1000000xf32, #tpu.memory_space<hbm>> -> memref<32x512xf32, #tpu.memory_space<hbm>>
    %dma_start3A_9 = arith.constant 0 : i32
    %dma_start3A_10 = tpu.memref_slice %arg2[%dma_start3A_9, %multiple_of3A_7] : memref<32x1000000xf32, #tpu.memory_space<hbm>> -> memref<32x512xf32, #tpu.memory_space<hbm>>
    tpu.enqueue_dma source(%dma_start3A_10 : memref<32x512xf32, #tpu.memory_space<hbm>>) target(%arg11 : memref<32x512xf32, #tpu.memory_space<vmem>>) target_semaphore(%arg18 : memref<!tpu.dma_semaphore, #tpu.memory_space<semaphore_mem>>)
    %add3A_11 = arith.constant 512 : i32
    %add3A_12 = arith.addi %multiple_of3A, %add3A_11 : i32
    %multiple_of3A_13 = tpu.assume_multiple %add3A_12, 128 : i32
    %dma_start3A_14 = arith.constant 0 : i32
    %dma_start3A_15 = tpu.memref_slice %arg2[%dma_start3A_14, %multiple_of3A_13] : memref<32x1000000xf32, #tpu.memory_space<hbm>> -> memref<32x512xf32, #tpu.memory_space<hbm>>
    %dma_start3A_16 = arith.constant 0 : i32
    %dma_start3A_17 = tpu.memref_slice %arg2[%dma_start3A_16, %multiple_of3A_13] : memref<32x1000000xf32, #tpu.memory_space<hbm>> -> memref<32x512xf32, #tpu.memory_space<hbm>>
    tpu.enqueue_dma source(%dma_start3A_17 : memref<32x512xf32, #tpu.memory_space<hbm>>) target(%arg12 : memref<32x512xf32, #tpu.memory_space<vmem>>) target_semaphore(%arg19 : memref<!tpu.dma_semaphore, #tpu.memory_space<semaphore_mem>>)
    %broadcast_in_dim3A = arith.constant -1 : i32
    %broadcast_in_dim3A_18 = vector.broadcast %broadcast_in_dim3A : i32 to vector<16xi32>
    %scan3A = arith.constant 0 : i32
    %scan3A_19 = arith.constant 0 : i32
    %scan3A_20 = arith.constant 1984 : i32
    %scan3A_21 = arith.addi %scan3A_19, %scan3A_20 : i32
    %scan3A_22 = arith.constant 1 : i32
    scf.for %scan3A_163 = %scan3A_19 to %scan3A_21 step %scan3A_22  : i32 {
      %mul3A_164 = arith.constant 16 : i32
      %mul3A_165 = arith.muli %scan3A_163, %mul3A_164 : i32
      %swap3A = arith.index_cast %mul3A_165 : i32 to index
      %swap3A_166 = tpu.vector_load %arg9[%swap3A] {strides = array<i32>} : memref<31744xi32, #tpu.memory_space<vmem>>, vector<16xi32>,
      tpu.vector_store %arg9[%swap3A], %broadcast_in_dim3A_18 {strides = array<i32>} : memref<31744xi32, #tpu.memory_space<vmem>>, vector<16xi32>,
    }
    %scan3A_23 = arith.constant 1984 : i32
    "tpu.trace_start"() <{level = 10 : i32, message = "pass_a"}> : () -> ()
    "tpu.region"() ({
      %run_scoped3A = tpu.sem_alloc : memref<!tpu.dma_semaphore, #tpu.memory_space<semaphore_mem>>
      %dma_start3A_163 = arith.constant 0 : i32
      %dma_start3A_164 = tpu.memref_slice %arg3[%dma_start3A_163] : memref<16384xi32, #tpu.memory_space<hbm>> -> memref<2048xi32, #tpu.memory_space<hbm>>
      %dma_start3A_165 = arith.constant 0 : i32
      %dma_start3A_166 = tpu.memref_slice %arg3[%dma_start3A_165] : memref<16384xi32, #tpu.memory_space<hbm>> -> memref<2048xi32, #tpu.memory_space<hbm>>
      tpu.enqueue_dma source(%dma_start3A_166 : memref<2048xi32, #tpu.memory_space<hbm>>) target(%arg8 : memref<2048xi32, #tpu.memory_space<vmem>>) target_semaphore(%run_scoped3A : memref<!tpu.dma_semaphore, #tpu.memory_space<semaphore_mem>>)
      %dma_wait3A_167 = arith.constant 0 : i32
      %dma_wait3A_168 = tpu.memref_slice %arg3[%dma_wait3A_167] : memref<16384xi32, #tpu.memory_space<hbm>> -> memref<2048xi32, #tpu.memory_space<hbm>>
      %dma_wait3A_169 = arith.constant 0 : i32
      %dma_wait3A_170 = tpu.memref_slice %arg3[%dma_wait3A_169] : memref<16384xi32, #tpu.memory_space<hbm>> -> memref<2048xi32, #tpu.memory_space<hbm>>
      tpu.wait_dma2 semaphore(%run_scoped3A : memref<!tpu.dma_semaphore, #tpu.memory_space<semaphore_mem>>) src(%dma_wait3A_170 : memref<2048xi32, #tpu.memory_space<hbm>>) dst(%arg8 : memref<2048xi32, #tpu.memory_space<vmem>>)
      tpu.yield
    }) : () -> ()
    %scan3A_24 = arith.constant 0 : i32
    %scan3A_25 = arith.constant 0 : i32
    %scan3A_26 = arith.constant 128 : i32
    %scan3A_27 = arith.addi %scan3A_25, %scan3A_26 : i32
    %scan3A_28 = arith.constant 1 : i32
    scf.for %scan3A_163 = %scan3A_25 to %scan3A_27 step %scan3A_28  : i32 {
      %mul3A_164 = arith.constant 16 : i32
      %mul3A_165 = arith.muli %scan3A_163, %mul3A_164 : i32
      %get3A_166 = arith.index_cast %mul3A_165 : i32 to index
      %get3A_167 = tpu.vector_load %arg8[%get3A_166] {strides = array<i32>} : memref<2048xi32, #tpu.memory_space<vmem>>, vector<16xi32>,
      %sub3A_168 = vector.broadcast %multiple_of3A : i32 to vector<16xi32>
      %sub3A_169 = arith.subi %get3A_167, %sub3A_168 : vector<16xi32>
      %ge3A_170 = arith.constant 999936 : i32
      %ge3A_171 = vector.broadcast %ge3A_170 : i32 to vector<16xi32>
      %ge3A_172 = arith.cmpi sge, %get3A_167, %ge3A_171 : vector<16xi32>
      %eq3A_173 = arith.constant 0 : i32
      %eq3A_174 = arith.cmpi eq, %add3A, %eq3A_173 : i32
      %and3A = vector.broadcast %eq3A_174 : i1 to vector<16xi1>
      %and3A_175 = arith.andi %ge3A_172, %and3A : vector<16xi1>
      %sub3A_176 = arith.constant 999936 : i32
      %sub3A_177 = vector.broadcast %sub3A_176 : i32 to vector<16xi32>
      %sub3A_178 = arith.subi %get3A_167, %sub3A_177 : vector<16xi32>
      %add3A_179 = arith.constant 31232 : i32
      %add3A_180 = vector.broadcast %add3A_179 : i32 to vector<16xi32>
      %add3A_181 = arith.addi %add3A_180, %sub3A_178 : vector<16xi32>
      %select_n3A_182 = arith.select %and3A_175, %add3A_181, %sub3A_169 : vector<16xi1>, vector<16xi32>
      %ge3A_183 = arith.constant 0 : i32
      %ge3A_184 = vector.broadcast %ge3A_183 : i32 to vector<16xi32>
      %ge3A_185 = arith.cmpi sge, %select_n3A_182, %ge3A_184 : vector<16xi32>
      %lt3A_186 = vector.broadcast %select_n3A : i32 to vector<16xi32>
      %lt3A_187 = arith.cmpi slt, %select_n3A_182, %lt3A_186 : vector<16xi32>
      %and3A_188 = arith.andi %ge3A_185, %lt3A_187 : vector<16xi1>
      %or3A = arith.ori %and3A_188, %and3A_175 : vector<16xi1>
      %shift_left3A_189 = arith.constant 4 : i32
      %shift_left3A_190 = vector.broadcast %shift_left3A_189 : i32 to vector<16xi32>
      %shift_left3A_191 = arith.shli %select_n3A_182, %shift_left3A_190 : vector<16xi32>
      %or3A_192 = arith.ori %shift_left3A_191, %iota3A : vector<16xi32>
      %jit3A_193 = arith.constant 2147483632 : i32
      %broadcast_in_dim3A_194 = vector.broadcast %jit3A_193 : i32 to vector<16xi32>
      %select_n3A_195 = arith.select %or3A, %or3A_192, %broadcast_in_dim3A_194 : vector<16xi1>, vector<16xi32>
      %add3A_196 = arith.constant 0 : i32
      %add3A_197 = arith.addi %add3A_196, %mul3A_165 : i32
      %add3A_198 = vector.broadcast %add3A_197 : i32 to vector<16xi32>
      %add3A_199 = arith.addi %add3A_198, %iota3A : vector<16xi32>
      %jit3A_200 = arith.constant -1 : i32
      %broadcast_in_dim3A_201 = vector.broadcast %jit3A_200 : i32 to vector<16xi32>
      %select_n3A_202 = arith.select %or3A, %add3A_199, %broadcast_in_dim3A_201 : vector<16xi1>, vector<16xi32>
      %masked_sort3A = arith.constant dense<true> : vector<16xi1>
      %masked_sort3A_203 = arith.constant -2147483648 : i32
      %masked_sort3A_204 = vector.broadcast %masked_sort3A_203 : i32 to vector<16xi32>
      %masked_sort3A_205 = arith.xori %select_n3A_195, %masked_sort3A_204 : vector<16xi32>
      %masked_sort3A_206, %masked_sort3A_207, %masked_sort3A_208 = tpu.sort %masked_sort3A_205, %select_n3A_202 masked %masked_sort3A : (vector<16xi32>, vector<16xi32>, vector<16xi1>) -> (vector<16xi1>, vector<16xi32>, vector<16xi32>)
      %masked_sort3A_209 = arith.xori %masked_sort3A_207, %masked_sort3A_204 : vector<16xi32>
      %add3A_210 = arith.constant 1 : i32
      %add3A_211 = vector.broadcast %add3A_210 : i32 to vector<16xi32>
      %add3A_212 = arith.addi %iota3A, %add3A_211 : vector<16xi32>
      %min3A = arith.constant 15 : i32
      %min3A_213 = vector.broadcast %min3A : i32 to vector<16xi32>
      %min3A_214 = arith.minsi %add3A_212, %min3A_213 : vector<16xi32>
      %lt3A_215 = arith.constant 0 : i32
      %lt3A_216 = vector.broadcast %lt3A_215 : i32 to vector<16xi32>
      %lt3A_217 = arith.cmpi slt, %min3A_214, %lt3A_216 : vector<16xi32>
      %add3A_218 = arith.constant 16 : i32
      %add3A_219 = vector.broadcast %add3A_218 : i32 to vector<16xi32>
      %add3A_220 = arith.addi %min3A_214, %add3A_219 : vector<16xi32>
      %select_n3A_221 = arith.select %lt3A_217, %add3A_220, %min3A_214 : vector<16xi1>, vector<16xi32>
      %broadcast_in_dim3A_222 = vector.shape_cast %select_n3A_221 : vector<16xi32> to vector<16x1xi32>
      %gather3A = vector.shape_cast %broadcast_in_dim3A_222 : vector<16x1xi32> to vector<16xi32>
      %gather3A_223 = tpu.dynamic_gather %masked_sort3A_209[%gather3A] in [0] : vector<16xi32>, vector<16xi32> -> vector<16xi32>
      %shift_right_arithmetic3A_224 = arith.constant 4 : i32
      %shift_right_arithmetic3A_225 = vector.broadcast %shift_right_arithmetic3A_224 : i32 to vector<16xi32>
      %shift_right_arithmetic3A_226 = arith.shrsi %masked_sort3A_209, %shift_right_arithmetic3A_225 : vector<16xi32>
      %shift_right_arithmetic3A_227 = arith.constant 4 : i32
      %shift_right_arithmetic3A_228 = vector.broadcast %shift_right_arithmetic3A_227 : i32 to vector<16xi32>
      %shift_right_arithmetic3A_229 = arith.shrsi %gather3A_223, %shift_right_arithmetic3A_228 : vector<16xi32>
      %ne3A_230 = arith.cmpi ne, %shift_right_arithmetic3A_226, %shift_right_arithmetic3A_229 : vector<16xi32>
      %eq3A_231 = arith.constant 15 : i32
      %eq3A_232 = vector.broadcast %eq3A_231 : i32 to vector<16xi32>
      %eq3A_233 = arith.cmpi eq, %iota3A, %eq3A_232 : vector<16xi32>
      %or3A_234 = arith.ori %ne3A_230, %eq3A_233 : vector<16xi1>
      %ge3A_235 = arith.constant 0 : i32
      %ge3A_236 = vector.broadcast %ge3A_235 : i32 to vector<16xi32>
      %ge3A_237 = arith.cmpi sge, %masked_sort3A_208, %ge3A_236 : vector<16xi32>
      %and3A_238 = arith.andi %or3A_234, %ge3A_237 : vector<16xi1>
      %shift_right_arithmetic3A_239 = arith.constant 4 : i32
      %shift_right_arithmetic3A_240 = vector.broadcast %shift_right_arithmetic3A_239 : i32 to vector<16xi32>
      %shift_right_arithmetic3A_241 = arith.shrsi %masked_sort3A_209, %shift_right_arithmetic3A_240 : vector<16xi32>
      tpu.vector_store_idx %arg9[%shift_right_arithmetic3A_241], %masked_sort3A_208 masked %and3A_238 : memref<31744xi32, #tpu.memory_space<vmem>>[vector<16xi32>], vector<16xi32>, vector<16xi1>
    }
    %scan3A_29 = arith.constant 128 : i32
    "tpu.region"() ({
      %run_scoped3A = tpu.sem_alloc : memref<!tpu.dma_semaphore, #tpu.memory_space<semaphore_mem>>
      %dma_start3A_163 = arith.constant 2048 : i32
      %dma_start3A_164 = tpu.memref_slice %arg3[%dma_start3A_163] : memref<16384xi32, #tpu.memory_space<hbm>> -> memref<2048xi32, #tpu.memory_space<hbm>>
      %dma_start3A_165 = arith.constant 2048 : i32
      %dma_start3A_166 = tpu.memref_slice %arg3[%dma_start3A_165] : memref<16384xi32, #tpu.memory_space<hbm>> -> memref<2048xi32, #tpu.memory_space<hbm>>
      tpu.enqueue_dma source(%dma_start3A_166 : memref<2048xi32, #tpu.memory_space<hbm>>) target(%arg8 : memref<2048xi32, #tpu.memory_space<vmem>>) target_semaphore(%run_scoped3A : memref<!tpu.dma_semaphore, #tpu.memory_space<semaphore_mem>>)
      %dma_wait3A_167 = arith.constant 2048 : i32
      %dma_wait3A_168 = tpu.memref_slice %arg3[%dma_wait3A_167] : memref<16384xi32, #tpu.memory_space<hbm>> -> memref<2048xi32, #tpu.memory_space<hbm>>
      %dma_wait3A_169 = arith.constant 2048 : i32
      %dma_wait3A_170 = tpu.memref_slice %arg3[%dma_wait3A_169] : memref<16384xi32, #tpu.memory_space<hbm>> -> memref<2048xi32, #tpu.memory_space<hbm>>
      tpu.wait_dma2 semaphore(%run_scoped3A : memref<!tpu.dma_semaphore, #tpu.memory_space<semaphore_mem>>) src(%dma_wait3A_170 : memref<2048xi32, #tpu.memory_space<hbm>>) dst(%arg8 : memref<2048xi32, #tpu.memory_space<vmem>>)
      tpu.yield
    }) : () -> ()
    %scan3A_30 = arith.constant 0 : i32
    %scan3A_31 = arith.constant 0 : i32
    %scan3A_32 = arith.constant 128 : i32
    %scan3A_33 = arith.addi %scan3A_31, %scan3A_32 : i32
    %scan3A_34 = arith.constant 1 : i32
    scf.for %scan3A_163 = %scan3A_31 to %scan3A_33 step %scan3A_34  : i32 {
      %mul3A_164 = arith.constant 16 : i32
      %mul3A_165 = arith.muli %scan3A_163, %mul3A_164 : i32
      %get3A_166 = arith.index_cast %mul3A_165 : i32 to index
      %get3A_167 = tpu.vector_load %arg8[%get3A_166] {strides = array<i32>} : memref<2048xi32, #tpu.memory_space<vmem>>, vector<16xi32>,
      %sub3A_168 = vector.broadcast %multiple_of3A : i32 to vector<16xi32>
      %sub3A_169 = arith.subi %get3A_167, %sub3A_168 : vector<16xi32>
      %ge3A_170 = arith.constant 999936 : i32
      %ge3A_171 = vector.broadcast %ge3A_170 : i32 to vector<16xi32>
      %ge3A_172 = arith.cmpi sge, %get3A_167, %ge3A_171 : vector<16xi32>
      %eq3A_173 = arith.constant 0 : i32
      %eq3A_174 = arith.cmpi eq, %add3A, %eq3A_173 : i32
      %and3A = vector.broadcast %eq3A_174 : i1 to vector<16xi1>
      %and3A_175 = arith.andi %ge3A_172, %and3A : vector<16xi1>
      %sub3A_176 = arith.constant 999936 : i32
      %sub3A_177 = vector.broadcast %sub3A_176 : i32 to vector<16xi32>
      %sub3A_178 = arith.subi %get3A_167, %sub3A_177 : vector<16xi32>
      %add3A_179 = arith.constant 31232 : i32
      %add3A_180 = vector.broadcast %add3A_179 : i32 to vector<16xi32>
      %add3A_181 = arith.addi %add3A_180, %sub3A_178 : vector<16xi32>
      %select_n3A_182 = arith.select %and3A_175, %add3A_181, %sub3A_169 : vector<16xi1>, vector<16xi32>
      %ge3A_183 = arith.constant 0 : i32
      %ge3A_184 = vector.broadcast %ge3A_183 : i32 to vector<16xi32>
      %ge3A_185 = arith.cmpi sge, %select_n3A_182, %ge3A_184 : vector<16xi32>
      %lt3A_186 = vector.broadcast %select_n3A : i32 to vector<16xi32>
      %lt3A_187 = arith.cmpi slt, %select_n3A_182, %lt3A_186 : vector<16xi32>
      %and3A_188 = arith.andi %ge3A_185, %lt3A_187 : vector<16xi1>
      %or3A = arith.ori %and3A_188, %and3A_175 : vector<16xi1>
      %shift_left3A_189 = arith.constant 4 : i32
      %shift_left3A_190 = vector.broadcast %shift_left3A_189 : i32 to vector<16xi32>
      %shift_left3A_191 = arith.shli %select_n3A_182, %shift_left3A_190 : vector<16xi32>
      %or3A_192 = arith.ori %shift_left3A_191, %iota3A : vector<16xi32>
      %jit3A_193 = arith.constant 2147483632 : i32
      %broadcast_in_dim3A_194 = vector.broadcast %jit3A_193 : i32 to vector<16xi32>
      %select_n3A_195 = arith.select %or3A, %or3A_192, %broadcast_in_dim3A_194 : vector<16xi1>, vector<16xi32>
      %add3A_196 = arith.constant 2048 : i32
      %add3A_197 = arith.addi %add3A_196, %mul3A_165 : i32
      %add3A_198 = vector.broadcast %add3A_197 : i32 to vector<16xi32>
      %add3A_199 = arith.addi %add3A_198, %iota3A : vector<16xi32>
      %jit3A_200 = arith.constant -1 : i32
      %broadcast_in_dim3A_201 = vector.broadcast %jit3A_200 : i32 to vector<16xi32>
      %select_n3A_202 = arith.select %or3A, %add3A_199, %broadcast_in_dim3A_201 : vector<16xi1>, vector<16xi32>
      %masked_sort3A = arith.constant dense<true> : vector<16xi1>
      %masked_sort3A_203 = arith.constant -2147483648 : i32
      %masked_sort3A_204 = vector.broadcast %masked_sort3A_203 : i32 to vector<16xi32>
      %masked_sort3A_205 = arith.xori %select_n3A_195, %masked_sort3A_204 : vector<16xi32>
      %masked_sort3A_206, %masked_sort3A_207, %masked_sort3A_208 = tpu.sort %masked_sort3A_205, %select_n3A_202 masked %masked_sort3A : (vector<16xi32>, vector<16xi32>, vector<16xi1>) -> (vector<16xi1>, vector<16xi32>, vector<16xi32>)
      %masked_sort3A_209 = arith.xori %masked_sort3A_207, %masked_sort3A_204 : vector<16xi32>
      %add3A_210 = arith.constant 1 : i32
      %add3A_211 = vector.broadcast %add3A_210 : i32 to vector<16xi32>
      %add3A_212 = arith.addi %iota3A, %add3A_211 : vector<16xi32>
      %min3A = arith.constant 15 : i32
      %min3A_213 = vector.broadcast %min3A : i32 to vector<16xi32>
      %min3A_214 = arith.minsi %add3A_212, %min3A_213 : vector<16xi32>
      %lt3A_215 = arith.constant 0 : i32
      %lt3A_216 = vector.broadcast %lt3A_215 : i32 to vector<16xi32>
      %lt3A_217 = arith.cmpi slt, %min3A_214, %lt3A_216 : vector<16xi32>
      %add3A_218 = arith.constant 16 : i32
      %add3A_219 = vector.broadcast %add3A_218 : i32 to vector<16xi32>
      %add3A_220 = arith.addi %min3A_214, %add3A_219 : vector<16xi32>
      %select_n3A_221 = arith.select %lt3A_217, %add3A_220, %min3A_214 : vector<16xi1>, vector<16xi32>
      %broadcast_in_dim3A_222 = vector.shape_cast %select_n3A_221 : vector<16xi32> to vector<16x1xi32>
      %gather3A = vector.shape_cast %broadcast_in_dim3A_222 : vector<16x1xi32> to vector<16xi32>
      %gather3A_223 = tpu.dynamic_gather %masked_sort3A_209[%gather3A] in [0] : vector<16xi32>, vector<16xi32> -> vector<16xi32>
      %shift_right_arithmetic3A_224 = arith.constant 4 : i32
      %shift_right_arithmetic3A_225 = vector.broadcast %shift_right_arithmetic3A_224 : i32 to vector<16xi32>
      %shift_right_arithmetic3A_226 = arith.shrsi %masked_sort3A_209, %shift_right_arithmetic3A_225 : vector<16xi32>
      %shift_right_arithmetic3A_227 = arith.constant 4 : i32
      %shift_right_arithmetic3A_228 = vector.broadcast %shift_right_arithmetic3A_227 : i32 to vector<16xi32>
      %shift_right_arithmetic3A_229 = arith.shrsi %gather3A_223, %shift_right_arithmetic3A_228 : vector<16xi32>
      %ne3A_230 = arith.cmpi ne, %shift_right_arithmetic3A_226, %shift_right_arithmetic3A_229 : vector<16xi32>
      %eq3A_231 = arith.constant 15 : i32
      %eq3A_232 = vector.broadcast %eq3A_231 : i32 to vector<16xi32>
      %eq3A_233 = arith.cmpi eq, %iota3A, %eq3A_232 : vector<16xi32>
      %or3A_234 = arith.ori %ne3A_230, %eq3A_233 : vector<16xi1>
      %ge3A_235 = arith.constant 0 : i32
      %ge3A_236 = vector.broadcast %ge3A_235 : i32 to vector<16xi32>
      %ge3A_237 = arith.cmpi sge, %masked_sort3A_208, %ge3A_236 : vector<16xi32>
      %and3A_238 = arith.andi %or3A_234, %ge3A_237 : vector<16xi1>
      %shift_right_arithmetic3A_239 = arith.constant 4 : i32
      %shift_right_arithmetic3A_240 = vector.broadcast %shift_right_arithmetic3A_239 : i32 to vector<16xi32>
      %shift_right_arithmetic3A_241 = arith.shrsi %masked_sort3A_209, %shift_right_arithmetic3A_240 : vector<16xi32>
      tpu.vector_store_idx %arg9[%shift_right_arithmetic3A_241], %masked_sort3A_208 masked %and3A_238 : memref<31744xi32, #tpu.memory_space<vmem>>[vector<16xi32>], vector<16xi32>, vector<16xi1>
    }
    %scan3A_35 = arith.constant 128 : i32
    "tpu.region"() ({
      %run_scoped3A = tpu.sem_alloc : memref<!tpu.dma_semaphore, #tpu.memory_space<semaphore_mem>>
      %dma_start3A_163 = arith.constant 4096 : i32
      %dma_start3A_164 = tpu.memref_slice %arg3[%dma_start3A_163] : memref<16384xi32, #tpu.memory_space<hbm>> -> memref<2048xi32, #tpu.memory_space<hbm>>
      %dma_start3A_165 = arith.constant 4096 : i32
      %dma_start3A_166 = tpu.memref_slice %arg3[%dma_start3A_165] : memref<16384xi32, #tpu.memory_space<hbm>> -> memref<2048xi32, #tpu.memory_space<hbm>>
      tpu.enqueue_dma source(%dma_start3A_166 : memref<2048xi32, #tpu.memory_space<hbm>>) target(%arg8 : memref<2048xi32, #tpu.memory_space<vmem>>) target_semaphore(%run_scoped3A : memref<!tpu.dma_semaphore, #tpu.memory_space<semaphore_mem>>)
      %dma_wait3A_167 = arith.constant 4096 : i32
      %dma_wait3A_168 = tpu.memref_slice %arg3[%dma_wait3A_167] : memref<16384xi32, #tpu.memory_space<hbm>> -> memref<2048xi32, #tpu.memory_space<hbm>>
      %dma_wait3A_169 = arith.constant 4096 : i32
      %dma_wait3A_170 = tpu.memref_slice %arg3[%dma_wait3A_169] : memref<16384xi32, #tpu.memory_space<hbm>> -> memref<2048xi32, #tpu.memory_space<hbm>>
      tpu.wait_dma2 semaphore(%run_scoped3A : memref<!tpu.dma_semaphore, #tpu.memory_space<semaphore_mem>>) src(%dma_wait3A_170 : memref<2048xi32, #tpu.memory_space<hbm>>) dst(%arg8 : memref<2048xi32, #tpu.memory_space<vmem>>)
      tpu.yield
    }) : () -> ()
    %scan3A_36 = arith.constant 0 : i32
    %scan3A_37 = arith.constant 0 : i32
    %scan3A_38 = arith.constant 128 : i32
    %scan3A_39 = arith.addi %scan3A_37, %scan3A_38 : i32
    %scan3A_40 = arith.constant 1 : i32
    scf.for %scan3A_163 = %scan3A_37 to %scan3A_39 step %scan3A_40  : i32 {
      %mul3A_164 = arith.constant 16 : i32
      %mul3A_165 = arith.muli %scan3A_163, %mul3A_164 : i32
      %get3A_166 = arith.index_cast %mul3A_165 : i32 to index
      %get3A_167 = tpu.vector_load %arg8[%get3A_166] {strides = array<i32>} : memref<2048xi32, #tpu.memory_space<vmem>>, vector<16xi32>,
      %sub3A_168 = vector.broadcast %multiple_of3A : i32 to vector<16xi32>
      %sub3A_169 = arith.subi %get3A_167, %sub3A_168 : vector<16xi32>
      %ge3A_170 = arith.constant 999936 : i32
      %ge3A_171 = vector.broadcast %ge3A_170 : i32 to vector<16xi32>
      %ge3A_172 = arith.cmpi sge, %get3A_167, %ge3A_171 : vector<16xi32>
      %eq3A_173 = arith.constant 0 : i32
      %eq3A_174 = arith.cmpi eq, %add3A, %eq3A_173 : i32
      %and3A = vector.broadcast %eq3A_174 : i1 to vector<16xi1>
      %and3A_175 = arith.andi %ge3A_172, %and3A : vector<16xi1>
      %sub3A_176 = arith.constant 999936 : i32
      %sub3A_177 = vector.broadcast %sub3A_176 : i32 to vector<16xi32>
      %sub3A_178 = arith.subi %get3A_167, %sub3A_177 : vector<16xi32>
      %add3A_179 = arith.constant 31232 : i32
      %add3A_180 = vector.broadcast %add3A_179 : i32 to vector<16xi32>
      %add3A_181 = arith.addi %add3A_180, %sub3A_178 : vector<16xi32>
      %select_n3A_182 = arith.select %and3A_175, %add3A_181, %sub3A_169 : vector<16xi1>, vector<16xi32>
      %ge3A_183 = arith.constant 0 : i32
      %ge3A_184 = vector.broadcast %ge3A_183 : i32 to vector<16xi32>
      %ge3A_185 = arith.cmpi sge, %select_n3A_182, %ge3A_184 : vector<16xi32>
      %lt3A_186 = vector.broadcast %select_n3A : i32 to vector<16xi32>
      %lt3A_187 = arith.cmpi slt, %select_n3A_182, %lt3A_186 : vector<16xi32>
      %and3A_188 = arith.andi %ge3A_185, %lt3A_187 : vector<16xi1>
      %or3A = arith.ori %and3A_188, %and3A_175 : vector<16xi1>
      %shift_left3A_189 = arith.constant 4 : i32
      %shift_left3A_190 = vector.broadcast %shift_left3A_189 : i32 to vector<16xi32>
      %shift_left3A_191 = arith.shli %select_n3A_182, %shift_left3A_190 : vector<16xi32>
      %or3A_192 = arith.ori %shift_left3A_191, %iota3A : vector<16xi32>
      %jit3A_193 = arith.constant 2147483632 : i32
      %broadcast_in_dim3A_194 = vector.broadcast %jit3A_193 : i32 to vector<16xi32>
      %select_n3A_195 = arith.select %or3A, %or3A_192, %broadcast_in_dim3A_194 : vector<16xi1>, vector<16xi32>
      %add3A_196 = arith.constant 4096 : i32
      %add3A_197 = arith.addi %add3A_196, %mul3A_165 : i32
      %add3A_198 = vector.broadcast %add3A_197 : i32 to vector<16xi32>
      %add3A_199 = arith.addi %add3A_198, %iota3A : vector<16xi32>
      %jit3A_200 = arith.constant -1 : i32
      %broadcast_in_dim3A_201 = vector.broadcast %jit3A_200 : i32 to vector<16xi32>
      %select_n3A_202 = arith.select %or3A, %add3A_199, %broadcast_in_dim3A_201 : vector<16xi1>, vector<16xi32>
      %masked_sort3A = arith.constant dense<true> : vector<16xi1>
      %masked_sort3A_203 = arith.constant -2147483648 : i32
      %masked_sort3A_204 = vector.broadcast %masked_sort3A_203 : i32 to vector<16xi32>
      %masked_sort3A_205 = arith.xori %select_n3A_195, %masked_sort3A_204 : vector<16xi32>
      %masked_sort3A_206, %masked_sort3A_207, %masked_sort3A_208 = tpu.sort %masked_sort3A_205, %select_n3A_202 masked %masked_sort3A : (vector<16xi32>, vector<16xi32>, vector<16xi1>) -> (vector<16xi1>, vector<16xi32>, vector<16xi32>)
      %masked_sort3A_209 = arith.xori %masked_sort3A_207, %masked_sort3A_204 : vector<16xi32>
      %add3A_210 = arith.constant 1 : i32
      %add3A_211 = vector.broadcast %add3A_210 : i32 to vector<16xi32>
      %add3A_212 = arith.addi %iota3A, %add3A_211 : vector<16xi32>
      %min3A = arith.constant 15 : i32
      %min3A_213 = vector.broadcast %min3A : i32 to vector<16xi32>
      %min3A_214 = arith.minsi %add3A_212, %min3A_213 : vector<16xi32>
      %lt3A_215 = arith.constant 0 : i32
      %lt3A_216 = vector.broadcast %lt3A_215 : i32 to vector<16xi32>
      %lt3A_217 = arith.cmpi slt, %min3A_214, %lt3A_216 : vector<16xi32>
      %add3A_218 = arith.constant 16 : i32
      %add3A_219 = vector.broadcast %add3A_218 : i32 to vector<16xi32>
      %add3A_220 = arith.addi %min3A_214, %add3A_219 : vector<16xi32>
      %select_n3A_221 = arith.select %lt3A_217, %add3A_220, %min3A_214 : vector<16xi1>, vector<16xi32>
      %broadcast_in_dim3A_222 = vector.shape_cast %select_n3A_221 : vector<16xi32> to vector<16x1xi32>
      %gather3A = vector.shape_cast %broadcast_in_dim3A_222 : vector<16x1xi32> to vector<16xi32>
      %gather3A_223 = tpu.dynamic_gather %masked_sort3A_209[%gather3A] in [0] : vector<16xi32>, vector<16xi32> -> vector<16xi32>
      %shift_right_arithmetic3A_224 = arith.constant 4 : i32
      %shift_right_arithmetic3A_225 = vector.broadcast %shift_right_arithmetic3A_224 : i32 to vector<16xi32>
      %shift_right_arithmetic3A_226 = arith.shrsi %masked_sort3A_209, %shift_right_arithmetic3A_225 : vector<16xi32>
      %shift_right_arithmetic3A_227 = arith.constant 4 : i32
      %shift_right_arithmetic3A_228 = vector.broadcast %shift_right_arithmetic3A_227 : i32 to vector<16xi32>
      %shift_right_arithmetic3A_229 = arith.shrsi %gather3A_223, %shift_right_arithmetic3A_228 : vector<16xi32>
      %ne3A_230 = arith.cmpi ne, %shift_right_arithmetic3A_226, %shift_right_arithmetic3A_229 : vector<16xi32>
      %eq3A_231 = arith.constant 15 : i32
      %eq3A_232 = vector.broadcast %eq3A_231 : i32 to vector<16xi32>
      %eq3A_233 = arith.cmpi eq, %iota3A, %eq3A_232 : vector<16xi32>
      %or3A_234 = arith.ori %ne3A_230, %eq3A_233 : vector<16xi1>
      %ge3A_235 = arith.constant 0 : i32
      %ge3A_236 = vector.broadcast %ge3A_235 : i32 to vector<16xi32>
      %ge3A_237 = arith.cmpi sge, %masked_sort3A_208, %ge3A_236 : vector<16xi32>
      %and3A_238 = arith.andi %or3A_234, %ge3A_237 : vector<16xi1>
      %shift_right_arithmetic3A_239 = arith.constant 4 : i32
      %shift_right_arithmetic3A_240 = vector.broadcast %shift_right_arithmetic3A_239 : i32 to vector<16xi32>
      %shift_right_arithmetic3A_241 = arith.shrsi %masked_sort3A_209, %shift_right_arithmetic3A_240 : vector<16xi32>
      tpu.vector_store_idx %arg9[%shift_right_arithmetic3A_241], %masked_sort3A_208 masked %and3A_238 : memref<31744xi32, #tpu.memory_space<vmem>>[vector<16xi32>], vector<16xi32>, vector<16xi1>
    }
    %scan3A_41 = arith.constant 128 : i32
    "tpu.region"() ({
      %run_scoped3A = tpu.sem_alloc : memref<!tpu.dma_semaphore, #tpu.memory_space<semaphore_mem>>
      %dma_start3A_163 = arith.constant 6144 : i32
      %dma_start3A_164 = tpu.memref_slice %arg3[%dma_start3A_163] : memref<16384xi32, #tpu.memory_space<hbm>> -> memref<2048xi32, #tpu.memory_space<hbm>>
      %dma_start3A_165 = arith.constant 6144 : i32
      %dma_start3A_166 = tpu.memref_slice %arg3[%dma_start3A_165] : memref<16384xi32, #tpu.memory_space<hbm>> -> memref<2048xi32, #tpu.memory_space<hbm>>
      tpu.enqueue_dma source(%dma_start3A_166 : memref<2048xi32, #tpu.memory_space<hbm>>) target(%arg8 : memref<2048xi32, #tpu.memory_space<vmem>>) target_semaphore(%run_scoped3A : memref<!tpu.dma_semaphore, #tpu.memory_space<semaphore_mem>>)
      %dma_wait3A_167 = arith.constant 6144 : i32
      %dma_wait3A_168 = tpu.memref_slice %arg3[%dma_wait3A_167] : memref<16384xi32, #tpu.memory_space<hbm>> -> memref<2048xi32, #tpu.memory_space<hbm>>
      %dma_wait3A_169 = arith.constant 6144 : i32
      %dma_wait3A_170 = tpu.memref_slice %arg3[%dma_wait3A_169] : memref<16384xi32, #tpu.memory_space<hbm>> -> memref<2048xi32, #tpu.memory_space<hbm>>
      tpu.wait_dma2 semaphore(%run_scoped3A : memref<!tpu.dma_semaphore, #tpu.memory_space<semaphore_mem>>) src(%dma_wait3A_170 : memref<2048xi32, #tpu.memory_space<hbm>>) dst(%arg8 : memref<2048xi32, #tpu.memory_space<vmem>>)
      tpu.yield
    }) : () -> ()
    %scan3A_42 = arith.constant 0 : i32
    %scan3A_43 = arith.constant 0 : i32
    %scan3A_44 = arith.constant 128 : i32
    %scan3A_45 = arith.addi %scan3A_43, %scan3A_44 : i32
    %scan3A_46 = arith.constant 1 : i32
    scf.for %scan3A_163 = %scan3A_43 to %scan3A_45 step %scan3A_46  : i32 {
      %mul3A_164 = arith.constant 16 : i32
      %mul3A_165 = arith.muli %scan3A_163, %mul3A_164 : i32
      %get3A_166 = arith.index_cast %mul3A_165 : i32 to index
      %get3A_167 = tpu.vector_load %arg8[%get3A_166] {strides = array<i32>} : memref<2048xi32, #tpu.memory_space<vmem>>, vector<16xi32>,
      %sub3A_168 = vector.broadcast %multiple_of3A : i32 to vector<16xi32>
      %sub3A_169 = arith.subi %get3A_167, %sub3A_168 : vector<16xi32>
      %ge3A_170 = arith.constant 999936 : i32
      %ge3A_171 = vector.broadcast %ge3A_170 : i32 to vector<16xi32>
      %ge3A_172 = arith.cmpi sge, %get3A_167, %ge3A_171 : vector<16xi32>
      %eq3A_173 = arith.constant 0 : i32
      %eq3A_174 = arith.cmpi eq, %add3A, %eq3A_173 : i32
      %and3A = vector.broadcast %eq3A_174 : i1 to vector<16xi1>
      %and3A_175 = arith.andi %ge3A_172, %and3A : vector<16xi1>
      %sub3A_176 = arith.constant 999936 : i32
      %sub3A_177 = vector.broadcast %sub3A_176 : i32 to vector<16xi32>
      %sub3A_178 = arith.subi %get3A_167, %sub3A_177 : vector<16xi32>
      %add3A_179 = arith.constant 31232 : i32
      %add3A_180 = vector.broadcast %add3A_179 : i32 to vector<16xi32>
      %add3A_181 = arith.addi %add3A_180, %sub3A_178 : vector<16xi32>
      %select_n3A_182 = arith.select %and3A_175, %add3A_181, %sub3A_169 : vector<16xi1>, vector<16xi32>
      %ge3A_183 = arith.constant 0 : i32
      %ge3A_184 = vector.broadcast %ge3A_183 : i32 to vector<16xi32>
      %ge3A_185 = arith.cmpi sge, %select_n3A_182, %ge3A_184 : vector<16xi32>
      %lt3A_186 = vector.broadcast %select_n3A : i32 to vector<16xi32>
      %lt3A_187 = arith.cmpi slt, %select_n3A_182, %lt3A_186 : vector<16xi32>
      %and3A_188 = arith.andi %ge3A_185, %lt3A_187 : vector<16xi1>
      %or3A = arith.ori %and3A_188, %and3A_175 : vector<16xi1>
      %shift_left3A_189 = arith.constant 4 : i32
      %shift_left3A_190 = vector.broadcast %shift_left3A_189 : i32 to vector<16xi32>
      %shift_left3A_191 = arith.shli %select_n3A_182, %shift_left3A_190 : vector<16xi32>
      %or3A_192 = arith.ori %shift_left3A_191, %iota3A : vector<16xi32>
      %jit3A_193 = arith.constant 2147483632 : i32
      %broadcast_in_dim3A_194 = vector.broadcast %jit3A_193 : i32 to vector<16xi32>
      %select_n3A_195 = arith.select %or3A, %or3A_192, %broadcast_in_dim3A_194 : vector<16xi1>, vector<16xi32>
      %add3A_196 = arith.constant 6144 : i32
      %add3A_197 = arith.addi %add3A_196, %mul3A_165 : i32
      %add3A_198 = vector.broadcast %add3A_197 : i32 to vector<16xi32>
      %add3A_199 = arith.addi %add3A_198, %iota3A : vector<16xi32>
      %jit3A_200 = arith.constant -1 : i32
      %broadcast_in_dim3A_201 = vector.broadcast %jit3A_200 : i32 to vector<16xi32>
      %select_n3A_202 = arith.select %or3A, %add3A_199, %broadcast_in_dim3A_201 : vector<16xi1>, vector<16xi32>
      %masked_sort3A = arith.constant dense<true> : vector<16xi1>
      %masked_sort3A_203 = arith.constant -2147483648 : i32
      %masked_sort3A_204 = vector.broadcast %masked_sort3A_203 : i32 to vector<16xi32>
      %masked_sort3A_205 = arith.xori %select_n3A_195, %masked_sort3A_204 : vector<16xi32>
      %masked_sort3A_206, %masked_sort3A_207, %masked_sort3A_208 = tpu.sort %masked_sort3A_205, %select_n3A_202 masked %masked_sort3A : (vector<16xi32>, vector<16xi32>, vector<16xi1>) -> (vector<16xi1>, vector<16xi32>, vector<16xi32>)
      %masked_sort3A_209 = arith.xori %masked_sort3A_207, %masked_sort3A_204 : vector<16xi32>
      %add3A_210 = arith.constant 1 : i32
      %add3A_211 = vector.broadcast %add3A_210 : i32 to vector<16xi32>
      %add3A_212 = arith.addi %iota3A, %add3A_211 : vector<16xi32>
      %min3A = arith.constant 15 : i32
      %min3A_213 = vector.broadcast %min3A : i32 to vector<16xi32>
      %min3A_214 = arith.minsi %add3A_212, %min3A_213 : vector<16xi32>
      %lt3A_215 = arith.constant 0 : i32
      %lt3A_216 = vector.broadcast %lt3A_215 : i32 to vector<16xi32>
      %lt3A_217 = arith.cmpi slt, %min3A_214, %lt3A_216 : vector<16xi32>
      %add3A_218 = arith.constant 16 : i32
      %add3A_219 = vector.broadcast %add3A_218 : i32 to vector<16xi32>
      %add3A_220 = arith.addi %min3A_214, %add3A_219 : vector<16xi32>
      %select_n3A_221 = arith.select %lt3A_217, %add3A_220, %min3A_214 : vector<16xi1>, vector<16xi32>
      %broadcast_in_dim3A_222 = vector.shape_cast %select_n3A_221 : vector<16xi32> to vector<16x1xi32>
      %gather3A = vector.shape_cast %broadcast_in_dim3A_222 : vector<16x1xi32> to vector<16xi32>
      %gather3A_223 = tpu.dynamic_gather %masked_sort3A_209[%gather3A] in [0] : vector<16xi32>, vector<16xi32> -> vector<16xi32>
      %shift_right_arithmetic3A_224 = arith.constant 4 : i32
      %shift_right_arithmetic3A_225 = vector.broadcast %shift_right_arithmetic3A_224 : i32 to vector<16xi32>
      %shift_right_arithmetic3A_226 = arith.shrsi %masked_sort3A_209, %shift_right_arithmetic3A_225 : vector<16xi32>
      %shift_right_arithmetic3A_227 = arith.constant 4 : i32
      %shift_right_arithmetic3A_228 = vector.broadcast %shift_right_arithmetic3A_227 : i32 to vector<16xi32>
      %shift_right_arithmetic3A_229 = arith.shrsi %gather3A_223, %shift_right_arithmetic3A_228 : vector<16xi32>
      %ne3A_230 = arith.cmpi ne, %shift_right_arithmetic3A_226, %shift_right_arithmetic3A_229 : vector<16xi32>
      %eq3A_231 = arith.constant 15 : i32
      %eq3A_232 = vector.broadcast %eq3A_231 : i32 to vector<16xi32>
      %eq3A_233 = arith.cmpi eq, %iota3A, %eq3A_232 : vector<16xi32>
      %or3A_234 = arith.ori %ne3A_230, %eq3A_233 : vector<16xi1>
      %ge3A_235 = arith.constant 0 : i32
      %ge3A_236 = vector.broadcast %ge3A_235 : i32 to vector<16xi32>
      %ge3A_237 = arith.cmpi sge, %masked_sort3A_208, %ge3A_236 : vector<16xi32>
      %and3A_238 = arith.andi %or3A_234, %ge3A_237 : vector<16xi1>
      %shift_right_arithmetic3A_239 = arith.constant 4 : i32
      %shift_right_arithmetic3A_240 = vector.broadcast %shift_right_arithmetic3A_239 : i32 to vector<16xi32>
      %shift_right_arithmetic3A_241 = arith.shrsi %masked_sort3A_209, %shift_right_arithmetic3A_240 : vector<16xi32>
      tpu.vector_store_idx %arg9[%shift_right_arithmetic3A_241], %masked_sort3A_208 masked %and3A_238 : memref<31744xi32, #tpu.memory_space<vmem>>[vector<16xi32>], vector<16xi32>, vector<16xi1>
    }
    %scan3A_47 = arith.constant 128 : i32
    "tpu.region"() ({
      %run_scoped3A = tpu.sem_alloc : memref<!tpu.dma_semaphore, #tpu.memory_space<semaphore_mem>>
      %dma_start3A_163 = arith.constant 8192 : i32
      %dma_start3A_164 = tpu.memref_slice %arg3[%dma_start3A_163] : memref<16384xi32, #tpu.memory_space<hbm>> -> memref<2048xi32, #tpu.memory_space<hbm>>
      %dma_start3A_165 = arith.constant 8192 : i32
      %dma_start3A_166 = tpu.memref_slice %arg3[%dma_start3A_165] : memref<16384xi32, #tpu.memory_space<hbm>> -> memref<2048xi32, #tpu.memory_space<hbm>>
      tpu.enqueue_dma source(%dma_start3A_166 : memref<2048xi32, #tpu.memory_space<hbm>>) target(%arg8 : memref<2048xi32, #tpu.memory_space<vmem>>) target_semaphore(%run_scoped3A : memref<!tpu.dma_semaphore, #tpu.memory_space<semaphore_mem>>)
      %dma_wait3A_167 = arith.constant 8192 : i32
      %dma_wait3A_168 = tpu.memref_slice %arg3[%dma_wait3A_167] : memref<16384xi32, #tpu.memory_space<hbm>> -> memref<2048xi32, #tpu.memory_space<hbm>>
      %dma_wait3A_169 = arith.constant 8192 : i32
      %dma_wait3A_170 = tpu.memref_slice %arg3[%dma_wait3A_169] : memref<16384xi32, #tpu.memory_space<hbm>> -> memref<2048xi32, #tpu.memory_space<hbm>>
      tpu.wait_dma2 semaphore(%run_scoped3A : memref<!tpu.dma_semaphore, #tpu.memory_space<semaphore_mem>>) src(%dma_wait3A_170 : memref<2048xi32, #tpu.memory_space<hbm>>) dst(%arg8 : memref<2048xi32, #tpu.memory_space<vmem>>)
      tpu.yield
    }) : () -> ()
    %scan3A_48 = arith.constant 0 : i32
    %scan3A_49 = arith.constant 0 : i32
    %scan3A_50 = arith.constant 128 : i32
    %scan3A_51 = arith.addi %scan3A_49, %scan3A_50 : i32
    %scan3A_52 = arith.constant 1 : i32
    scf.for %scan3A_163 = %scan3A_49 to %scan3A_51 step %scan3A_52  : i32 {
      %mul3A_164 = arith.constant 16 : i32
      %mul3A_165 = arith.muli %scan3A_163, %mul3A_164 : i32
      %get3A_166 = arith.index_cast %mul3A_165 : i32 to index
      %get3A_167 = tpu.vector_load %arg8[%get3A_166] {strides = array<i32>} : memref<2048xi32, #tpu.memory_space<vmem>>, vector<16xi32>,
      %sub3A_168 = vector.broadcast %multiple_of3A : i32 to vector<16xi32>
      %sub3A_169 = arith.subi %get3A_167, %sub3A_168 : vector<16xi32>
      %ge3A_170 = arith.constant 999936 : i32
      %ge3A_171 = vector.broadcast %ge3A_170 : i32 to vector<16xi32>
      %ge3A_172 = arith.cmpi sge, %get3A_167, %ge3A_171 : vector<16xi32>
      %eq3A_173 = arith.constant 0 : i32
      %eq3A_174 = arith.cmpi eq, %add3A, %eq3A_173 : i32
      %and3A = vector.broadcast %eq3A_174 : i1 to vector<16xi1>
      %and3A_175 = arith.andi %ge3A_172, %and3A : vector<16xi1>
      %sub3A_176 = arith.constant 999936 : i32
      %sub3A_177 = vector.broadcast %sub3A_176 : i32 to vector<16xi32>
      %sub3A_178 = arith.subi %get3A_167, %sub3A_177 : vector<16xi32>
      %add3A_179 = arith.constant 31232 : i32
      %add3A_180 = vector.broadcast %add3A_179 : i32 to vector<16xi32>
      %add3A_181 = arith.addi %add3A_180, %sub3A_178 : vector<16xi32>
      %select_n3A_182 = arith.select %and3A_175, %add3A_181, %sub3A_169 : vector<16xi1>, vector<16xi32>
      %ge3A_183 = arith.constant 0 : i32
      %ge3A_184 = vector.broadcast %ge3A_183 : i32 to vector<16xi32>
      %ge3A_185 = arith.cmpi sge, %select_n3A_182, %ge3A_184 : vector<16xi32>
      %lt3A_186 = vector.broadcast %select_n3A : i32 to vector<16xi32>
      %lt3A_187 = arith.cmpi slt, %select_n3A_182, %lt3A_186 : vector<16xi32>
      %and3A_188 = arith.andi %ge3A_185, %lt3A_187 : vector<16xi1>
      %or3A = arith.ori %and3A_188, %and3A_175 : vector<16xi1>
      %shift_left3A_189 = arith.constant 4 : i32
      %shift_left3A_190 = vector.broadcast %shift_left3A_189 : i32 to vector<16xi32>
      %shift_left3A_191 = arith.shli %select_n3A_182, %shift_left3A_190 : vector<16xi32>
      %or3A_192 = arith.ori %shift_left3A_191, %iota3A : vector<16xi32>
      %jit3A_193 = arith.constant 2147483632 : i32
      %broadcast_in_dim3A_194 = vector.broadcast %jit3A_193 : i32 to vector<16xi32>
      %select_n3A_195 = arith.select %or3A, %or3A_192, %broadcast_in_dim3A_194 : vector<16xi1>, vector<16xi32>
      %add3A_196 = arith.constant 8192 : i32
      %add3A_197 = arith.addi %add3A_196, %mul3A_165 : i32
      %add3A_198 = vector.broadcast %add3A_197 : i32 to vector<16xi32>
      %add3A_199 = arith.addi %add3A_198, %iota3A : vector<16xi32>
      %jit3A_200 = arith.constant -1 : i32
      %broadcast_in_dim3A_201 = vector.broadcast %jit3A_200 : i32 to vector<16xi32>
      %select_n3A_202 = arith.select %or3A, %add3A_199, %broadcast_in_dim3A_201 : vector<16xi1>, vector<16xi32>
      %masked_sort3A = arith.constant dense<true> : vector<16xi1>
      %masked_sort3A_203 = arith.constant -2147483648 : i32
      %masked_sort3A_204 = vector.broadcast %masked_sort3A_203 : i32 to vector<16xi32>
      %masked_sort3A_205 = arith.xori %select_n3A_195, %masked_sort3A_204 : vector<16xi32>
      %masked_sort3A_206, %masked_sort3A_207, %masked_sort3A_208 = tpu.sort %masked_sort3A_205, %select_n3A_202 masked %masked_sort3A : (vector<16xi32>, vector<16xi32>, vector<16xi1>) -> (vector<16xi1>, vector<16xi32>, vector<16xi32>)
      %masked_sort3A_209 = arith.xori %masked_sort3A_207, %masked_sort3A_204 : vector<16xi32>
      %add3A_210 = arith.constant 1 : i32
      %add3A_211 = vector.broadcast %add3A_210 : i32 to vector<16xi32>
      %add3A_212 = arith.addi %iota3A, %add3A_211 : vector<16xi32>
      %min3A = arith.constant 15 : i32
      %min3A_213 = vector.broadcast %min3A : i32 to vector<16xi32>
      %min3A_214 = arith.minsi %add3A_212, %min3A_213 : vector<16xi32>
      %lt3A_215 = arith.constant 0 : i32
      %lt3A_216 = vector.broadcast %lt3A_215 : i32 to vector<16xi32>
      %lt3A_217 = arith.cmpi slt, %min3A_214, %lt3A_216 : vector<16xi32>
      %add3A_218 = arith.constant 16 : i32
      %add3A_219 = vector.broadcast %add3A_218 : i32 to vector<16xi32>
      %add3A_220 = arith.addi %min3A_214, %add3A_219 : vector<16xi32>
      %select_n3A_221 = arith.select %lt3A_217, %add3A_220, %min3A_214 : vector<16xi1>, vector<16xi32>
      %broadcast_in_dim3A_222 = vector.shape_cast %select_n3A_221 : vector<16xi32> to vector<16x1xi32>
      %gather3A = vector.shape_cast %broadcast_in_dim3A_222 : vector<16x1xi32> to vector<16xi32>
      %gather3A_223 = tpu.dynamic_gather %masked_sort3A_209[%gather3A] in [0] : vector<16xi32>, vector<16xi32> -> vector<16xi32>
      %shift_right_arithmetic3A_224 = arith.constant 4 : i32
      %shift_right_arithmetic3A_225 = vector.broadcast %shift_right_arithmetic3A_224 : i32 to vector<16xi32>
      %shift_right_arithmetic3A_226 = arith.shrsi %masked_sort3A_209, %shift_right_arithmetic3A_225 : vector<16xi32>
      %shift_right_arithmetic3A_227 = arith.constant 4 : i32
      %shift_right_arithmetic3A_228 = vector.broadcast %shift_right_arithmetic3A_227 : i32 to vector<16xi32>
      %shift_right_arithmetic3A_229 = arith.shrsi %gather3A_223, %shift_right_arithmetic3A_228 : vector<16xi32>
      %ne3A_230 = arith.cmpi ne, %shift_right_arithmetic3A_226, %shift_right_arithmetic3A_229 : vector<16xi32>
      %eq3A_231 = arith.constant 15 : i32
      %eq3A_232 = vector.broadcast %eq3A_231 : i32 to vector<16xi32>
      %eq3A_233 = arith.cmpi eq, %iota3A, %eq3A_232 : vector<16xi32>
      %or3A_234 = arith.ori %ne3A_230, %eq3A_233 : vector<16xi1>
      %ge3A_235 = arith.constant 0 : i32
      %ge3A_236 = vector.broadcast %ge3A_235 : i32 to vector<16xi32>
      %ge3A_237 = arith.cmpi sge, %masked_sort3A_208, %ge3A_236 : vector<16xi32>
      %and3A_238 = arith.andi %or3A_234, %ge3A_237 : vector<16xi1>
      %shift_right_arithmetic3A_239 = arith.constant 4 : i32
      %shift_right_arithmetic3A_240 = vector.broadcast %shift_right_arithmetic3A_239 : i32 to vector<16xi32>
      %shift_right_arithmetic3A_241 = arith.shrsi %masked_sort3A_209, %shift_right_arithmetic3A_240 : vector<16xi32>
      tpu.vector_store_idx %arg9[%shift_right_arithmetic3A_241], %masked_sort3A_208 masked %and3A_238 : memref<31744xi32, #tpu.memory_space<vmem>>[vector<16xi32>], vector<16xi32>, vector<16xi1>
    }
    %scan3A_53 = arith.constant 128 : i32
    "tpu.region"() ({
      %run_scoped3A = tpu.sem_alloc : memref<!tpu.dma_semaphore, #tpu.memory_space<semaphore_mem>>
      %dma_start3A_163 = arith.constant 10240 : i32
      %dma_start3A_164 = tpu.memref_slice %arg3[%dma_start3A_163] : memref<16384xi32, #tpu.memory_space<hbm>> -> memref<2048xi32, #tpu.memory_space<hbm>>
      %dma_start3A_165 = arith.constant 10240 : i32
      %dma_start3A_166 = tpu.memref_slice %arg3[%dma_start3A_165] : memref<16384xi32, #tpu.memory_space<hbm>> -> memref<2048xi32, #tpu.memory_space<hbm>>
      tpu.enqueue_dma source(%dma_start3A_166 : memref<2048xi32, #tpu.memory_space<hbm>>) target(%arg8 : memref<2048xi32, #tpu.memory_space<vmem>>) target_semaphore(%run_scoped3A : memref<!tpu.dma_semaphore, #tpu.memory_space<semaphore_mem>>)
      %dma_wait3A_167 = arith.constant 10240 : i32
      %dma_wait3A_168 = tpu.memref_slice %arg3[%dma_wait3A_167] : memref<16384xi32, #tpu.memory_space<hbm>> -> memref<2048xi32, #tpu.memory_space<hbm>>
      %dma_wait3A_169 = arith.constant 10240 : i32
      %dma_wait3A_170 = tpu.memref_slice %arg3[%dma_wait3A_169] : memref<16384xi32, #tpu.memory_space<hbm>> -> memref<2048xi32, #tpu.memory_space<hbm>>
      tpu.wait_dma2 semaphore(%run_scoped3A : memref<!tpu.dma_semaphore, #tpu.memory_space<semaphore_mem>>) src(%dma_wait3A_170 : memref<2048xi32, #tpu.memory_space<hbm>>) dst(%arg8 : memref<2048xi32, #tpu.memory_space<vmem>>)
      tpu.yield
    }) : () -> ()
    %scan3A_54 = arith.constant 0 : i32
    %scan3A_55 = arith.constant 0 : i32
    %scan3A_56 = arith.constant 128 : i32
    %scan3A_57 = arith.addi %scan3A_55, %scan3A_56 : i32
    %scan3A_58 = arith.constant 1 : i32
    scf.for %scan3A_163 = %scan3A_55 to %scan3A_57 step %scan3A_58  : i32 {
      %mul3A_164 = arith.constant 16 : i32
      %mul3A_165 = arith.muli %scan3A_163, %mul3A_164 : i32
      %get3A_166 = arith.index_cast %mul3A_165 : i32 to index
      %get3A_167 = tpu.vector_load %arg8[%get3A_166] {strides = array<i32>} : memref<2048xi32, #tpu.memory_space<vmem>>, vector<16xi32>,
      %sub3A_168 = vector.broadcast %multiple_of3A : i32 to vector<16xi32>
      %sub3A_169 = arith.subi %get3A_167, %sub3A_168 : vector<16xi32>
      %ge3A_170 = arith.constant 999936 : i32
      %ge3A_171 = vector.broadcast %ge3A_170 : i32 to vector<16xi32>
      %ge3A_172 = arith.cmpi sge, %get3A_167, %ge3A_171 : vector<16xi32>
      %eq3A_173 = arith.constant 0 : i32
      %eq3A_174 = arith.cmpi eq, %add3A, %eq3A_173 : i32
      %and3A = vector.broadcast %eq3A_174 : i1 to vector<16xi1>
      %and3A_175 = arith.andi %ge3A_172, %and3A : vector<16xi1>
      %sub3A_176 = arith.constant 999936 : i32
      %sub3A_177 = vector.broadcast %sub3A_176 : i32 to vector<16xi32>
      %sub3A_178 = arith.subi %get3A_167, %sub3A_177 : vector<16xi32>
      %add3A_179 = arith.constant 31232 : i32
      %add3A_180 = vector.broadcast %add3A_179 : i32 to vector<16xi32>
      %add3A_181 = arith.addi %add3A_180, %sub3A_178 : vector<16xi32>
      %select_n3A_182 = arith.select %and3A_175, %add3A_181, %sub3A_169 : vector<16xi1>, vector<16xi32>
      %ge3A_183 = arith.constant 0 : i32
      %ge3A_184 = vector.broadcast %ge3A_183 : i32 to vector<16xi32>
      %ge3A_185 = arith.cmpi sge, %select_n3A_182, %ge3A_184 : vector<16xi32>
      %lt3A_186 = vector.broadcast %select_n3A : i32 to vector<16xi32>
      %lt3A_187 = arith.cmpi slt, %select_n3A_182, %lt3A_186 : vector<16xi32>
      %and3A_188 = arith.andi %ge3A_185, %lt3A_187 : vector<16xi1>
      %or3A = arith.ori %and3A_188, %and3A_175 : vector<16xi1>
      %shift_left3A_189 = arith.constant 4 : i32
      %shift_left3A_190 = vector.broadcast %shift_left3A_189 : i32 to vector<16xi32>
      %shift_left3A_191 = arith.shli %select_n3A_182, %shift_left3A_190 : vector<16xi32>
      %or3A_192 = arith.ori %shift_left3A_191, %iota3A : vector<16xi32>
      %jit3A_193 = arith.constant 2147483632 : i32
      %broadcast_in_dim3A_194 = vector.broadcast %jit3A_193 : i32 to vector<16xi32>
      %select_n3A_195 = arith.select %or3A, %or3A_192, %broadcast_in_dim3A_194 : vector<16xi1>, vector<16xi32>
      %add3A_196 = arith.constant 10240 : i32
      %add3A_197 = arith.addi %add3A_196, %mul3A_165 : i32
      %add3A_198 = vector.broadcast %add3A_197 : i32 to vector<16xi32>
      %add3A_199 = arith.addi %add3A_198, %iota3A : vector<16xi32>
      %jit3A_200 = arith.constant -1 : i32
      %broadcast_in_dim3A_201 = vector.broadcast %jit3A_200 : i32 to vector<16xi32>
      %select_n3A_202 = arith.select %or3A, %add3A_199, %broadcast_in_dim3A_201 : vector<16xi1>, vector<16xi32>
      %masked_sort3A = arith.constant dense<true> : vector<16xi1>
      %masked_sort3A_203 = arith.constant -2147483648 : i32
      %masked_sort3A_204 = vector.broadcast %masked_sort3A_203 : i32 to vector<16xi32>
      %masked_sort3A_205 = arith.xori %select_n3A_195, %masked_sort3A_204 : vector<16xi32>
      %masked_sort3A_206, %masked_sort3A_207, %masked_sort3A_208 = tpu.sort %masked_sort3A_205, %select_n3A_202 masked %masked_sort3A : (vector<16xi32>, vector<16xi32>, vector<16xi1>) -> (vector<16xi1>, vector<16xi32>, vector<16xi32>)
      %masked_sort3A_209 = arith.xori %masked_sort3A_207, %masked_sort3A_204 : vector<16xi32>
      %add3A_210 = arith.constant 1 : i32
      %add3A_211 = vector.broadcast %add3A_210 : i32 to vector<16xi32>
      %add3A_212 = arith.addi %iota3A, %add3A_211 : vector<16xi32>
      %min3A = arith.constant 15 : i32
      %min3A_213 = vector.broadcast %min3A : i32 to vector<16xi32>
      %min3A_214 = arith.minsi %add3A_212, %min3A_213 : vector<16xi32>
      %lt3A_215 = arith.constant 0 : i32
      %lt3A_216 = vector.broadcast %lt3A_215 : i32 to vector<16xi32>
      %lt3A_217 = arith.cmpi slt, %min3A_214, %lt3A_216 : vector<16xi32>
      %add3A_218 = arith.constant 16 : i32
      %add3A_219 = vector.broadcast %add3A_218 : i32 to vector<16xi32>
      %add3A_220 = arith.addi %min3A_214, %add3A_219 : vector<16xi32>
      %select_n3A_221 = arith.select %lt3A_217, %add3A_220, %min3A_214 : vector<16xi1>, vector<16xi32>
      %broadcast_in_dim3A_222 = vector.shape_cast %select_n3A_221 : vector<16xi32> to vector<16x1xi32>
      %gather3A = vector.shape_cast %broadcast_in_dim3A_222 : vector<16x1xi32> to vector<16xi32>
      %gather3A_223 = tpu.dynamic_gather %masked_sort3A_209[%gather3A] in [0] : vector<16xi32>, vector<16xi32> -> vector<16xi32>
      %shift_right_arithmetic3A_224 = arith.constant 4 : i32
      %shift_right_arithmetic3A_225 = vector.broadcast %shift_right_arithmetic3A_224 : i32 to vector<16xi32>
      %shift_right_arithmetic3A_226 = arith.shrsi %masked_sort3A_209, %shift_right_arithmetic3A_225 : vector<16xi32>
      %shift_right_arithmetic3A_227 = arith.constant 4 : i32
      %shift_right_arithmetic3A_228 = vector.broadcast %shift_right_arithmetic3A_227 : i32 to vector<16xi32>
      %shift_right_arithmetic3A_229 = arith.shrsi %gather3A_223, %shift_right_arithmetic3A_228 : vector<16xi32>
      %ne3A_230 = arith.cmpi ne, %shift_right_arithmetic3A_226, %shift_right_arithmetic3A_229 : vector<16xi32>
      %eq3A_231 = arith.constant 15 : i32
      %eq3A_232 = vector.broadcast %eq3A_231 : i32 to vector<16xi32>
      %eq3A_233 = arith.cmpi eq, %iota3A, %eq3A_232 : vector<16xi32>
      %or3A_234 = arith.ori %ne3A_230, %eq3A_233 : vector<16xi1>
      %ge3A_235 = arith.constant 0 : i32
      %ge3A_236 = vector.broadcast %ge3A_235 : i32 to vector<16xi32>
      %ge3A_237 = arith.cmpi sge, %masked_sort3A_208, %ge3A_236 : vector<16xi32>
      %and3A_238 = arith.andi %or3A_234, %ge3A_237 : vector<16xi1>
      %shift_right_arithmetic3A_239 = arith.constant 4 : i32
      %shift_right_arithmetic3A_240 = vector.broadcast %shift_right_arithmetic3A_239 : i32 to vector<16xi32>
      %shift_right_arithmetic3A_241 = arith.shrsi %masked_sort3A_209, %shift_right_arithmetic3A_240 : vector<16xi32>
      tpu.vector_store_idx %arg9[%shift_right_arithmetic3A_241], %masked_sort3A_208 masked %and3A_238 : memref<31744xi32, #tpu.memory_space<vmem>>[vector<16xi32>], vector<16xi32>, vector<16xi1>
    }
    %scan3A_59 = arith.constant 128 : i32
    "tpu.region"() ({
      %run_scoped3A = tpu.sem_alloc : memref<!tpu.dma_semaphore, #tpu.memory_space<semaphore_mem>>
      %dma_start3A_163 = arith.constant 12288 : i32
      %dma_start3A_164 = tpu.memref_slice %arg3[%dma_start3A_163] : memref<16384xi32, #tpu.memory_space<hbm>> -> memref<2048xi32, #tpu.memory_space<hbm>>
      %dma_start3A_165 = arith.constant 12288 : i32
      %dma_start3A_166 = tpu.memref_slice %arg3[%dma_start3A_165] : memref<16384xi32, #tpu.memory_space<hbm>> -> memref<2048xi32, #tpu.memory_space<hbm>>
      tpu.enqueue_dma source(%dma_start3A_166 : memref<2048xi32, #tpu.memory_space<hbm>>) target(%arg8 : memref<2048xi32, #tpu.memory_space<vmem>>) target_semaphore(%run_scoped3A : memref<!tpu.dma_semaphore, #tpu.memory_space<semaphore_mem>>)
      %dma_wait3A_167 = arith.constant 12288 : i32
      %dma_wait3A_168 = tpu.memref_slice %arg3[%dma_wait3A_167] : memref<16384xi32, #tpu.memory_space<hbm>> -> memref<2048xi32, #tpu.memory_space<hbm>>
      %dma_wait3A_169 = arith.constant 12288 : i32
      %dma_wait3A_170 = tpu.memref_slice %arg3[%dma_wait3A_169] : memref<16384xi32, #tpu.memory_space<hbm>> -> memref<2048xi32, #tpu.memory_space<hbm>>
      tpu.wait_dma2 semaphore(%run_scoped3A : memref<!tpu.dma_semaphore, #tpu.memory_space<semaphore_mem>>) src(%dma_wait3A_170 : memref<2048xi32, #tpu.memory_space<hbm>>) dst(%arg8 : memref<2048xi32, #tpu.memory_space<vmem>>)
      tpu.yield
    }) : () -> ()
    %scan3A_60 = arith.constant 0 : i32
    %scan3A_61 = arith.constant 0 : i32
    %scan3A_62 = arith.constant 128 : i32
    %scan3A_63 = arith.addi %scan3A_61, %scan3A_62 : i32
    %scan3A_64 = arith.constant 1 : i32
    scf.for %scan3A_163 = %scan3A_61 to %scan3A_63 step %scan3A_64  : i32 {
      %mul3A_164 = arith.constant 16 : i32
      %mul3A_165 = arith.muli %scan3A_163, %mul3A_164 : i32
      %get3A_166 = arith.index_cast %mul3A_165 : i32 to index
      %get3A_167 = tpu.vector_load %arg8[%get3A_166] {strides = array<i32>} : memref<2048xi32, #tpu.memory_space<vmem>>, vector<16xi32>,
      %sub3A_168 = vector.broadcast %multiple_of3A : i32 to vector<16xi32>
      %sub3A_169 = arith.subi %get3A_167, %sub3A_168 : vector<16xi32>
      %ge3A_170 = arith.constant 999936 : i32
      %ge3A_171 = vector.broadcast %ge3A_170 : i32 to vector<16xi32>
      %ge3A_172 = arith.cmpi sge, %get3A_167, %ge3A_171 : vector<16xi32>
      %eq3A_173 = arith.constant 0 : i32
      %eq3A_174 = arith.cmpi eq, %add3A, %eq3A_173 : i32
      %and3A = vector.broadcast %eq3A_174 : i1 to vector<16xi1>
      %and3A_175 = arith.andi %ge3A_172, %and3A : vector<16xi1>
      %sub3A_176 = arith.constant 999936 : i32
      %sub3A_177 = vector.broadcast %sub3A_176 : i32 to vector<16xi32>
      %sub3A_178 = arith.subi %get3A_167, %sub3A_177 : vector<16xi32>
      %add3A_179 = arith.constant 31232 : i32
      %add3A_180 = vector.broadcast %add3A_179 : i32 to vector<16xi32>
      %add3A_181 = arith.addi %add3A_180, %sub3A_178 : vector<16xi32>
      %select_n3A_182 = arith.select %and3A_175, %add3A_181, %sub3A_169 : vector<16xi1>, vector<16xi32>
      %ge3A_183 = arith.constant 0 : i32
      %ge3A_184 = vector.broadcast %ge3A_183 : i32 to vector<16xi32>
      %ge3A_185 = arith.cmpi sge, %select_n3A_182, %ge3A_184 : vector<16xi32>
      %lt3A_186 = vector.broadcast %select_n3A : i32 to vector<16xi32>
      %lt3A_187 = arith.cmpi slt, %select_n3A_182, %lt3A_186 : vector<16xi32>
      %and3A_188 = arith.andi %ge3A_185, %lt3A_187 : vector<16xi1>
      %or3A = arith.ori %and3A_188, %and3A_175 : vector<16xi1>
      %shift_left3A_189 = arith.constant 4 : i32
      %shift_left3A_190 = vector.broadcast %shift_left3A_189 : i32 to vector<16xi32>
      %shift_left3A_191 = arith.shli %select_n3A_182, %shift_left3A_190 : vector<16xi32>
      %or3A_192 = arith.ori %shift_left3A_191, %iota3A : vector<16xi32>
      %jit3A_193 = arith.constant 2147483632 : i32
      %broadcast_in_dim3A_194 = vector.broadcast %jit3A_193 : i32 to vector<16xi32>
      %select_n3A_195 = arith.select %or3A, %or3A_192, %broadcast_in_dim3A_194 : vector<16xi1>, vector<16xi32>
      %add3A_196 = arith.constant 12288 : i32
      %add3A_197 = arith.addi %add3A_196, %mul3A_165 : i32
      %add3A_198 = vector.broadcast %add3A_197 : i32 to vector<16xi32>
      %add3A_199 = arith.addi %add3A_198, %iota3A : vector<16xi32>
      %jit3A_200 = arith.constant -1 : i32
      %broadcast_in_dim3A_201 = vector.broadcast %jit3A_200 : i32 to vector<16xi32>
      %select_n3A_202 = arith.select %or3A, %add3A_199, %broadcast_in_dim3A_201 : vector<16xi1>, vector<16xi32>
      %masked_sort3A = arith.constant dense<true> : vector<16xi1>
      %masked_sort3A_203 = arith.constant -2147483648 : i32
      %masked_sort3A_204 = vector.broadcast %masked_sort3A_203 : i32 to vector<16xi32>
      %masked_sort3A_205 = arith.xori %select_n3A_195, %masked_sort3A_204 : vector<16xi32>
      %masked_sort3A_206, %masked_sort3A_207, %masked_sort3A_208 = tpu.sort %masked_sort3A_205, %select_n3A_202 masked %masked_sort3A : (vector<16xi32>, vector<16xi32>, vector<16xi1>) -> (vector<16xi1>, vector<16xi32>, vector<16xi32>)
      %masked_sort3A_209 = arith.xori %masked_sort3A_207, %masked_sort3A_204 : vector<16xi32>
      %add3A_210 = arith.constant 1 : i32
      %add3A_211 = vector.broadcast %add3A_210 : i32 to vector<16xi32>
      %add3A_212 = arith.addi %iota3A, %add3A_211 : vector<16xi32>
      %min3A = arith.constant 15 : i32
      %min3A_213 = vector.broadcast %min3A : i32 to vector<16xi32>
      %min3A_214 = arith.minsi %add3A_212, %min3A_213 : vector<16xi32>
      %lt3A_215 = arith.constant 0 : i32
      %lt3A_216 = vector.broadcast %lt3A_215 : i32 to vector<16xi32>
      %lt3A_217 = arith.cmpi slt, %min3A_214, %lt3A_216 : vector<16xi32>
      %add3A_218 = arith.constant 16 : i32
      %add3A_219 = vector.broadcast %add3A_218 : i32 to vector<16xi32>
      %add3A_220 = arith.addi %min3A_214, %add3A_219 : vector<16xi32>
      %select_n3A_221 = arith.select %lt3A_217, %add3A_220, %min3A_214 : vector<16xi1>, vector<16xi32>
      %broadcast_in_dim3A_222 = vector.shape_cast %select_n3A_221 : vector<16xi32> to vector<16x1xi32>
      %gather3A = vector.shape_cast %broadcast_in_dim3A_222 : vector<16x1xi32> to vector<16xi32>
      %gather3A_223 = tpu.dynamic_gather %masked_sort3A_209[%gather3A] in [0] : vector<16xi32>, vector<16xi32> -> vector<16xi32>
      %shift_right_arithmetic3A_224 = arith.constant 4 : i32
      %shift_right_arithmetic3A_225 = vector.broadcast %shift_right_arithmetic3A_224 : i32 to vector<16xi32>
      %shift_right_arithmetic3A_226 = arith.shrsi %masked_sort3A_209, %shift_right_arithmetic3A_225 : vector<16xi32>
      %shift_right_arithmetic3A_227 = arith.constant 4 : i32
      %shift_right_arithmetic3A_228 = vector.broadcast %shift_right_arithmetic3A_227 : i32 to vector<16xi32>
      %shift_right_arithmetic3A_229 = arith.shrsi %gather3A_223, %shift_right_arithmetic3A_228 : vector<16xi32>
      %ne3A_230 = arith.cmpi ne, %shift_right_arithmetic3A_226, %shift_right_arithmetic3A_229 : vector<16xi32>
      %eq3A_231 = arith.constant 15 : i32
      %eq3A_232 = vector.broadcast %eq3A_231 : i32 to vector<16xi32>
      %eq3A_233 = arith.cmpi eq, %iota3A, %eq3A_232 : vector<16xi32>
      %or3A_234 = arith.ori %ne3A_230, %eq3A_233 : vector<16xi1>
      %ge3A_235 = arith.constant 0 : i32
      %ge3A_236 = vector.broadcast %ge3A_235 : i32 to vector<16xi32>
      %ge3A_237 = arith.cmpi sge, %masked_sort3A_208, %ge3A_236 : vector<16xi32>
      %and3A_238 = arith.andi %or3A_234, %ge3A_237 : vector<16xi1>
      %shift_right_arithmetic3A_239 = arith.constant 4 : i32
      %shift_right_arithmetic3A_240 = vector.broadcast %shift_right_arithmetic3A_239 : i32 to vector<16xi32>
      %shift_right_arithmetic3A_241 = arith.shrsi %masked_sort3A_209, %shift_right_arithmetic3A_240 : vector<16xi32>
      tpu.vector_store_idx %arg9[%shift_right_arithmetic3A_241], %masked_sort3A_208 masked %and3A_238 : memref<31744xi32, #tpu.memory_space<vmem>>[vector<16xi32>], vector<16xi32>, vector<16xi1>
    }
    %scan3A_65 = arith.constant 128 : i32
    "tpu.region"() ({
      %run_scoped3A = tpu.sem_alloc : memref<!tpu.dma_semaphore, #tpu.memory_space<semaphore_mem>>
      %dma_start3A_163 = arith.constant 14336 : i32
      %dma_start3A_164 = tpu.memref_slice %arg3[%dma_start3A_163] : memref<16384xi32, #tpu.memory_space<hbm>> -> memref<2048xi32, #tpu.memory_space<hbm>>
      %dma_start3A_165 = arith.constant 14336 : i32
      %dma_start3A_166 = tpu.memref_slice %arg3[%dma_start3A_165] : memref<16384xi32, #tpu.memory_space<hbm>> -> memref<2048xi32, #tpu.memory_space<hbm>>
      tpu.enqueue_dma source(%dma_start3A_166 : memref<2048xi32, #tpu.memory_space<hbm>>) target(%arg8 : memref<2048xi32, #tpu.memory_space<vmem>>) target_semaphore(%run_scoped3A : memref<!tpu.dma_semaphore, #tpu.memory_space<semaphore_mem>>)
      %dma_wait3A_167 = arith.constant 14336 : i32
      %dma_wait3A_168 = tpu.memref_slice %arg3[%dma_wait3A_167] : memref<16384xi32, #tpu.memory_space<hbm>> -> memref<2048xi32, #tpu.memory_space<hbm>>
      %dma_wait3A_169 = arith.constant 14336 : i32
      %dma_wait3A_170 = tpu.memref_slice %arg3[%dma_wait3A_169] : memref<16384xi32, #tpu.memory_space<hbm>> -> memref<2048xi32, #tpu.memory_space<hbm>>
      tpu.wait_dma2 semaphore(%run_scoped3A : memref<!tpu.dma_semaphore, #tpu.memory_space<semaphore_mem>>) src(%dma_wait3A_170 : memref<2048xi32, #tpu.memory_space<hbm>>) dst(%arg8 : memref<2048xi32, #tpu.memory_space<vmem>>)
      tpu.yield
    }) : () -> ()
    %scan3A_66 = arith.constant 0 : i32
    %scan3A_67 = arith.constant 0 : i32
    %scan3A_68 = arith.constant 128 : i32
    %scan3A_69 = arith.addi %scan3A_67, %scan3A_68 : i32
    %scan3A_70 = arith.constant 1 : i32
    scf.for %scan3A_163 = %scan3A_67 to %scan3A_69 step %scan3A_70  : i32 {
      %mul3A_164 = arith.constant 16 : i32
      %mul3A_165 = arith.muli %scan3A_163, %mul3A_164 : i32
      %get3A_166 = arith.index_cast %mul3A_165 : i32 to index
      %get3A_167 = tpu.vector_load %arg8[%get3A_166] {strides = array<i32>} : memref<2048xi32, #tpu.memory_space<vmem>>, vector<16xi32>,
      %sub3A_168 = vector.broadcast %multiple_of3A : i32 to vector<16xi32>
      %sub3A_169 = arith.subi %get3A_167, %sub3A_168 : vector<16xi32>
      %ge3A_170 = arith.constant 999936 : i32
      %ge3A_171 = vector.broadcast %ge3A_170 : i32 to vector<16xi32>
      %ge3A_172 = arith.cmpi sge, %get3A_167, %ge3A_171 : vector<16xi32>
      %eq3A_173 = arith.constant 0 : i32
      %eq3A_174 = arith.cmpi eq, %add3A, %eq3A_173 : i32
      %and3A = vector.broadcast %eq3A_174 : i1 to vector<16xi1>
      %and3A_175 = arith.andi %ge3A_172, %and3A : vector<16xi1>
      %sub3A_176 = arith.constant 999936 : i32
      %sub3A_177 = vector.broadcast %sub3A_176 : i32 to vector<16xi32>
      %sub3A_178 = arith.subi %get3A_167, %sub3A_177 : vector<16xi32>
      %add3A_179 = arith.constant 31232 : i32
      %add3A_180 = vector.broadcast %add3A_179 : i32 to vector<16xi32>
      %add3A_181 = arith.addi %add3A_180, %sub3A_178 : vector<16xi32>
      %select_n3A_182 = arith.select %and3A_175, %add3A_181, %sub3A_169 : vector<16xi1>, vector<16xi32>
      %ge3A_183 = arith.constant 0 : i32
      %ge3A_184 = vector.broadcast %ge3A_183 : i32 to vector<16xi32>
      %ge3A_185 = arith.cmpi sge, %select_n3A_182, %ge3A_184 : vector<16xi32>
      %lt3A_186 = vector.broadcast %select_n3A : i32 to vector<16xi32>
      %lt3A_187 = arith.cmpi slt, %select_n3A_182, %lt3A_186 : vector<16xi32>
      %and3A_188 = arith.andi %ge3A_185, %lt3A_187 : vector<16xi1>
      %or3A = arith.ori %and3A_188, %and3A_175 : vector<16xi1>
      %shift_left3A_189 = arith.constant 4 : i32
      %shift_left3A_190 = vector.broadcast %shift_left3A_189 : i32 to vector<16xi32>
      %shift_left3A_191 = arith.shli %select_n3A_182, %shift_left3A_190 : vector<16xi32>
      %or3A_192 = arith.ori %shift_left3A_191, %iota3A : vector<16xi32>
      %jit3A_193 = arith.constant 2147483632 : i32
      %broadcast_in_dim3A_194 = vector.broadcast %jit3A_193 : i32 to vector<16xi32>
      %select_n3A_195 = arith.select %or3A, %or3A_192, %broadcast_in_dim3A_194 : vector<16xi1>, vector<16xi32>
      %add3A_196 = arith.constant 14336 : i32
      %add3A_197 = arith.addi %add3A_196, %mul3A_165 : i32
      %add3A_198 = vector.broadcast %add3A_197 : i32 to vector<16xi32>
      %add3A_199 = arith.addi %add3A_198, %iota3A : vector<16xi32>
      %jit3A_200 = arith.constant -1 : i32
      %broadcast_in_dim3A_201 = vector.broadcast %jit3A_200 : i32 to vector<16xi32>
      %select_n3A_202 = arith.select %or3A, %add3A_199, %broadcast_in_dim3A_201 : vector<16xi1>, vector<16xi32>
      %masked_sort3A = arith.constant dense<true> : vector<16xi1>
      %masked_sort3A_203 = arith.constant -2147483648 : i32
      %masked_sort3A_204 = vector.broadcast %masked_sort3A_203 : i32 to vector<16xi32>
      %masked_sort3A_205 = arith.xori %select_n3A_195, %masked_sort3A_204 : vector<16xi32>
      %masked_sort3A_206, %masked_sort3A_207, %masked_sort3A_208 = tpu.sort %masked_sort3A_205, %select_n3A_202 masked %masked_sort3A : (vector<16xi32>, vector<16xi32>, vector<16xi1>) -> (vector<16xi1>, vector<16xi32>, vector<16xi32>)
      %masked_sort3A_209 = arith.xori %masked_sort3A_207, %masked_sort3A_204 : vector<16xi32>
      %add3A_210 = arith.constant 1 : i32
      %add3A_211 = vector.broadcast %add3A_210 : i32 to vector<16xi32>
      %add3A_212 = arith.addi %iota3A, %add3A_211 : vector<16xi32>
      %min3A = arith.constant 15 : i32
      %min3A_213 = vector.broadcast %min3A : i32 to vector<16xi32>
      %min3A_214 = arith.minsi %add3A_212, %min3A_213 : vector<16xi32>
      %lt3A_215 = arith.constant 0 : i32
      %lt3A_216 = vector.broadcast %lt3A_215 : i32 to vector<16xi32>
      %lt3A_217 = arith.cmpi slt, %min3A_214, %lt3A_216 : vector<16xi32>
      %add3A_218 = arith.constant 16 : i32
      %add3A_219 = vector.broadcast %add3A_218 : i32 to vector<16xi32>
      %add3A_220 = arith.addi %min3A_214, %add3A_219 : vector<16xi32>
      %select_n3A_221 = arith.select %lt3A_217, %add3A_220, %min3A_214 : vector<16xi1>, vector<16xi32>
      %broadcast_in_dim3A_222 = vector.shape_cast %select_n3A_221 : vector<16xi32> to vector<16x1xi32>
      %gather3A = vector.shape_cast %broadcast_in_dim3A_222 : vector<16x1xi32> to vector<16xi32>
      %gather3A_223 = tpu.dynamic_gather %masked_sort3A_209[%gather3A] in [0] : vector<16xi32>, vector<16xi32> -> vector<16xi32>
      %shift_right_arithmetic3A_224 = arith.constant 4 : i32
      %shift_right_arithmetic3A_225 = vector.broadcast %shift_right_arithmetic3A_224 : i32 to vector<16xi32>
      %shift_right_arithmetic3A_226 = arith.shrsi %masked_sort3A_209, %shift_right_arithmetic3A_225 : vector<16xi32>
      %shift_right_arithmetic3A_227 = arith.constant 4 : i32
      %shift_right_arithmetic3A_228 = vector.broadcast %shift_right_arithmetic3A_227 : i32 to vector<16xi32>
      %shift_right_arithmetic3A_229 = arith.shrsi %gather3A_223, %shift_right_arithmetic3A_228 : vector<16xi32>
      %ne3A_230 = arith.cmpi ne, %shift_right_arithmetic3A_226, %shift_right_arithmetic3A_229 : vector<16xi32>
      %eq3A_231 = arith.constant 15 : i32
      %eq3A_232 = vector.broadcast %eq3A_231 : i32 to vector<16xi32>
      %eq3A_233 = arith.cmpi eq, %iota3A, %eq3A_232 : vector<16xi32>
      %or3A_234 = arith.ori %ne3A_230, %eq3A_233 : vector<16xi1>
      %ge3A_235 = arith.constant 0 : i32
      %ge3A_236 = vector.broadcast %ge3A_235 : i32 to vector<16xi32>
      %ge3A_237 = arith.cmpi sge, %masked_sort3A_208, %ge3A_236 : vector<16xi32>
      %and3A_238 = arith.andi %or3A_234, %ge3A_237 : vector<16xi1>
      %shift_right_arithmetic3A_239 = arith.constant 4 : i32
      %shift_right_arithmetic3A_240 = vector.broadcast %shift_right_arithmetic3A_239 : i32 to vector<16xi32>
      %shift_right_arithmetic3A_241 = arith.shrsi %masked_sort3A_209, %shift_right_arithmetic3A_240 : vector<16xi32>
      tpu.vector_store_idx %arg9[%shift_right_arithmetic3A_241], %masked_sort3A_208 masked %and3A_238 : memref<31744xi32, #tpu.memory_space<vmem>>[vector<16xi32>], vector<16xi32>, vector<16xi1>
    }
    %scan3A_71 = arith.constant 128 : i32
    "tpu.trace_stop"() : () -> ()
    "tpu.trace_start"() <{level = 10 : i32, message = "tab_scan"}> : () -> ()
    %scan3A_72 = arith.constant 0 : i32
    %scan3A_73 = arith.constant 0 : i32
    %scan3A_74 = arith.constant 1984 : i32
    %scan3A_75 = arith.addi %scan3A_73, %scan3A_74 : i32
    %scan3A_76 = arith.constant 1 : i32
    %scan3A_77 = scf.for %scan3A_163 = %scan3A_73 to %scan3A_75 step %scan3A_76 iter_args(%scan3A_164 = %scan3A_72) -> (i32)  : i32 {
      %mul3A_165 = arith.constant 16 : i32
      %mul3A_166 = arith.muli %scan3A_163, %mul3A_165 : i32
      %get3A_167 = arith.index_cast %mul3A_166 : i32 to index
      %get3A_168 = tpu.vector_load %arg9[%get3A_167] {strides = array<i32>} : memref<31744xi32, #tpu.memory_space<vmem>>, vector<16xi32>,
      %ge3A_169 = arith.constant 0 : i32
      %ge3A_170 = vector.broadcast %ge3A_169 : i32 to vector<16xi32>
      %ge3A_171 = arith.cmpi sge, %get3A_168, %ge3A_170 : vector<16xi32>
      %mul3A_172 = arith.constant 16 : i32
      %mul3A_173 = arith.muli %scan3A_163, %mul3A_172 : i32
      %add3A_174 = vector.broadcast %mul3A_173 : i32 to vector<16xi32>
      %add3A_175 = arith.addi %add3A_174, %iota3A : vector<16xi32>
      %shift_left3A_176 = arith.constant 14 : i32
      %shift_left3A_177 = vector.broadcast %shift_left3A_176 : i32 to vector<16xi32>
      %shift_left3A_178 = arith.shli %add3A_175, %shift_left3A_177 : vector<16xi32>
      %and3A = arith.constant 16383 : i32
      %and3A_179 = vector.broadcast %and3A : i32 to vector<16xi32>
      %and3A_180 = arith.andi %get3A_168, %and3A_179 : vector<16xi32>
      %or3A = arith.ori %shift_left3A_178, %and3A_180 : vector<16xi32>
      %swap3A = arith.index_cast %scan3A_164 : i32 to index
      %swap3A_181 = tpu.vector_load %arg10[%swap3A] masked %ge3A_171 {strides = array<i32>} : memref<16416xi32, #tpu.memory_space<vmem>>, vector<16xi32>, vector<16xi1>
      tpu.vector_store %arg10[%swap3A], %or3A masked %ge3A_171 {strides = array<i32>} : memref<16416xi32, #tpu.memory_space<vmem>>, vector<16xi32>, vector<16xi1>
      %all_reduce_population_count3A = tpu.all_reduce %ge3A_171 {dim = 0 : i64, kind = #tpu.reduction_kind<sum>} : vector<16xi1> -> vector<16xi32>
      %reduce_max3A_182 = arith.constant true
      %reduce_max3A_183 = vector.broadcast %reduce_max3A_182 : i1 to vector<16xi1>
      %reduce_max3A_184 = arith.constant -2147483648 : i32
      %reduce_max3A_185 = vector.broadcast %reduce_max3A_184 : i32 to vector<16xi32>
      %reduce_max3A_186 = arith.xori %all_reduce_population_count3A, %reduce_max3A_185 : vector<16xi32>
      %reduce_max3A_187 = tpu.scan <max>, %reduce_max3A_186 masked %reduce_max3A_183 : vector<16xi32>, vector<16xi1> -> vector<16xi32>
      %reduce_max3A_188 = arith.xori %reduce_max3A_187, %reduce_max3A_185 : vector<16xi32>
      %reduce_max3A_189 = vector.extract %reduce_max3A_188[15] : i32 from vector<16xi32>
      %add3A_190 = arith.addi %scan3A_164, %reduce_max3A_189 : i32
      scf.yield %add3A_190 : i32
    }
    %scan3A_78 = arith.constant 1984 : i32
    "tpu.trace_stop"() : () -> ()
    %shift_right_arithmetic3A = arith.constant 0 : i32
    %shift_right_arithmetic3A_79 = arith.constant 4 : i32
    %shift_right_arithmetic3A_80 = arith.shrsi %shift_right_arithmetic3A, %shift_right_arithmetic3A_79 : i32
    %shift_left3A = arith.constant 4 : i32
    %shift_left3A_81 = arith.shli %shift_right_arithmetic3A_80, %shift_left3A : i32
    %get3A = arith.index_cast %shift_left3A_81 : i32 to index
    %get3A_82 = tpu.vector_load %arg10[%get3A] {strides = array<i32>} : memref<16416xi32, #tpu.memory_space<vmem>>, vector<16xi32>,
    %sub3A = arith.constant 0 : i32
    %sub3A_83 = arith.subi %sub3A, %shift_left3A_81 : i32
    %eq3A_84 = vector.broadcast %sub3A_83 : i32 to vector<16xi32>
    %eq3A_85 = arith.cmpi eq, %iota3A, %eq3A_84 : vector<16xi32>
    %jit3A_86 = arith.constant -2147483648 : i32
    %broadcast_in_dim3A_87 = vector.broadcast %jit3A_86 : i32 to vector<16xi32>
    %select_n3A_88 = arith.select %eq3A_85, %get3A_82, %broadcast_in_dim3A_87 : vector<16xi1>, vector<16xi32>
    %reduce_max3A = arith.constant true
    %reduce_max3A_89 = vector.broadcast %reduce_max3A : i1 to vector<16xi1>
    %reduce_max3A_90 = arith.constant -2147483648 : i32
    %reduce_max3A_91 = vector.broadcast %reduce_max3A_90 : i32 to vector<16xi32>
    %reduce_max3A_92 = arith.xori %select_n3A_88, %reduce_max3A_91 : vector<16xi32>
    %reduce_max3A_93 = tpu.scan <max>, %reduce_max3A_92 masked %reduce_max3A_89 : vector<16xi32>, vector<16xi1> -> vector<16xi32>
    %reduce_max3A_94 = arith.xori %reduce_max3A_93, %reduce_max3A_91 : vector<16xi32>
    %reduce_max3A_95 = vector.extract %reduce_max3A_94[15] : i32 from vector<16xi32>
    %lt3A = arith.constant 0 : i32
    %lt3A_96 = arith.cmpi slt, %lt3A, %scan3A_77 : i32
    %jit3A_97 = arith.constant 2147483632 : i32
    %select_n3A_98 = arith.select %lt3A_96, %reduce_max3A_95, %jit3A_97 : i32
    %ne3A = arith.constant 2147483632 : i32
    %ne3A_99 = arith.cmpi ne, %select_n3A_98, %ne3A : i32
    %convert_element_type3A = arith.extui %ne3A_99 : i1 to i32
    %cond3A = arith.constant 0 : i32
    %cond3A_100 = arith.cmpi ne, %convert_element_type3A, %cond3A : i32
    scf.if %cond3A_100 {
      %and3A = arith.constant 16383 : i32
      %and3A_163 = arith.andi %select_n3A_98, %and3A : i32
      %shift_right_arithmetic3A_164 = arith.constant 7 : i32
      %shift_right_arithmetic3A_165 = arith.shrsi %and3A_163, %shift_right_arithmetic3A_164 : i32
      %mul3A_166 = arith.constant 128 : i32
      %mul3A_167 = arith.muli %shift_right_arithmetic3A_165, %mul3A_166 : i32
      %multiple_of3A_168 = tpu.assume_multiple %mul3A_167, 128 : i32
      %dma_start3A_169 = arith.constant 0 : i32
      %dma_start3A_170 = tpu.memref_slice %arg4[%dma_start3A_169, %multiple_of3A_168] : memref<32x16384xf32, #tpu.memory_space<hbm>> -> memref<32x128xf32, #tpu.memory_space<hbm>>
      %dma_start3A_171 = arith.constant 0 : i32
      %dma_start3A_172 = tpu.memref_slice %arg4[%dma_start3A_171, %multiple_of3A_168] : memref<32x16384xf32, #tpu.memory_space<hbm>> -> memref<32x128xf32, #tpu.memory_space<hbm>>
      tpu.enqueue_dma source(%dma_start3A_172 : memref<32x128xf32, #tpu.memory_space<hbm>>) target(%arg15 : memref<32x128xf32, #tpu.memory_space<vmem>>) target_semaphore(%arg26 : memref<!tpu.dma_semaphore, #tpu.memory_space<semaphore_mem>>)
    } else {
    }
    %eq3A_101 = arith.constant 31 : i32
    %eq3A_102 = arith.cmpi eq, %add3A, %eq3A_101 : i32
    %jit3A_103 = arith.constant 62 : i32
    %jit3A_104 = arith.constant 61 : i32
    %select_n3A_105 = arith.select %eq3A_102, %jit3A_103, %jit3A_104 : i32
    "tpu.trace_start"() <{level = 10 : i32, message = "copy_merge"}> : () -> ()
    %scan3A_106 = arith.constant 0 : i32
    %scan3A_107 = arith.constant 0 : i32
    %scan3A_108 = arith.constant 15 : i32
    %scan3A_109 = arith.addi %scan3A_107, %scan3A_108 : i32
    %scan3A_110 = arith.constant 1 : i32
    %scan3A_111:2 = scf.for %scan3A_163 = %scan3A_107 to %scan3A_109 step %scan3A_110 iter_args(%scan3A_164 = %scan3A_106, %scan3A_165 = %select_n3A_98) -> (i32, i32)  : i32 {
      %mul3A_166 = arith.constant 4 : i32
      %mul3A_167 = arith.muli %scan3A_163, %mul3A_166 : i32
      %add3A_168 = arith.constant 0 : i32
      %add3A_169 = arith.addi %mul3A_167, %add3A_168 : i32
      %mul3A_170 = arith.constant 512 : i32
      %mul3A_171 = arith.muli %add3A_169, %mul3A_170 : i32
      %add3A_172 = arith.addi %multiple_of3A, %mul3A_171 : i32
      %multiple_of3A_173 = tpu.assume_multiple %add3A_172, 128 : i32
      %mul3A_174 = arith.constant 512 : i32
      %mul3A_175 = arith.muli %add3A_169, %mul3A_174 : i32
      %dma_wait3A_176 = arith.constant 0 : i32
      %dma_wait3A_177 = tpu.memref_slice %arg2[%dma_wait3A_176, %multiple_of3A_173] : memref<32x1000000xf32, #tpu.memory_space<hbm>> -> memref<32x512xf32, #tpu.memory_space<hbm>>
      %dma_wait3A_178 = arith.constant 0 : i32
      %dma_wait3A_179 = tpu.memref_slice %arg2[%dma_wait3A_178, %multiple_of3A_173] : memref<32x1000000xf32, #tpu.memory_space<hbm>> -> memref<32x512xf32, #tpu.memory_space<hbm>>
      tpu.wait_dma2 semaphore(%arg18 : memref<!tpu.dma_semaphore, #tpu.memory_space<semaphore_mem>>) src(%dma_wait3A_179 : memref<32x512xf32, #tpu.memory_space<hbm>>) dst(%arg11 : memref<32x512xf32, #tpu.memory_space<vmem>>)
      %add3A_180 = arith.constant 512 : i32
      %add3A_181 = arith.addi %mul3A_175, %add3A_180 : i32
      %while3A_182:2 = scf.while (%while3A_294 = %scan3A_164, %while3A_295 = %scan3A_165) : (i32, i32) -> (i32, i32) {
        %shift_right_arithmetic3A_296 = arith.constant 14 : i32
        %shift_right_arithmetic3A_297 = arith.shrsi %while3A_295, %shift_right_arithmetic3A_296 : i32
        %lt3A_298 = arith.cmpi slt, %shift_right_arithmetic3A_297, %add3A_181 : i32
        scf.condition(%lt3A_298) %while3A_294, %while3A_295 : i32, i32
      } do {
      ^bb0(%while3A_294: i32, %while3A_295: i32):
        %add3A_296 = arith.constant 1 : i32
        %add3A_297 = arith.addi %while3A_294, %add3A_296 : i32
        %shift_right_arithmetic3A_298 = arith.constant 4 : i32
        %shift_right_arithmetic3A_299 = arith.shrsi %add3A_297, %shift_right_arithmetic3A_298 : i32
        %shift_left3A_300 = arith.constant 4 : i32
        %shift_left3A_301 = arith.shli %shift_right_arithmetic3A_299, %shift_left3A_300 : i32
        %get3A_302 = arith.index_cast %shift_left3A_301 : i32 to index
        %get3A_303 = tpu.vector_load %arg10[%get3A_302] {strides = array<i32>} : memref<16416xi32, #tpu.memory_space<vmem>>, vector<16xi32>,
        %sub3A_304 = arith.subi %add3A_297, %shift_left3A_301 : i32
        %eq3A_305 = vector.broadcast %sub3A_304 : i32 to vector<16xi32>
        %eq3A_306 = arith.cmpi eq, %iota3A, %eq3A_305 : vector<16xi32>
        %jit3A_307 = arith.constant -2147483648 : i32
        %broadcast_in_dim3A_308 = vector.broadcast %jit3A_307 : i32 to vector<16xi32>
        %select_n3A_309 = arith.select %eq3A_306, %get3A_303, %broadcast_in_dim3A_308 : vector<16xi1>, vector<16xi32>
        %reduce_max3A_310 = arith.constant true
        %reduce_max3A_311 = vector.broadcast %reduce_max3A_310 : i1 to vector<16xi1>
        %reduce_max3A_312 = arith.constant -2147483648 : i32
        %reduce_max3A_313 = vector.broadcast %reduce_max3A_312 : i32 to vector<16xi32>
        %reduce_max3A_314 = arith.xori %select_n3A_309, %reduce_max3A_313 : vector<16xi32>
        %reduce_max3A_315 = tpu.scan <max>, %reduce_max3A_314 masked %reduce_max3A_311 : vector<16xi32>, vector<16xi1> -> vector<16xi32>
        %reduce_max3A_316 = arith.xori %reduce_max3A_315, %reduce_max3A_313 : vector<16xi32>
        %reduce_max3A_317 = vector.extract %reduce_max3A_316[15] : i32 from vector<16xi32>
        %lt3A_318 = arith.cmpi slt, %add3A_297, %scan3A_77 : i32
        %jit3A_319 = arith.constant 2147483632 : i32
        %select_n3A_320 = arith.select %lt3A_318, %reduce_max3A_317, %jit3A_319 : i32
        %add3A_321 = arith.constant 1 : i32
        %add3A_322 = arith.addi %while3A_294, %add3A_321 : i32
        %ne3A_323 = arith.constant 2147483632 : i32
        %ne3A_324 = arith.cmpi ne, %select_n3A_320, %ne3A_323 : i32
        %convert_element_type3A_325 = arith.extui %ne3A_324 : i1 to i32
        %cond3A_326 = arith.constant 0 : i32
        %cond3A_327 = arith.cmpi ne, %convert_element_type3A_325, %cond3A_326 : i32
        scf.if %cond3A_327 {
          %jit3A_385 = arith.constant 2 : i32
          %eq3A_386 = arith.constant 0 : i32
          %eq3A_387 = arith.cmpi eq, %jit3A_385, %eq3A_386 : i32
          %jit3A_388 = arith.constant 1 : i32
          %select_n3A_389 = arith.select %eq3A_387, %jit3A_388, %jit3A_385 : i32
          %rem3A_390 = arith.remsi %add3A_322, %select_n3A_389 : i32
          %ne3A_391 = arith.constant 0 : i32
          %ne3A_392 = arith.cmpi ne, %rem3A_390, %ne3A_391 : i32
          %lt3A_393 = arith.constant 0 : i32
          %lt3A_394 = arith.cmpi slt, %rem3A_390, %lt3A_393 : i32
          %lt3A_395 = arith.constant 0 : i32
          %lt3A_396 = arith.cmpi slt, %select_n3A_389, %lt3A_395 : i32
          %ne3A_397 = arith.xori %lt3A_394, %lt3A_396 : i1
          %and3A_398 = arith.andi %ne3A_397, %ne3A_392 : i1
          %add3A_399 = arith.addi %rem3A_390, %select_n3A_389 : i32
          %select_n3A_400 = arith.select %and3A_398, %add3A_399, %rem3A_390 : i32
          %eq3A_401 = arith.constant 0 : i32
          %eq3A_402 = arith.cmpi eq, %select_n3A_400, %eq3A_401 : i32
          %convert_element_type3A_403 = arith.extui %eq3A_402 : i1 to i32
          %cond3A_404 = arith.constant 0 : i32
          %cond3A_405 = arith.cmpi ne, %convert_element_type3A_403, %cond3A_404 : i32
          scf.if %cond3A_405 {
            %and3A_427 = arith.constant 16383 : i32
            %and3A_428 = arith.andi %select_n3A_320, %and3A_427 : i32
            %shift_right_arithmetic3A_429 = arith.constant 7 : i32
            %shift_right_arithmetic3A_430 = arith.shrsi %and3A_428, %shift_right_arithmetic3A_429 : i32
            %mul3A_431 = arith.constant 128 : i32
            %mul3A_432 = arith.muli %shift_right_arithmetic3A_430, %mul3A_431 : i32
            %multiple_of3A_433 = tpu.assume_multiple %mul3A_432, 128 : i32
            %dma_start3A_434 = arith.constant 0 : i32
            %dma_start3A_435 = tpu.memref_slice %arg4[%dma_start3A_434, %multiple_of3A_433] : memref<32x16384xf32, #tpu.memory_space<hbm>> -> memref<32x128xf32, #tpu.memory_space<hbm>>
            %dma_start3A_436 = arith.constant 0 : i32
            %dma_start3A_437 = tpu.memref_slice %arg4[%dma_start3A_436, %multiple_of3A_433] : memref<32x16384xf32, #tpu.memory_space<hbm>> -> memref<32x128xf32, #tpu.memory_space<hbm>>
            tpu.enqueue_dma source(%dma_start3A_437 : memref<32x128xf32, #tpu.memory_space<hbm>>) target(%arg15 : memref<32x128xf32, #tpu.memory_space<vmem>>) target_semaphore(%arg26 : memref<!tpu.dma_semaphore, #tpu.memory_space<semaphore_mem>>)
          } else {
          }
          %jit3A_406 = arith.constant 2 : i32
          %eq3A_407 = arith.constant 0 : i32
          %eq3A_408 = arith.cmpi eq, %jit3A_406, %eq3A_407 : i32
          %jit3A_409 = arith.constant 1 : i32
          %select_n3A_410 = arith.select %eq3A_408, %jit3A_409, %jit3A_406 : i32
          %rem3A_411 = arith.remsi %add3A_322, %select_n3A_410 : i32
          %ne3A_412 = arith.constant 0 : i32
          %ne3A_413 = arith.cmpi ne, %rem3A_411, %ne3A_412 : i32
          %lt3A_414 = arith.constant 0 : i32
          %lt3A_415 = arith.cmpi slt, %rem3A_411, %lt3A_414 : i32
          %lt3A_416 = arith.constant 0 : i32
          %lt3A_417 = arith.cmpi slt, %select_n3A_410, %lt3A_416 : i32
          %ne3A_418 = arith.xori %lt3A_415, %lt3A_417 : i1
          %and3A_419 = arith.andi %ne3A_418, %ne3A_413 : i1
          %add3A_420 = arith.addi %rem3A_411, %select_n3A_410 : i32
          %select_n3A_421 = arith.select %and3A_419, %add3A_420, %rem3A_411 : i32
          %eq3A_422 = arith.constant 1 : i32
          %eq3A_423 = arith.cmpi eq, %select_n3A_421, %eq3A_422 : i32
          %convert_element_type3A_424 = arith.extui %eq3A_423 : i1 to i32
          %cond3A_425 = arith.constant 0 : i32
          %cond3A_426 = arith.cmpi ne, %convert_element_type3A_424, %cond3A_425 : i32
          scf.if %cond3A_426 {
            %and3A_427 = arith.constant 16383 : i32
            %and3A_428 = arith.andi %select_n3A_320, %and3A_427 : i32
            %shift_right_arithmetic3A_429 = arith.constant 7 : i32
            %shift_right_arithmetic3A_430 = arith.shrsi %and3A_428, %shift_right_arithmetic3A_429 : i32
            %mul3A_431 = arith.constant 128 : i32
            %mul3A_432 = arith.muli %shift_right_arithmetic3A_430, %mul3A_431 : i32
            %multiple_of3A_433 = tpu.assume_multiple %mul3A_432, 128 : i32
            %dma_start3A_434 = arith.constant 0 : i32
            %dma_start3A_435 = tpu.memref_slice %arg4[%dma_start3A_434, %multiple_of3A_433] : memref<32x16384xf32, #tpu.memory_space<hbm>> -> memref<32x128xf32, #tpu.memory_space<hbm>>
            %dma_start3A_436 = arith.constant 0 : i32
            %dma_start3A_437 = tpu.memref_slice %arg4[%dma_start3A_436, %multiple_of3A_433] : memref<32x16384xf32, #tpu.memory_space<hbm>> -> memref<32x128xf32, #tpu.memory_space<hbm>>
            tpu.enqueue_dma source(%dma_start3A_437 : memref<32x128xf32, #tpu.memory_space<hbm>>) target(%arg16 : memref<32x128xf32, #tpu.memory_space<vmem>>) target_semaphore(%arg27 : memref<!tpu.dma_semaphore, #tpu.memory_space<semaphore_mem>>)
          } else {
          }
        } else {
        }
        %broadcast_in_dim3A_328 = arith.constant 0 : i32
        %broadcast_in_dim3A_329 = vector.broadcast %broadcast_in_dim3A_328 : i32 to vector<16xi32>
        %shift_right_arithmetic3A_330 = arith.constant 14 : i32
        %shift_right_arithmetic3A_331 = arith.shrsi %while3A_295, %shift_right_arithmetic3A_330 : i32
        %sub3A_332 = arith.subi %shift_right_arithmetic3A_331, %mul3A_175 : i32
        %add3A_333 = vector.broadcast %sub3A_332 : i32 to vector<16xi32>
        %add3A_334 = arith.addi %broadcast_in_dim3A_329, %add3A_333 : vector<16xi32>
        %broadcast_in_dim3A_335 = arith.constant 0 : i32
        %broadcast_in_dim3A_336 = vector.broadcast %broadcast_in_dim3A_335 : i32 to vector<16xi32>
        %and3A = arith.constant 16383 : i32
        %and3A_337 = arith.andi %while3A_295, %and3A : i32
        %and3A_338 = arith.constant 127 : i32
        %and3A_339 = arith.andi %and3A_337, %and3A_338 : i32
        %add3A_340 = vector.broadcast %and3A_339 : i32 to vector<16xi32>
        %add3A_341 = arith.addi %broadcast_in_dim3A_336, %add3A_340 : vector<16xi32>
        %jit3A_342 = arith.constant 2 : i32
        %eq3A_343 = arith.constant 0 : i32
        %eq3A_344 = arith.cmpi eq, %jit3A_342, %eq3A_343 : i32
        %jit3A_345 = arith.constant 1 : i32
        %select_n3A_346 = arith.select %eq3A_344, %jit3A_345, %jit3A_342 : i32
        %rem3A = arith.remsi %while3A_294, %select_n3A_346 : i32
        %ne3A_347 = arith.constant 0 : i32
        %ne3A_348 = arith.cmpi ne, %rem3A, %ne3A_347 : i32
        %lt3A_349 = arith.constant 0 : i32
        %lt3A_350 = arith.cmpi slt, %rem3A, %lt3A_349 : i32
        %lt3A_351 = arith.constant 0 : i32
        %lt3A_352 = arith.cmpi slt, %select_n3A_346, %lt3A_351 : i32
        %ne3A_353 = arith.xori %lt3A_350, %lt3A_352 : i1
        %and3A_354 = arith.andi %ne3A_353, %ne3A_348 : i1
        %add3A_355 = arith.addi %rem3A, %select_n3A_346 : i32
        %select_n3A_356 = arith.select %and3A_354, %add3A_355, %rem3A : i32
        %eq3A_357 = arith.constant 0 : i32
        %eq3A_358 = arith.cmpi eq, %select_n3A_356, %eq3A_357 : i32
        %convert_element_type3A_359 = arith.extui %eq3A_358 : i1 to i32
        %cond3A_360 = arith.constant 0 : i32
        %cond3A_361 = arith.cmpi ne, %convert_element_type3A_359, %cond3A_360 : i32
        scf.if %cond3A_361 {
          %dma_wait3A_385 = arith.constant 0 : i32
          %dma_wait3A_386 = arith.constant 0 : i32
          %dma_wait3A_387 = tpu.memref_slice %arg4[%dma_wait3A_385, %dma_wait3A_386] : memref<32x16384xf32, #tpu.memory_space<hbm>> -> memref<32x128xf32, #tpu.memory_space<hbm>>
          %dma_wait3A_388 = arith.constant 0 : i32
          %dma_wait3A_389 = arith.constant 0 : i32
          %dma_wait3A_390 = tpu.memref_slice %arg4[%dma_wait3A_388, %dma_wait3A_389] : memref<32x16384xf32, #tpu.memory_space<hbm>> -> memref<32x128xf32, #tpu.memory_space<hbm>>
          tpu.wait_dma2 semaphore(%arg26 : memref<!tpu.dma_semaphore, #tpu.memory_space<semaphore_mem>>) src(%dma_wait3A_390 : memref<32x128xf32, #tpu.memory_space<hbm>>) dst(%arg15 : memref<32x128xf32, #tpu.memory_space<vmem>>)
          %gather3A = tpu.vector_load_idx %arg15[%iota3A, %add3A_341] : memref<32x128xf32, #tpu.memory_space<vmem>>[vector<16xi32>, vector<16xi32>], vector<16xf32>,
          %add3A_391 = arith.constant 16 : i32
          %add3A_392 = vector.broadcast %add3A_391 : i32 to vector<16xi32>
          %add3A_393 = arith.addi %iota3A, %add3A_392 : vector<16xi32>
          %gather3A_394 = tpu.vector_load_idx %arg15[%add3A_393, %add3A_341] : memref<32x128xf32, #tpu.memory_space<vmem>>[vector<16xi32>, vector<16xi32>], vector<16xf32>,
          tpu.vector_store_idx %arg11[%iota3A, %add3A_334], %gather3A : memref<32x512xf32, #tpu.memory_space<vmem>>[vector<16xi32>, vector<16xi32>], vector<16xf32>,
          %add3A_395 = arith.constant 16 : i32
          %add3A_396 = vector.broadcast %add3A_395 : i32 to vector<16xi32>
          %add3A_397 = arith.addi %iota3A, %add3A_396 : vector<16xi32>
          tpu.vector_store_idx %arg11[%add3A_397, %add3A_334], %gather3A_394 : memref<32x512xf32, #tpu.memory_space<vmem>>[vector<16xi32>, vector<16xi32>], vector<16xf32>,
        } else {
        }
        %jit3A_362 = arith.constant 2 : i32
        %eq3A_363 = arith.constant 0 : i32
        %eq3A_364 = arith.cmpi eq, %jit3A_362, %eq3A_363 : i32
        %jit3A_365 = arith.constant 1 : i32
        %select_n3A_366 = arith.select %eq3A_364, %jit3A_365, %jit3A_362 : i32
        %rem3A_367 = arith.remsi %while3A_294, %select_n3A_366 : i32
        %ne3A_368 = arith.constant 0 : i32
        %ne3A_369 = arith.cmpi ne, %rem3A_367, %ne3A_368 : i32
        %lt3A_370 = arith.constant 0 : i32
        %lt3A_371 = arith.cmpi slt, %rem3A_367, %lt3A_370 : i32
        %lt3A_372 = arith.constant 0 : i32
        %lt3A_373 = arith.cmpi slt, %select_n3A_366, %lt3A_372 : i32
        %ne3A_374 = arith.xori %lt3A_371, %lt3A_373 : i1
        %and3A_375 = arith.andi %ne3A_374, %ne3A_369 : i1
        %add3A_376 = arith.addi %rem3A_367, %select_n3A_366 : i32
        %select_n3A_377 = arith.select %and3A_375, %add3A_376, %rem3A_367 : i32
        %eq3A_378 = arith.constant 1 : i32
        %eq3A_379 = arith.cmpi eq, %select_n3A_377, %eq3A_378 : i32
        %convert_element_type3A_380 = arith.extui %eq3A_379 : i1 to i32
        %cond3A_381 = arith.constant 0 : i32
        %cond3A_382 = arith.cmpi ne, %convert_element_type3A_380, %cond3A_381 : i32
        scf.if %cond3A_382 {
          %dma_wait3A_385 = arith.constant 0 : i32
          %dma_wait3A_386 = arith.constant 0 : i32
          %dma_wait3A_387 = tpu.memref_slice %arg4[%dma_wait3A_385, %dma_wait3A_386] : memref<32x16384xf32, #tpu.memory_space<hbm>> -> memref<32x128xf32, #tpu.memory_space<hbm>>
          %dma_wait3A_388 = arith.constant 0 : i32
          %dma_wait3A_389 = arith.constant 0 : i32
          %dma_wait3A_390 = tpu.memref_slice %arg4[%dma_wait3A_388, %dma_wait3A_389] : memref<32x16384xf32, #tpu.memory_space<hbm>> -> memref<32x128xf32, #tpu.memory_space<hbm>>
          tpu.wait_dma2 semaphore(%arg27 : memref<!tpu.dma_semaphore, #tpu.memory_space<semaphore_mem>>) src(%dma_wait3A_390 : memref<32x128xf32, #tpu.memory_space<hbm>>) dst(%arg16 : memref<32x128xf32, #tpu.memory_space<vmem>>)
          %gather3A = tpu.vector_load_idx %arg16[%iota3A, %add3A_341] : memref<32x128xf32, #tpu.memory_space<vmem>>[vector<16xi32>, vector<16xi32>], vector<16xf32>,
          %add3A_391 = arith.constant 16 : i32
          %add3A_392 = vector.broadcast %add3A_391 : i32 to vector<16xi32>
          %add3A_393 = arith.addi %iota3A, %add3A_392 : vector<16xi32>
          %gather3A_394 = tpu.vector_load_idx %arg16[%add3A_393, %add3A_341] : memref<32x128xf32, #tpu.memory_space<vmem>>[vector<16xi32>, vector<16xi32>], vector<16xf32>,
          tpu.vector_store_idx %arg11[%iota3A, %add3A_334], %gather3A : memref<32x512xf32, #tpu.memory_space<vmem>>[vector<16xi32>, vector<16xi32>], vector<16xf32>,
          %add3A_395 = arith.constant 16 : i32
          %add3A_396 = vector.broadcast %add3A_395 : i32 to vector<16xi32>
          %add3A_397 = arith.addi %iota3A, %add3A_396 : vector<16xi32>
          tpu.vector_store_idx %arg11[%add3A_397, %add3A_334], %gather3A_394 : memref<32x512xf32, #tpu.memory_space<vmem>>[vector<16xi32>, vector<16xi32>], vector<16xf32>,
        } else {
        }
        %add3A_383 = arith.constant 1 : i32
        %add3A_384 = arith.addi %while3A_294, %add3A_383 : i32
        scf.yield %add3A_384, %select_n3A_320 : i32, i32
      }
      %dma_start3A_183 = arith.constant 0 : i32
      %dma_start3A_184 = tpu.memref_slice %arg6[%dma_start3A_183, %multiple_of3A_173] : memref<32x1000000xf32, #tpu.memory_space<hbm>> -> memref<32x512xf32, #tpu.memory_space<hbm>>
      %dma_start3A_185 = arith.constant 0 : i32
      %dma_start3A_186 = tpu.memref_slice %arg6[%dma_start3A_185, %multiple_of3A_173] : memref<32x1000000xf32, #tpu.memory_space<hbm>> -> memref<32x512xf32, #tpu.memory_space<hbm>>
      tpu.enqueue_dma source(%arg11 : memref<32x512xf32, #tpu.memory_space<vmem>>) target(%dma_start3A_186 : memref<32x512xf32, #tpu.memory_space<hbm>>) target_semaphore(%arg22 : memref<!tpu.dma_semaphore, #tpu.memory_space<semaphore_mem>>)
      %ge3A_187 = arith.constant 2 : i32
      %ge3A_188 = arith.cmpi sge, %add3A_169, %ge3A_187 : i32
      %convert_element_type3A_189 = arith.extui %ge3A_188 : i1 to i32
      %cond3A_190 = arith.constant 0 : i32
      %cond3A_191 = arith.cmpi ne, %convert_element_type3A_189, %cond3A_190 : i32
      scf.if %cond3A_191 {
        %dma_wait3A_294 = arith.constant 0 : i32
        %dma_wait3A_295 = tpu.memref_slice %arg6[%dma_wait3A_294, %multiple_of3A_173] : memref<32x1000000xf32, #tpu.memory_space<hbm>> -> memref<32x512xf32, #tpu.memory_space<hbm>>
        %dma_wait3A_296 = arith.constant 0 : i32
        %dma_wait3A_297 = tpu.memref_slice %arg6[%dma_wait3A_296, %multiple_of3A_173] : memref<32x1000000xf32, #tpu.memory_space<hbm>> -> memref<32x512xf32, #tpu.memory_space<hbm>>
        tpu.wait_dma2 semaphore(%arg24 : memref<!tpu.dma_semaphore, #tpu.memory_space<semaphore_mem>>) src(%arg13 : memref<32x512xf32, #tpu.memory_space<vmem>>) dst(%dma_wait3A_297 : memref<32x512xf32, #tpu.memory_space<hbm>>)
      } else {
      }
      %add3A_192 = arith.constant 2 : i32
      %add3A_193 = arith.addi %add3A_169, %add3A_192 : i32
      %lt3A_194 = arith.cmpi slt, %add3A_193, %select_n3A_105 : i32
      %convert_element_type3A_195 = arith.extui %lt3A_194 : i1 to i32
      %cond3A_196 = arith.constant 0 : i32
      %cond3A_197 = arith.cmpi ne, %convert_element_type3A_195, %cond3A_196 : i32
      scf.if %cond3A_197 {
        %add3A_294 = arith.constant 2 : i32
        %add3A_295 = arith.addi %add3A_169, %add3A_294 : i32
        %mul3A_296 = arith.constant 512 : i32
        %mul3A_297 = arith.muli %add3A_295, %mul3A_296 : i32
        %add3A_298 = arith.addi %multiple_of3A, %mul3A_297 : i32
        %multiple_of3A_299 = tpu.assume_multiple %add3A_298, 128 : i32
        %dma_start3A_300 = arith.constant 0 : i32
        %dma_start3A_301 = tpu.memref_slice %arg2[%dma_start3A_300, %multiple_of3A_299] : memref<32x1000000xf32, #tpu.memory_space<hbm>> -> memref<32x512xf32, #tpu.memory_space<hbm>>
        %dma_start3A_302 = arith.constant 0 : i32
        %dma_start3A_303 = tpu.memref_slice %arg2[%dma_start3A_302, %multiple_of3A_299] : memref<32x1000000xf32, #tpu.memory_space<hbm>> -> memref<32x512xf32, #tpu.memory_space<hbm>>
        tpu.enqueue_dma source(%dma_start3A_303 : memref<32x512xf32, #tpu.memory_space<hbm>>) target(%arg13 : memref<32x512xf32, #tpu.memory_space<vmem>>) target_semaphore(%arg20 : memref<!tpu.dma_semaphore, #tpu.memory_space<semaphore_mem>>)
      } else {
      }
      %mul3A_198 = arith.constant 4 : i32
      %mul3A_199 = arith.muli %scan3A_163, %mul3A_198 : i32
      %add3A_200 = arith.constant 1 : i32
      %add3A_201 = arith.addi %mul3A_199, %add3A_200 : i32
      %mul3A_202 = arith.constant 512 : i32
      %mul3A_203 = arith.muli %add3A_201, %mul3A_202 : i32
      %add3A_204 = arith.addi %multiple_of3A, %mul3A_203 : i32
      %multiple_of3A_205 = tpu.assume_multiple %add3A_204, 128 : i32
      %mul3A_206 = arith.constant 512 : i32
      %mul3A_207 = arith.muli %add3A_201, %mul3A_206 : i32
      %dma_wait3A_208 = arith.constant 0 : i32
      %dma_wait3A_209 = tpu.memref_slice %arg2[%dma_wait3A_208, %multiple_of3A_205] : memref<32x1000000xf32, #tpu.memory_space<hbm>> -> memref<32x512xf32, #tpu.memory_space<hbm>>
      %dma_wait3A_210 = arith.constant 0 : i32
      %dma_wait3A_211 = tpu.memref_slice %arg2[%dma_wait3A_210, %multiple_of3A_205] : memref<32x1000000xf32, #tpu.memory_space<hbm>> -> memref<32x512xf32, #tpu.memory_space<hbm>>
      tpu.wait_dma2 semaphore(%arg19 : memref<!tpu.dma_semaphore, #tpu.memory_space<semaphore_mem>>) src(%dma_wait3A_211 : memref<32x512xf32, #tpu.memory_space<hbm>>) dst(%arg12 : memref<32x512xf32, #tpu.memory_space<vmem>>)
      %add3A_212 = arith.constant 512 : i32
      %add3A_213 = arith.addi %mul3A_207, %add3A_212 : i32
      %while3A_214:2 = scf.while (%while3A_294 = %while3A_182#0, %while3A_295 = %while3A_182#1) : (i32, i32) -> (i32, i32) {
        %shift_right_arithmetic3A_296 = arith.constant 14 : i32
        %shift_right_arithmetic3A_297 = arith.shrsi %while3A_295, %shift_right_arithmetic3A_296 : i32
        %lt3A_298 = arith.cmpi slt, %shift_right_arithmetic3A_297, %add3A_213 : i32
        scf.condition(%lt3A_298) %while3A_294, %while3A_295 : i32, i32
      } do {
      ^bb0(%while3A_294: i32, %while3A_295: i32):
        %add3A_296 = arith.constant 1 : i32
        %add3A_297 = arith.addi %while3A_294, %add3A_296 : i32
        %shift_right_arithmetic3A_298 = arith.constant 4 : i32
        %shift_right_arithmetic3A_299 = arith.shrsi %add3A_297, %shift_right_arithmetic3A_298 : i32
        %shift_left3A_300 = arith.constant 4 : i32
        %shift_left3A_301 = arith.shli %shift_right_arithmetic3A_299, %shift_left3A_300 : i32
        %get3A_302 = arith.index_cast %shift_left3A_301 : i32 to index
        %get3A_303 = tpu.vector_load %arg10[%get3A_302] {strides = array<i32>} : memref<16416xi32, #tpu.memory_space<vmem>>, vector<16xi32>,
        %sub3A_304 = arith.subi %add3A_297, %shift_left3A_301 : i32
        %eq3A_305 = vector.broadcast %sub3A_304 : i32 to vector<16xi32>
        %eq3A_306 = arith.cmpi eq, %iota3A, %eq3A_305 : vector<16xi32>
        %jit3A_307 = arith.constant -2147483648 : i32
        %broadcast_in_dim3A_308 = vector.broadcast %jit3A_307 : i32 to vector<16xi32>
        %select_n3A_309 = arith.select %eq3A_306, %get3A_303, %broadcast_in_dim3A_308 : vector<16xi1>, vector<16xi32>
        %reduce_max3A_310 = arith.constant true
        %reduce_max3A_311 = vector.broadcast %reduce_max3A_310 : i1 to vector<16xi1>
        %reduce_max3A_312 = arith.constant -2147483648 : i32
        %reduce_max3A_313 = vector.broadcast %reduce_max3A_312 : i32 to vector<16xi32>
        %reduce_max3A_314 = arith.xori %select_n3A_309, %reduce_max3A_313 : vector<16xi32>
        %reduce_max3A_315 = tpu.scan <max>, %reduce_max3A_314 masked %reduce_max3A_311 : vector<16xi32>, vector<16xi1> -> vector<16xi32>
        %reduce_max3A_316 = arith.xori %reduce_max3A_315, %reduce_max3A_313 : vector<16xi32>
        %reduce_max3A_317 = vector.extract %reduce_max3A_316[15] : i32 from vector<16xi32>
        %lt3A_318 = arith.cmpi slt, %add3A_297, %scan3A_77 : i32
        %jit3A_319 = arith.constant 2147483632 : i32
        %select_n3A_320 = arith.select %lt3A_318, %reduce_max3A_317, %jit3A_319 : i32
        %add3A_321 = arith.constant 1 : i32
        %add3A_322 = arith.addi %while3A_294, %add3A_321 : i32
        %ne3A_323 = arith.constant 2147483632 : i32
        %ne3A_324 = arith.cmpi ne, %select_n3A_320, %ne3A_323 : i32
        %convert_element_type3A_325 = arith.extui %ne3A_324 : i1 to i32
        %cond3A_326 = arith.constant 0 : i32
        %cond3A_327 = arith.cmpi ne, %convert_element_type3A_325, %cond3A_326 : i32
        scf.if %cond3A_327 {
          %jit3A_385 = arith.constant 2 : i32
          %eq3A_386 = arith.constant 0 : i32
          %eq3A_387 = arith.cmpi eq, %jit3A_385, %eq3A_386 : i32
          %jit3A_388 = arith.constant 1 : i32
          %select_n3A_389 = arith.select %eq3A_387, %jit3A_388, %jit3A_385 : i32
          %rem3A_390 = arith.remsi %add3A_322, %select_n3A_389 : i32
          %ne3A_391 = arith.constant 0 : i32
          %ne3A_392 = arith.cmpi ne, %rem3A_390, %ne3A_391 : i32
          %lt3A_393 = arith.constant 0 : i32
          %lt3A_394 = arith.cmpi slt, %rem3A_390, %lt3A_393 : i32
          %lt3A_395 = arith.constant 0 : i32
          %lt3A_396 = arith.cmpi slt, %select_n3A_389, %lt3A_395 : i32
          %ne3A_397 = arith.xori %lt3A_394, %lt3A_396 : i1
          %and3A_398 = arith.andi %ne3A_397, %ne3A_392 : i1
          %add3A_399 = arith.addi %rem3A_390, %select_n3A_389 : i32
          %select_n3A_400 = arith.select %and3A_398, %add3A_399, %rem3A_390 : i32
          %eq3A_401 = arith.constant 0 : i32
          %eq3A_402 = arith.cmpi eq, %select_n3A_400, %eq3A_401 : i32
          %convert_element_type3A_403 = arith.extui %eq3A_402 : i1 to i32
          %cond3A_404 = arith.constant 0 : i32
          %cond3A_405 = arith.cmpi ne, %convert_element_type3A_403, %cond3A_404 : i32
          scf.if %cond3A_405 {
            %and3A_427 = arith.constant 16383 : i32
            %and3A_428 = arith.andi %select_n3A_320, %and3A_427 : i32
            %shift_right_arithmetic3A_429 = arith.constant 7 : i32
            %shift_right_arithmetic3A_430 = arith.shrsi %and3A_428, %shift_right_arithmetic3A_429 : i32
            %mul3A_431 = arith.constant 128 : i32
            %mul3A_432 = arith.muli %shift_right_arithmetic3A_430, %mul3A_431 : i32
            %multiple_of3A_433 = tpu.assume_multiple %mul3A_432, 128 : i32
            %dma_start3A_434 = arith.constant 0 : i32
            %dma_start3A_435 = tpu.memref_slice %arg4[%dma_start3A_434, %multiple_of3A_433] : memref<32x16384xf32, #tpu.memory_space<hbm>> -> memref<32x128xf32, #tpu.memory_space<hbm>>
            %dma_start3A_436 = arith.constant 0 : i32
            %dma_start3A_437 = tpu.memref_slice %arg4[%dma_start3A_436, %multiple_of3A_433] : memref<32x16384xf32, #tpu.memory_space<hbm>> -> memref<32x128xf32, #tpu.memory_space<hbm>>
            tpu.enqueue_dma source(%dma_start3A_437 : memref<32x128xf32, #tpu.memory_space<hbm>>) target(%arg15 : memref<32x128xf32, #tpu.memory_space<vmem>>) target_semaphore(%arg26 : memref<!tpu.dma_semaphore, #tpu.memory_space<semaphore_mem>>)
          } else {
          }
          %jit3A_406 = arith.constant 2 : i32
          %eq3A_407 = arith.constant 0 : i32
          %eq3A_408 = arith.cmpi eq, %jit3A_406, %eq3A_407 : i32
          %jit3A_409 = arith.constant 1 : i32
          %select_n3A_410 = arith.select %eq3A_408, %jit3A_409, %jit3A_406 : i32
          %rem3A_411 = arith.remsi %add3A_322, %select_n3A_410 : i32
          %ne3A_412 = arith.constant 0 : i32
          %ne3A_413 = arith.cmpi ne, %rem3A_411, %ne3A_412 : i32
          %lt3A_414 = arith.constant 0 : i32
          %lt3A_415 = arith.cmpi slt, %rem3A_411, %lt3A_414 : i32
          %lt3A_416 = arith.constant 0 : i32
          %lt3A_417 = arith.cmpi slt, %select_n3A_410, %lt3A_416 : i32
          %ne3A_418 = arith.xori %lt3A_415, %lt3A_417 : i1
          %and3A_419 = arith.andi %ne3A_418, %ne3A_413 : i1
          %add3A_420 = arith.addi %rem3A_411, %select_n3A_410 : i32
          %select_n3A_421 = arith.select %and3A_419, %add3A_420, %rem3A_411 : i32
          %eq3A_422 = arith.constant 1 : i32
          %eq3A_423 = arith.cmpi eq, %select_n3A_421, %eq3A_422 : i32
          %convert_element_type3A_424 = arith.extui %eq3A_423 : i1 to i32
          %cond3A_425 = arith.constant 0 : i32
          %cond3A_426 = arith.cmpi ne, %convert_element_type3A_424, %cond3A_425 : i32
          scf.if %cond3A_426 {
            %and3A_427 = arith.constant 16383 : i32
            %and3A_428 = arith.andi %select_n3A_320, %and3A_427 : i32
            %shift_right_arithmetic3A_429 = arith.constant 7 : i32
            %shift_right_arithmetic3A_430 = arith.shrsi %and3A_428, %shift_right_arithmetic3A_429 : i32
            %mul3A_431 = arith.constant 128 : i32
            %mul3A_432 = arith.muli %shift_right_arithmetic3A_430, %mul3A_431 : i32
            %multiple_of3A_433 = tpu.assume_multiple %mul3A_432, 128 : i32
            %dma_start3A_434 = arith.constant 0 : i32
            %dma_start3A_435 = tpu.memref_slice %arg4[%dma_start3A_434, %multiple_of3A_433] : memref<32x16384xf32, #tpu.memory_space<hbm>> -> memref<32x128xf32, #tpu.memory_space<hbm>>
            %dma_start3A_436 = arith.constant 0 : i32
            %dma_start3A_437 = tpu.memref_slice %arg4[%dma_start3A_436, %multiple_of3A_433] : memref<32x16384xf32, #tpu.memory_space<hbm>> -> memref<32x128xf32, #tpu.memory_space<hbm>>
            tpu.enqueue_dma source(%dma_start3A_437 : memref<32x128xf32, #tpu.memory_space<hbm>>) target(%arg16 : memref<32x128xf32, #tpu.memory_space<vmem>>) target_semaphore(%arg27 : memref<!tpu.dma_semaphore, #tpu.memory_space<semaphore_mem>>)
          } else {
          }
        } else {
        }
        %broadcast_in_dim3A_328 = arith.constant 0 : i32
        %broadcast_in_dim3A_329 = vector.broadcast %broadcast_in_dim3A_328 : i32 to vector<16xi32>
        %shift_right_arithmetic3A_330 = arith.constant 14 : i32
        %shift_right_arithmetic3A_331 = arith.shrsi %while3A_295, %shift_right_arithmetic3A_330 : i32
        %sub3A_332 = arith.subi %shift_right_arithmetic3A_331, %mul3A_207 : i32
        %add3A_333 = vector.broadcast %sub3A_332 : i32 to vector<16xi32>
        %add3A_334 = arith.addi %broadcast_in_dim3A_329, %add3A_333 : vector<16xi32>
        %broadcast_in_dim3A_335 = arith.constant 0 : i32
        %broadcast_in_dim3A_336 = vector.broadcast %broadcast_in_dim3A_335 : i32 to vector<16xi32>
        %and3A = arith.constant 16383 : i32
        %and3A_337 = arith.andi %while3A_295, %and3A : i32
        %and3A_338 = arith.constant 127 : i32
        %and3A_339 = arith.andi %and3A_337, %and3A_338 : i32
        %add3A_340 = vector.broadcast %and3A_339 : i32 to vector<16xi32>
        %add3A_341 = arith.addi %broadcast_in_dim3A_336, %add3A_340 : vector<16xi32>
        %jit3A_342 = arith.constant 2 : i32
        %eq3A_343 = arith.constant 0 : i32
        %eq3A_344 = arith.cmpi eq, %jit3A_342, %eq3A_343 : i32
        %jit3A_345 = arith.constant 1 : i32
        %select_n3A_346 = arith.select %eq3A_344, %jit3A_345, %jit3A_342 : i32
        %rem3A = arith.remsi %while3A_294, %select_n3A_346 : i32
        %ne3A_347 = arith.constant 0 : i32
        %ne3A_348 = arith.cmpi ne, %rem3A, %ne3A_347 : i32
        %lt3A_349 = arith.constant 0 : i32
        %lt3A_350 = arith.cmpi slt, %rem3A, %lt3A_349 : i32
        %lt3A_351 = arith.constant 0 : i32
        %lt3A_352 = arith.cmpi slt, %select_n3A_346, %lt3A_351 : i32
        %ne3A_353 = arith.xori %lt3A_350, %lt3A_352 : i1
        %and3A_354 = arith.andi %ne3A_353, %ne3A_348 : i1
        %add3A_355 = arith.addi %rem3A, %select_n3A_346 : i32
        %select_n3A_356 = arith.select %and3A_354, %add3A_355, %rem3A : i32
        %eq3A_357 = arith.constant 0 : i32
        %eq3A_358 = arith.cmpi eq, %select_n3A_356, %eq3A_357 : i32
        %convert_element_type3A_359 = arith.extui %eq3A_358 : i1 to i32
        %cond3A_360 = arith.constant 0 : i32
        %cond3A_361 = arith.cmpi ne, %convert_element_type3A_359, %cond3A_360 : i32
        scf.if %cond3A_361 {
          %dma_wait3A_385 = arith.constant 0 : i32
          %dma_wait3A_386 = arith.constant 0 : i32
          %dma_wait3A_387 = tpu.memref_slice %arg4[%dma_wait3A_385, %dma_wait3A_386] : memref<32x16384xf32, #tpu.memory_space<hbm>> -> memref<32x128xf32, #tpu.memory_space<hbm>>
          %dma_wait3A_388 = arith.constant 0 : i32
          %dma_wait3A_389 = arith.constant 0 : i32
          %dma_wait3A_390 = tpu.memref_slice %arg4[%dma_wait3A_388, %dma_wait3A_389] : memref<32x16384xf32, #tpu.memory_space<hbm>> -> memref<32x128xf32, #tpu.memory_space<hbm>>
          tpu.wait_dma2 semaphore(%arg26 : memref<!tpu.dma_semaphore, #tpu.memory_space<semaphore_mem>>) src(%dma_wait3A_390 : memref<32x128xf32, #tpu.memory_space<hbm>>) dst(%arg15 : memref<32x128xf32, #tpu.memory_space<vmem>>)
          %gather3A = tpu.vector_load_idx %arg15[%iota3A, %add3A_341] : memref<32x128xf32, #tpu.memory_space<vmem>>[vector<16xi32>, vector<16xi32>], vector<16xf32>,
          %add3A_391 = arith.constant 16 : i32
          %add3A_392 = vector.broadcast %add3A_391 : i32 to vector<16xi32>
          %add3A_393 = arith.addi %iota3A, %add3A_392 : vector<16xi32>
          %gather3A_394 = tpu.vector_load_idx %arg15[%add3A_393, %add3A_341] : memref<32x128xf32, #tpu.memory_space<vmem>>[vector<16xi32>, vector<16xi32>], vector<16xf32>,
          tpu.vector_store_idx %arg12[%iota3A, %add3A_334], %gather3A : memref<32x512xf32, #tpu.memory_space<vmem>>[vector<16xi32>, vector<16xi32>], vector<16xf32>,
          %add3A_395 = arith.constant 16 : i32
          %add3A_396 = vector.broadcast %add3A_395 : i32 to vector<16xi32>
          %add3A_397 = arith.addi %iota3A, %add3A_396 : vector<16xi32>
          tpu.vector_store_idx %arg12[%add3A_397, %add3A_334], %gather3A_394 : memref<32x512xf32, #tpu.memory_space<vmem>>[vector<16xi32>, vector<16xi32>], vector<16xf32>,
        } else {
        }
        %jit3A_362 = arith.constant 2 : i32
        %eq3A_363 = arith.constant 0 : i32
        %eq3A_364 = arith.cmpi eq, %jit3A_362, %eq3A_363 : i32
        %jit3A_365 = arith.constant 1 : i32
        %select_n3A_366 = arith.select %eq3A_364, %jit3A_365, %jit3A_362 : i32
        %rem3A_367 = arith.remsi %while3A_294, %select_n3A_366 : i32
        %ne3A_368 = arith.constant 0 : i32
        %ne3A_369 = arith.cmpi ne, %rem3A_367, %ne3A_368 : i32
        %lt3A_370 = arith.constant 0 : i32
        %lt3A_371 = arith.cmpi slt, %rem3A_367, %lt3A_370 : i32
        %lt3A_372 = arith.constant 0 : i32
        %lt3A_373 = arith.cmpi slt, %select_n3A_366, %lt3A_372 : i32
        %ne3A_374 = arith.xori %lt3A_371, %lt3A_373 : i1
        %and3A_375 = arith.andi %ne3A_374, %ne3A_369 : i1
        %add3A_376 = arith.addi %rem3A_367, %select_n3A_366 : i32
        %select_n3A_377 = arith.select %and3A_375, %add3A_376, %rem3A_367 : i32
        %eq3A_378 = arith.constant 1 : i32
        %eq3A_379 = arith.cmpi eq, %select_n3A_377, %eq3A_378 : i32
        %convert_element_type3A_380 = arith.extui %eq3A_379 : i1 to i32
        %cond3A_381 = arith.constant 0 : i32
        %cond3A_382 = arith.cmpi ne, %convert_element_type3A_380, %cond3A_381 : i32
        scf.if %cond3A_382 {
          %dma_wait3A_385 = arith.constant 0 : i32
          %dma_wait3A_386 = arith.constant 0 : i32
          %dma_wait3A_387 = tpu.memref_slice %arg4[%dma_wait3A_385, %dma_wait3A_386] : memref<32x16384xf32, #tpu.memory_space<hbm>> -> memref<32x128xf32, #tpu.memory_space<hbm>>
          %dma_wait3A_388 = arith.constant 0 : i32
          %dma_wait3A_389 = arith.constant 0 : i32
          %dma_wait3A_390 = tpu.memref_slice %arg4[%dma_wait3A_388, %dma_wait3A_389] : memref<32x16384xf32, #tpu.memory_space<hbm>> -> memref<32x128xf32, #tpu.memory_space<hbm>>
          tpu.wait_dma2 semaphore(%arg27 : memref<!tpu.dma_semaphore, #tpu.memory_space<semaphore_mem>>) src(%dma_wait3A_390 : memref<32x128xf32, #tpu.memory_space<hbm>>) dst(%arg16 : memref<32x128xf32, #tpu.memory_space<vmem>>)
          %gather3A = tpu.vector_load_idx %arg16[%iota3A, %add3A_341] : memref<32x128xf32, #tpu.memory_space<vmem>>[vector<16xi32>, vector<16xi32>], vector<16xf32>,
          %add3A_391 = arith.constant 16 : i32
          %add3A_392 = vector.broadcast %add3A_391 : i32 to vector<16xi32>
          %add3A_393 = arith.addi %iota3A, %add3A_392 : vector<16xi32>
          %gather3A_394 = tpu.vector_load_idx %arg16[%add3A_393, %add3A_341] : memref<32x128xf32, #tpu.memory_space<vmem>>[vector<16xi32>, vector<16xi32>], vector<16xf32>,
          tpu.vector_store_idx %arg12[%iota3A, %add3A_334], %gather3A : memref<32x512xf32, #tpu.memory_space<vmem>>[vector<16xi32>, vector<16xi32>], vector<16xf32>,
          %add3A_395 = arith.constant 16 : i32
          %add3A_396 = vector.broadcast %add3A_395 : i32 to vector<16xi32>
          %add3A_397 = arith.addi %iota3A, %add3A_396 : vector<16xi32>
          tpu.vector_store_idx %arg12[%add3A_397, %add3A_334], %gather3A_394 : memref<32x512xf32, #tpu.memory_space<vmem>>[vector<16xi32>, vector<16xi32>], vector<16xf32>,
        } else {
        }
        %add3A_383 = arith.constant 1 : i32
        %add3A_384 = arith.addi %while3A_294, %add3A_383 : i32
        scf.yield %add3A_384, %select_n3A_320 : i32, i32
      }
      %dma_start3A_215 = arith.constant 0 : i32
      %dma_start3A_216 = tpu.memref_slice %arg6[%dma_start3A_215, %multiple_of3A_205] : memref<32x1000000xf32, #tpu.memory_space<hbm>> -> memref<32x512xf32, #tpu.memory_space<hbm>>
      %dma_start3A_217 = arith.constant 0 : i32
      %dma_start3A_218 = tpu.memref_slice %arg6[%dma_start3A_217, %multiple_of3A_205] : memref<32x1000000xf32, #tpu.memory_space<hbm>> -> memref<32x512xf32, #tpu.memory_space<hbm>>
      tpu.enqueue_dma source(%arg12 : memref<32x512xf32, #tpu.memory_space<vmem>>) target(%dma_start3A_218 : memref<32x512xf32, #tpu.memory_space<hbm>>) target_semaphore(%arg23 : memref<!tpu.dma_semaphore, #tpu.memory_space<semaphore_mem>>)
      %ge3A_219 = arith.constant 2 : i32
      %ge3A_220 = arith.cmpi sge, %add3A_201, %ge3A_219 : i32
      %convert_element_type3A_221 = arith.extui %ge3A_220 : i1 to i32
      %cond3A_222 = arith.constant 0 : i32
      %cond3A_223 = arith.cmpi ne, %convert_element_type3A_221, %cond3A_222 : i32
      scf.if %cond3A_223 {
        %dma_wait3A_294 = arith.constant 0 : i32
        %dma_wait3A_295 = tpu.memref_slice %arg6[%dma_wait3A_294, %multiple_of3A_205] : memref<32x1000000xf32, #tpu.memory_space<hbm>> -> memref<32x512xf32, #tpu.memory_space<hbm>>
        %dma_wait3A_296 = arith.constant 0 : i32
        %dma_wait3A_297 = tpu.memref_slice %arg6[%dma_wait3A_296, %multiple_of3A_205] : memref<32x1000000xf32, #tpu.memory_space<hbm>> -> memref<32x512xf32, #tpu.memory_space<hbm>>
        tpu.wait_dma2 semaphore(%arg25 : memref<!tpu.dma_semaphore, #tpu.memory_space<semaphore_mem>>) src(%arg14 : memref<32x512xf32, #tpu.memory_space<vmem>>) dst(%dma_wait3A_297 : memref<32x512xf32, #tpu.memory_space<hbm>>)
      } else {
      }
      %add3A_224 = arith.constant 2 : i32
      %add3A_225 = arith.addi %add3A_201, %add3A_224 : i32
      %lt3A_226 = arith.cmpi slt, %add3A_225, %select_n3A_105 : i32
      %convert_element_type3A_227 = arith.extui %lt3A_226 : i1 to i32
      %cond3A_228 = arith.constant 0 : i32
      %cond3A_229 = arith.cmpi ne, %convert_element_type3A_227, %cond3A_228 : i32
      scf.if %cond3A_229 {
        %add3A_294 = arith.constant 2 : i32
        %add3A_295 = arith.addi %add3A_201, %add3A_294 : i32
        %mul3A_296 = arith.constant 512 : i32
        %mul3A_297 = arith.muli %add3A_295, %mul3A_296 : i32
        %add3A_298 = arith.addi %multiple_of3A, %mul3A_297 : i32
        %multiple_of3A_299 = tpu.assume_multiple %add3A_298, 128 : i32
        %dma_start3A_300 = arith.constant 0 : i32
        %dma_start3A_301 = tpu.memref_slice %arg2[%dma_start3A_300, %multiple_of3A_299] : memref<32x1000000xf32, #tpu.memory_space<hbm>> -> memref<32x512xf32, #tpu.memory_space<hbm>>
        %dma_start3A_302 = arith.constant 0 : i32
        %dma_start3A_303 = tpu.memref_slice %arg2[%dma_start3A_302, %multiple_of3A_299] : memref<32x1000000xf32, #tpu.memory_space<hbm>> -> memref<32x512xf32, #tpu.memory_space<hbm>>
        tpu.enqueue_dma source(%dma_start3A_303 : memref<32x512xf32, #tpu.memory_space<hbm>>) target(%arg14 : memref<32x512xf32, #tpu.memory_space<vmem>>) target_semaphore(%arg21 : memref<!tpu.dma_semaphore, #tpu.memory_space<semaphore_mem>>)
      } else {
      }
      %mul3A_230 = arith.constant 4 : i32
      %mul3A_231 = arith.muli %scan3A_163, %mul3A_230 : i32
      %add3A_232 = arith.constant 2 : i32
      %add3A_233 = arith.addi %mul3A_231, %add3A_232 : i32
      %mul3A_234 = arith.constant 512 : i32
      %mul3A_235 = arith.muli %add3A_233, %mul3A_234 : i32
      %add3A_236 = arith.addi %multiple_of3A, %mul3A_235 : i32
      %multiple_of3A_237 = tpu.assume_multiple %add3A_236, 128 : i32
      %mul3A_238 = arith.constant 512 : i32
      %mul3A_239 = arith.muli %add3A_233, %mul3A_238 : i32
      %dma_wait3A_240 = arith.constant 0 : i32
      %dma_wait3A_241 = tpu.memref_slice %arg2[%dma_wait3A_240, %multiple_of3A_237] : memref<32x1000000xf32, #tpu.memory_space<hbm>> -> memref<32x512xf32, #tpu.memory_space<hbm>>
      %dma_wait3A_242 = arith.constant 0 : i32
      %dma_wait3A_243 = tpu.memref_slice %arg2[%dma_wait3A_242, %multiple_of3A_237] : memref<32x1000000xf32, #tpu.memory_space<hbm>> -> memref<32x512xf32, #tpu.memory_space<hbm>>
      tpu.wait_dma2 semaphore(%arg20 : memref<!tpu.dma_semaphore, #tpu.memory_space<semaphore_mem>>) src(%dma_wait3A_243 : memref<32x512xf32, #tpu.memory_space<hbm>>) dst(%arg13 : memref<32x512xf32, #tpu.memory_space<vmem>>)
      %add3A_244 = arith.constant 512 : i32
      %add3A_245 = arith.addi %mul3A_239, %add3A_244 : i32
      %while3A_246:2 = scf.while (%while3A_294 = %while3A_214#0, %while3A_295 = %while3A_214#1) : (i32, i32) -> (i32, i32) {
        %shift_right_arithmetic3A_296 = arith.constant 14 : i32
        %shift_right_arithmetic3A_297 = arith.shrsi %while3A_295, %shift_right_arithmetic3A_296 : i32
        %lt3A_298 = arith.cmpi slt, %shift_right_arithmetic3A_297, %add3A_245 : i32
        scf.condition(%lt3A_298) %while3A_294, %while3A_295 : i32, i32
      } do {
      ^bb0(%while3A_294: i32, %while3A_295: i32):
        %add3A_296 = arith.constant 1 : i32
        %add3A_297 = arith.addi %while3A_294, %add3A_296 : i32
        %shift_right_arithmetic3A_298 = arith.constant 4 : i32
        %shift_right_arithmetic3A_299 = arith.shrsi %add3A_297, %shift_right_arithmetic3A_298 : i32
        %shift_left3A_300 = arith.constant 4 : i32
        %shift_left3A_301 = arith.shli %shift_right_arithmetic3A_299, %shift_left3A_300 : i32
        %get3A_302 = arith.index_cast %shift_left3A_301 : i32 to index
        %get3A_303 = tpu.vector_load %arg10[%get3A_302] {strides = array<i32>} : memref<16416xi32, #tpu.memory_space<vmem>>, vector<16xi32>,
        %sub3A_304 = arith.subi %add3A_297, %shift_left3A_301 : i32
        %eq3A_305 = vector.broadcast %sub3A_304 : i32 to vector<16xi32>
        %eq3A_306 = arith.cmpi eq, %iota3A, %eq3A_305 : vector<16xi32>
        %jit3A_307 = arith.constant -2147483648 : i32
        %broadcast_in_dim3A_308 = vector.broadcast %jit3A_307 : i32 to vector<16xi32>
        %select_n3A_309 = arith.select %eq3A_306, %get3A_303, %broadcast_in_dim3A_308 : vector<16xi1>, vector<16xi32>
        %reduce_max3A_310 = arith.constant true
        %reduce_max3A_311 = vector.broadcast %reduce_max3A_310 : i1 to vector<16xi1>
        %reduce_max3A_312 = arith.constant -2147483648 : i32
        %reduce_max3A_313 = vector.broadcast %reduce_max3A_312 : i32 to vector<16xi32>
        %reduce_max3A_314 = arith.xori %select_n3A_309, %reduce_max3A_313 : vector<16xi32>
        %reduce_max3A_315 = tpu.scan <max>, %reduce_max3A_314 masked %reduce_max3A_311 : vector<16xi32>, vector<16xi1> -> vector<16xi32>
        %reduce_max3A_316 = arith.xori %reduce_max3A_315, %reduce_max3A_313 : vector<16xi32>
        %reduce_max3A_317 = vector.extract %reduce_max3A_316[15] : i32 from vector<16xi32>
        %lt3A_318 = arith.cmpi slt, %add3A_297, %scan3A_77 : i32
        %jit3A_319 = arith.constant 2147483632 : i32
        %select_n3A_320 = arith.select %lt3A_318, %reduce_max3A_317, %jit3A_319 : i32
        %add3A_321 = arith.constant 1 : i32
        %add3A_322 = arith.addi %while3A_294, %add3A_321 : i32
        %ne3A_323 = arith.constant 2147483632 : i32
        %ne3A_324 = arith.cmpi ne, %select_n3A_320, %ne3A_323 : i32
        %convert_element_type3A_325 = arith.extui %ne3A_324 : i1 to i32
        %cond3A_326 = arith.constant 0 : i32
        %cond3A_327 = arith.cmpi ne, %convert_element_type3A_325, %cond3A_326 : i32
        scf.if %cond3A_327 {
          %jit3A_385 = arith.constant 2 : i32
          %eq3A_386 = arith.constant 0 : i32
          %eq3A_387 = arith.cmpi eq, %jit3A_385, %eq3A_386 : i32
          %jit3A_388 = arith.constant 1 : i32
          %select_n3A_389 = arith.select %eq3A_387, %jit3A_388, %jit3A_385 : i32
          %rem3A_390 = arith.remsi %add3A_322, %select_n3A_389 : i32
          %ne3A_391 = arith.constant 0 : i32
          %ne3A_392 = arith.cmpi ne, %rem3A_390, %ne3A_391 : i32
          %lt3A_393 = arith.constant 0 : i32
          %lt3A_394 = arith.cmpi slt, %rem3A_390, %lt3A_393 : i32
          %lt3A_395 = arith.constant 0 : i32
          %lt3A_396 = arith.cmpi slt, %select_n3A_389, %lt3A_395 : i32
          %ne3A_397 = arith.xori %lt3A_394, %lt3A_396 : i1
          %and3A_398 = arith.andi %ne3A_397, %ne3A_392 : i1
          %add3A_399 = arith.addi %rem3A_390, %select_n3A_389 : i32
          %select_n3A_400 = arith.select %and3A_398, %add3A_399, %rem3A_390 : i32
          %eq3A_401 = arith.constant 0 : i32
          %eq3A_402 = arith.cmpi eq, %select_n3A_400, %eq3A_401 : i32
          %convert_element_type3A_403 = arith.extui %eq3A_402 : i1 to i32
          %cond3A_404 = arith.constant 0 : i32
          %cond3A_405 = arith.cmpi ne, %convert_element_type3A_403, %cond3A_404 : i32
          scf.if %cond3A_405 {
            %and3A_427 = arith.constant 16383 : i32
            %and3A_428 = arith.andi %select_n3A_320, %and3A_427 : i32
            %shift_right_arithmetic3A_429 = arith.constant 7 : i32
            %shift_right_arithmetic3A_430 = arith.shrsi %and3A_428, %shift_right_arithmetic3A_429 : i32
            %mul3A_431 = arith.constant 128 : i32
            %mul3A_432 = arith.muli %shift_right_arithmetic3A_430, %mul3A_431 : i32
            %multiple_of3A_433 = tpu.assume_multiple %mul3A_432, 128 : i32
            %dma_start3A_434 = arith.constant 0 : i32
            %dma_start3A_435 = tpu.memref_slice %arg4[%dma_start3A_434, %multiple_of3A_433] : memref<32x16384xf32, #tpu.memory_space<hbm>> -> memref<32x128xf32, #tpu.memory_space<hbm>>
            %dma_start3A_436 = arith.constant 0 : i32
            %dma_start3A_437 = tpu.memref_slice %arg4[%dma_start3A_436, %multiple_of3A_433] : memref<32x16384xf32, #tpu.memory_space<hbm>> -> memref<32x128xf32, #tpu.memory_space<hbm>>
            tpu.enqueue_dma source(%dma_start3A_437 : memref<32x128xf32, #tpu.memory_space<hbm>>) target(%arg15 : memref<32x128xf32, #tpu.memory_space<vmem>>) target_semaphore(%arg26 : memref<!tpu.dma_semaphore, #tpu.memory_space<semaphore_mem>>)
          } else {
          }
          %jit3A_406 = arith.constant 2 : i32
          %eq3A_407 = arith.constant 0 : i32
          %eq3A_408 = arith.cmpi eq, %jit3A_406, %eq3A_407 : i32
          %jit3A_409 = arith.constant 1 : i32
          %select_n3A_410 = arith.select %eq3A_408, %jit3A_409, %jit3A_406 : i32
          %rem3A_411 = arith.remsi %add3A_322, %select_n3A_410 : i32
          %ne3A_412 = arith.constant 0 : i32
          %ne3A_413 = arith.cmpi ne, %rem3A_411, %ne3A_412 : i32
          %lt3A_414 = arith.constant 0 : i32
          %lt3A_415 = arith.cmpi slt, %rem3A_411, %lt3A_414 : i32
          %lt3A_416 = arith.constant 0 : i32
          %lt3A_417 = arith.cmpi slt, %select_n3A_410, %lt3A_416 : i32
          %ne3A_418 = arith.xori %lt3A_415, %lt3A_417 : i1
          %and3A_419 = arith.andi %ne3A_418, %ne3A_413 : i1
          %add3A_420 = arith.addi %rem3A_411, %select_n3A_410 : i32
          %select_n3A_421 = arith.select %and3A_419, %add3A_420, %rem3A_411 : i32
          %eq3A_422 = arith.constant 1 : i32
          %eq3A_423 = arith.cmpi eq, %select_n3A_421, %eq3A_422 : i32
          %convert_element_type3A_424 = arith.extui %eq3A_423 : i1 to i32
          %cond3A_425 = arith.constant 0 : i32
          %cond3A_426 = arith.cmpi ne, %convert_element_type3A_424, %cond3A_425 : i32
          scf.if %cond3A_426 {
            %and3A_427 = arith.constant 16383 : i32
            %and3A_428 = arith.andi %select_n3A_320, %and3A_427 : i32
            %shift_right_arithmetic3A_429 = arith.constant 7 : i32
            %shift_right_arithmetic3A_430 = arith.shrsi %and3A_428, %shift_right_arithmetic3A_429 : i32
            %mul3A_431 = arith.constant 128 : i32
            %mul3A_432 = arith.muli %shift_right_arithmetic3A_430, %mul3A_431 : i32
            %multiple_of3A_433 = tpu.assume_multiple %mul3A_432, 128 : i32
            %dma_start3A_434 = arith.constant 0 : i32
            %dma_start3A_435 = tpu.memref_slice %arg4[%dma_start3A_434, %multiple_of3A_433] : memref<32x16384xf32, #tpu.memory_space<hbm>> -> memref<32x128xf32, #tpu.memory_space<hbm>>
            %dma_start3A_436 = arith.constant 0 : i32
            %dma_start3A_437 = tpu.memref_slice %arg4[%dma_start3A_436, %multiple_of3A_433] : memref<32x16384xf32, #tpu.memory_space<hbm>> -> memref<32x128xf32, #tpu.memory_space<hbm>>
            tpu.enqueue_dma source(%dma_start3A_437 : memref<32x128xf32, #tpu.memory_space<hbm>>) target(%arg16 : memref<32x128xf32, #tpu.memory_space<vmem>>) target_semaphore(%arg27 : memref<!tpu.dma_semaphore, #tpu.memory_space<semaphore_mem>>)
          } else {
          }
        } else {
        }
        %broadcast_in_dim3A_328 = arith.constant 0 : i32
        %broadcast_in_dim3A_329 = vector.broadcast %broadcast_in_dim3A_328 : i32 to vector<16xi32>
        %shift_right_arithmetic3A_330 = arith.constant 14 : i32
        %shift_right_arithmetic3A_331 = arith.shrsi %while3A_295, %shift_right_arithmetic3A_330 : i32
        %sub3A_332 = arith.subi %shift_right_arithmetic3A_331, %mul3A_239 : i32
        %add3A_333 = vector.broadcast %sub3A_332 : i32 to vector<16xi32>
        %add3A_334 = arith.addi %broadcast_in_dim3A_329, %add3A_333 : vector<16xi32>
        %broadcast_in_dim3A_335 = arith.constant 0 : i32
        %broadcast_in_dim3A_336 = vector.broadcast %broadcast_in_dim3A_335 : i32 to vector<16xi32>
        %and3A = arith.constant 16383 : i32
        %and3A_337 = arith.andi %while3A_295, %and3A : i32
        %and3A_338 = arith.constant 127 : i32
        %and3A_339 = arith.andi %and3A_337, %and3A_338 : i32
        %add3A_340 = vector.broadcast %and3A_339 : i32 to vector<16xi32>
        %add3A_341 = arith.addi %broadcast_in_dim3A_336, %add3A_340 : vector<16xi32>
        %jit3A_342 = arith.constant 2 : i32
        %eq3A_343 = arith.constant 0 : i32
        %eq3A_344 = arith.cmpi eq, %jit3A_342, %eq3A_343 : i32
        %jit3A_345 = arith.constant 1 : i32
        %select_n3A_346 = arith.select %eq3A_344, %jit3A_345, %jit3A_342 : i32
        %rem3A = arith.remsi %while3A_294, %select_n3A_346 : i32
        %ne3A_347 = arith.constant 0 : i32
        %ne3A_348 = arith.cmpi ne, %rem3A, %ne3A_347 : i32
        %lt3A_349 = arith.constant 0 : i32
        %lt3A_350 = arith.cmpi slt, %rem3A, %lt3A_349 : i32
        %lt3A_351 = arith.constant 0 : i32
        %lt3A_352 = arith.cmpi slt, %select_n3A_346, %lt3A_351 : i32
        %ne3A_353 = arith.xori %lt3A_350, %lt3A_352 : i1
        %and3A_354 = arith.andi %ne3A_353, %ne3A_348 : i1
        %add3A_355 = arith.addi %rem3A, %select_n3A_346 : i32
        %select_n3A_356 = arith.select %and3A_354, %add3A_355, %rem3A : i32
        %eq3A_357 = arith.constant 0 : i32
        %eq3A_358 = arith.cmpi eq, %select_n3A_356, %eq3A_357 : i32
        %convert_element_type3A_359 = arith.extui %eq3A_358 : i1 to i32
        %cond3A_360 = arith.constant 0 : i32
        %cond3A_361 = arith.cmpi ne, %convert_element_type3A_359, %cond3A_360 : i32
        scf.if %cond3A_361 {
          %dma_wait3A_385 = arith.constant 0 : i32
          %dma_wait3A_386 = arith.constant 0 : i32
          %dma_wait3A_387 = tpu.memref_slice %arg4[%dma_wait3A_385, %dma_wait3A_386] : memref<32x16384xf32, #tpu.memory_space<hbm>> -> memref<32x128xf32, #tpu.memory_space<hbm>>
          %dma_wait3A_388 = arith.constant 0 : i32
          %dma_wait3A_389 = arith.constant 0 : i32
          %dma_wait3A_390 = tpu.memref_slice %arg4[%dma_wait3A_388, %dma_wait3A_389] : memref<32x16384xf32, #tpu.memory_space<hbm>> -> memref<32x128xf32, #tpu.memory_space<hbm>>
          tpu.wait_dma2 semaphore(%arg26 : memref<!tpu.dma_semaphore, #tpu.memory_space<semaphore_mem>>) src(%dma_wait3A_390 : memref<32x128xf32, #tpu.memory_space<hbm>>) dst(%arg15 : memref<32x128xf32, #tpu.memory_space<vmem>>)
          %gather3A = tpu.vector_load_idx %arg15[%iota3A, %add3A_341] : memref<32x128xf32, #tpu.memory_space<vmem>>[vector<16xi32>, vector<16xi32>], vector<16xf32>,
          %add3A_391 = arith.constant 16 : i32
          %add3A_392 = vector.broadcast %add3A_391 : i32 to vector<16xi32>
          %add3A_393 = arith.addi %iota3A, %add3A_392 : vector<16xi32>
          %gather3A_394 = tpu.vector_load_idx %arg15[%add3A_393, %add3A_341] : memref<32x128xf32, #tpu.memory_space<vmem>>[vector<16xi32>, vector<16xi32>], vector<16xf32>,
          tpu.vector_store_idx %arg13[%iota3A, %add3A_334], %gather3A : memref<32x512xf32, #tpu.memory_space<vmem>>[vector<16xi32>, vector<16xi32>], vector<16xf32>,
          %add3A_395 = arith.constant 16 : i32
          %add3A_396 = vector.broadcast %add3A_395 : i32 to vector<16xi32>
          %add3A_397 = arith.addi %iota3A, %add3A_396 : vector<16xi32>
          tpu.vector_store_idx %arg13[%add3A_397, %add3A_334], %gather3A_394 : memref<32x512xf32, #tpu.memory_space<vmem>>[vector<16xi32>, vector<16xi32>], vector<16xf32>,
        } else {
        }
        %jit3A_362 = arith.constant 2 : i32
        %eq3A_363 = arith.constant 0 : i32
        %eq3A_364 = arith.cmpi eq, %jit3A_362, %eq3A_363 : i32
        %jit3A_365 = arith.constant 1 : i32
        %select_n3A_366 = arith.select %eq3A_364, %jit3A_365, %jit3A_362 : i32
        %rem3A_367 = arith.remsi %while3A_294, %select_n3A_366 : i32
        %ne3A_368 = arith.constant 0 : i32
        %ne3A_369 = arith.cmpi ne, %rem3A_367, %ne3A_368 : i32
        %lt3A_370 = arith.constant 0 : i32
        %lt3A_371 = arith.cmpi slt, %rem3A_367, %lt3A_370 : i32
        %lt3A_372 = arith.constant 0 : i32
        %lt3A_373 = arith.cmpi slt, %select_n3A_366, %lt3A_372 : i32
        %ne3A_374 = arith.xori %lt3A_371, %lt3A_373 : i1
        %and3A_375 = arith.andi %ne3A_374, %ne3A_369 : i1
        %add3A_376 = arith.addi %rem3A_367, %select_n3A_366 : i32
        %select_n3A_377 = arith.select %and3A_375, %add3A_376, %rem3A_367 : i32
        %eq3A_378 = arith.constant 1 : i32
        %eq3A_379 = arith.cmpi eq, %select_n3A_377, %eq3A_378 : i32
        %convert_element_type3A_380 = arith.extui %eq3A_379 : i1 to i32
        %cond3A_381 = arith.constant 0 : i32
        %cond3A_382 = arith.cmpi ne, %convert_element_type3A_380, %cond3A_381 : i32
        scf.if %cond3A_382 {
          %dma_wait3A_385 = arith.constant 0 : i32
          %dma_wait3A_386 = arith.constant 0 : i32
          %dma_wait3A_387 = tpu.memref_slice %arg4[%dma_wait3A_385, %dma_wait3A_386] : memref<32x16384xf32, #tpu.memory_space<hbm>> -> memref<32x128xf32, #tpu.memory_space<hbm>>
          %dma_wait3A_388 = arith.constant 0 : i32
          %dma_wait3A_389 = arith.constant 0 : i32
          %dma_wait3A_390 = tpu.memref_slice %arg4[%dma_wait3A_388, %dma_wait3A_389] : memref<32x16384xf32, #tpu.memory_space<hbm>> -> memref<32x128xf32, #tpu.memory_space<hbm>>
          tpu.wait_dma2 semaphore(%arg27 : memref<!tpu.dma_semaphore, #tpu.memory_space<semaphore_mem>>) src(%dma_wait3A_390 : memref<32x128xf32, #tpu.memory_space<hbm>>) dst(%arg16 : memref<32x128xf32, #tpu.memory_space<vmem>>)
          %gather3A = tpu.vector_load_idx %arg16[%iota3A, %add3A_341] : memref<32x128xf32, #tpu.memory_space<vmem>>[vector<16xi32>, vector<16xi32>], vector<16xf32>,
          %add3A_391 = arith.constant 16 : i32
          %add3A_392 = vector.broadcast %add3A_391 : i32 to vector<16xi32>
          %add3A_393 = arith.addi %iota3A, %add3A_392 : vector<16xi32>
          %gather3A_394 = tpu.vector_load_idx %arg16[%add3A_393, %add3A_341] : memref<32x128xf32, #tpu.memory_space<vmem>>[vector<16xi32>, vector<16xi32>], vector<16xf32>,
          tpu.vector_store_idx %arg13[%iota3A, %add3A_334], %gather3A : memref<32x512xf32, #tpu.memory_space<vmem>>[vector<16xi32>, vector<16xi32>], vector<16xf32>,
          %add3A_395 = arith.constant 16 : i32
          %add3A_396 = vector.broadcast %add3A_395 : i32 to vector<16xi32>
          %add3A_397 = arith.addi %iota3A, %add3A_396 : vector<16xi32>
          tpu.vector_store_idx %arg13[%add3A_397, %add3A_334], %gather3A_394 : memref<32x512xf32, #tpu.memory_space<vmem>>[vector<16xi32>, vector<16xi32>], vector<16xf32>,
        } else {
        }
        %add3A_383 = arith.constant 1 : i32
        %add3A_384 = arith.addi %while3A_294, %add3A_383 : i32
        scf.yield %add3A_384, %select_n3A_320 : i32, i32
      }
      %dma_start3A_247 = arith.constant 0 : i32
      %dma_start3A_248 = tpu.memref_slice %arg6[%dma_start3A_247, %multiple_of3A_237] : memref<32x1000000xf32, #tpu.memory_space<hbm>> -> memref<32x512xf32, #tpu.memory_space<hbm>>
      %dma_start3A_249 = arith.constant 0 : i32
      %dma_start3A_250 = tpu.memref_slice %arg6[%dma_start3A_249, %multiple_of3A_237] : memref<32x1000000xf32, #tpu.memory_space<hbm>> -> memref<32x512xf32, #tpu.memory_space<hbm>>
      tpu.enqueue_dma source(%arg13 : memref<32x512xf32, #tpu.memory_space<vmem>>) target(%dma_start3A_250 : memref<32x512xf32, #tpu.memory_space<hbm>>) target_semaphore(%arg24 : memref<!tpu.dma_semaphore, #tpu.memory_space<semaphore_mem>>)
      %ge3A_251 = arith.constant 2 : i32
      %ge3A_252 = arith.cmpi sge, %add3A_233, %ge3A_251 : i32
      %convert_element_type3A_253 = arith.extui %ge3A_252 : i1 to i32
      %cond3A_254 = arith.constant 0 : i32
      %cond3A_255 = arith.cmpi ne, %convert_element_type3A_253, %cond3A_254 : i32
      scf.if %cond3A_255 {
        %dma_wait3A_294 = arith.constant 0 : i32
        %dma_wait3A_295 = tpu.memref_slice %arg6[%dma_wait3A_294, %multiple_of3A_237] : memref<32x1000000xf32, #tpu.memory_space<hbm>> -> memref<32x512xf32, #tpu.memory_space<hbm>>
        %dma_wait3A_296 = arith.constant 0 : i32
        %dma_wait3A_297 = tpu.memref_slice %arg6[%dma_wait3A_296, %multiple_of3A_237] : memref<32x1000000xf32, #tpu.memory_space<hbm>> -> memref<32x512xf32, #tpu.memory_space<hbm>>
        tpu.wait_dma2 semaphore(%arg22 : memref<!tpu.dma_semaphore, #tpu.memory_space<semaphore_mem>>) src(%arg11 : memref<32x512xf32, #tpu.memory_space<vmem>>) dst(%dma_wait3A_297 : memref<32x512xf32, #tpu.memory_space<hbm>>)
      } else {
      }
      %add3A_256 = arith.constant 2 : i32
      %add3A_257 = arith.addi %add3A_233, %add3A_256 : i32
      %lt3A_258 = arith.cmpi slt, %add3A_257, %select_n3A_105 : i32
      %convert_element_type3A_259 = arith.extui %lt3A_258 : i1 to i32
      %cond3A_260 = arith.constant 0 : i32
      %cond3A_261 = arith.cmpi ne, %convert_element_type3A_259, %cond3A_260 : i32
      scf.if %cond3A_261 {
        %add3A_294 = arith.constant 2 : i32
        %add3A_295 = arith.addi %add3A_233, %add3A_294 : i32
        %mul3A_296 = arith.constant 512 : i32
        %mul3A_297 = arith.muli %add3A_295, %mul3A_296 : i32
        %add3A_298 = arith.addi %multiple_of3A, %mul3A_297 : i32
        %multiple_of3A_299 = tpu.assume_multiple %add3A_298, 128 : i32
        %dma_start3A_300 = arith.constant 0 : i32
        %dma_start3A_301 = tpu.memref_slice %arg2[%dma_start3A_300, %multiple_of3A_299] : memref<32x1000000xf32, #tpu.memory_space<hbm>> -> memref<32x512xf32, #tpu.memory_space<hbm>>
        %dma_start3A_302 = arith.constant 0 : i32
        %dma_start3A_303 = tpu.memref_slice %arg2[%dma_start3A_302, %multiple_of3A_299] : memref<32x1000000xf32, #tpu.memory_space<hbm>> -> memref<32x512xf32, #tpu.memory_space<hbm>>
        tpu.enqueue_dma source(%dma_start3A_303 : memref<32x512xf32, #tpu.memory_space<hbm>>) target(%arg11 : memref<32x512xf32, #tpu.memory_space<vmem>>) target_semaphore(%arg18 : memref<!tpu.dma_semaphore, #tpu.memory_space<semaphore_mem>>)
      } else {
      }
      %mul3A_262 = arith.constant 4 : i32
      %mul3A_263 = arith.muli %scan3A_163, %mul3A_262 : i32
      %add3A_264 = arith.constant 3 : i32
      %add3A_265 = arith.addi %mul3A_263, %add3A_264 : i32
      %mul3A_266 = arith.constant 512 : i32
      %mul3A_267 = arith.muli %add3A_265, %mul3A_266 : i32
      %add3A_268 = arith.addi %multiple_of3A, %mul3A_267 : i32
      %multiple_of3A_269 = tpu.assume_multiple %add3A_268, 128 : i32
      %mul3A_270 = arith.constant 512 : i32
      %mul3A_271 = arith.muli %add3A_265, %mul3A_270 : i32
      %dma_wait3A_272 = arith.constant 0 : i32
      %dma_wait3A_273 = tpu.memref_slice %arg2[%dma_wait3A_272, %multiple_of3A_269] : memref<32x1000000xf32, #tpu.memory_space<hbm>> -> memref<32x512xf32, #tpu.memory_space<hbm>>
      %dma_wait3A_274 = arith.constant 0 : i32
      %dma_wait3A_275 = tpu.memref_slice %arg2[%dma_wait3A_274, %multiple_of3A_269] : memref<32x1000000xf32, #tpu.memory_space<hbm>> -> memref<32x512xf32, #tpu.memory_space<hbm>>
      tpu.wait_dma2 semaphore(%arg21 : memref<!tpu.dma_semaphore, #tpu.memory_space<semaphore_mem>>) src(%dma_wait3A_275 : memref<32x512xf32, #tpu.memory_space<hbm>>) dst(%arg14 : memref<32x512xf32, #tpu.memory_space<vmem>>)
      %add3A_276 = arith.constant 512 : i32
      %add3A_277 = arith.addi %mul3A_271, %add3A_276 : i32
      %while3A_278:2 = scf.while (%while3A_294 = %while3A_246#0, %while3A_295 = %while3A_246#1) : (i32, i32) -> (i32, i32) {
        %shift_right_arithmetic3A_296 = arith.constant 14 : i32
        %shift_right_arithmetic3A_297 = arith.shrsi %while3A_295, %shift_right_arithmetic3A_296 : i32
        %lt3A_298 = arith.cmpi slt, %shift_right_arithmetic3A_297, %add3A_277 : i32
        scf.condition(%lt3A_298) %while3A_294, %while3A_295 : i32, i32
      } do {
      ^bb0(%while3A_294: i32, %while3A_295: i32):
        %add3A_296 = arith.constant 1 : i32
        %add3A_297 = arith.addi %while3A_294, %add3A_296 : i32
        %shift_right_arithmetic3A_298 = arith.constant 4 : i32
        %shift_right_arithmetic3A_299 = arith.shrsi %add3A_297, %shift_right_arithmetic3A_298 : i32
        %shift_left3A_300 = arith.constant 4 : i32
        %shift_left3A_301 = arith.shli %shift_right_arithmetic3A_299, %shift_left3A_300 : i32
        %get3A_302 = arith.index_cast %shift_left3A_301 : i32 to index
        %get3A_303 = tpu.vector_load %arg10[%get3A_302] {strides = array<i32>} : memref<16416xi32, #tpu.memory_space<vmem>>, vector<16xi32>,
        %sub3A_304 = arith.subi %add3A_297, %shift_left3A_301 : i32
        %eq3A_305 = vector.broadcast %sub3A_304 : i32 to vector<16xi32>
        %eq3A_306 = arith.cmpi eq, %iota3A, %eq3A_305 : vector<16xi32>
        %jit3A_307 = arith.constant -2147483648 : i32
        %broadcast_in_dim3A_308 = vector.broadcast %jit3A_307 : i32 to vector<16xi32>
        %select_n3A_309 = arith.select %eq3A_306, %get3A_303, %broadcast_in_dim3A_308 : vector<16xi1>, vector<16xi32>
        %reduce_max3A_310 = arith.constant true
        %reduce_max3A_311 = vector.broadcast %reduce_max3A_310 : i1 to vector<16xi1>
        %reduce_max3A_312 = arith.constant -2147483648 : i32
        %reduce_max3A_313 = vector.broadcast %reduce_max3A_312 : i32 to vector<16xi32>
        %reduce_max3A_314 = arith.xori %select_n3A_309, %reduce_max3A_313 : vector<16xi32>
        %reduce_max3A_315 = tpu.scan <max>, %reduce_max3A_314 masked %reduce_max3A_311 : vector<16xi32>, vector<16xi1> -> vector<16xi32>
        %reduce_max3A_316 = arith.xori %reduce_max3A_315, %reduce_max3A_313 : vector<16xi32>
        %reduce_max3A_317 = vector.extract %reduce_max3A_316[15] : i32 from vector<16xi32>
        %lt3A_318 = arith.cmpi slt, %add3A_297, %scan3A_77 : i32
        %jit3A_319 = arith.constant 2147483632 : i32
        %select_n3A_320 = arith.select %lt3A_318, %reduce_max3A_317, %jit3A_319 : i32
        %add3A_321 = arith.constant 1 : i32
        %add3A_322 = arith.addi %while3A_294, %add3A_321 : i32
        %ne3A_323 = arith.constant 2147483632 : i32
        %ne3A_324 = arith.cmpi ne, %select_n3A_320, %ne3A_323 : i32
        %convert_element_type3A_325 = arith.extui %ne3A_324 : i1 to i32
        %cond3A_326 = arith.constant 0 : i32
        %cond3A_327 = arith.cmpi ne, %convert_element_type3A_325, %cond3A_326 : i32
        scf.if %cond3A_327 {
          %jit3A_385 = arith.constant 2 : i32
          %eq3A_386 = arith.constant 0 : i32
          %eq3A_387 = arith.cmpi eq, %jit3A_385, %eq3A_386 : i32
          %jit3A_388 = arith.constant 1 : i32
          %select_n3A_389 = arith.select %eq3A_387, %jit3A_388, %jit3A_385 : i32
          %rem3A_390 = arith.remsi %add3A_322, %select_n3A_389 : i32
          %ne3A_391 = arith.constant 0 : i32
          %ne3A_392 = arith.cmpi ne, %rem3A_390, %ne3A_391 : i32
          %lt3A_393 = arith.constant 0 : i32
          %lt3A_394 = arith.cmpi slt, %rem3A_390, %lt3A_393 : i32
          %lt3A_395 = arith.constant 0 : i32
          %lt3A_396 = arith.cmpi slt, %select_n3A_389, %lt3A_395 : i32
          %ne3A_397 = arith.xori %lt3A_394, %lt3A_396 : i1
          %and3A_398 = arith.andi %ne3A_397, %ne3A_392 : i1
          %add3A_399 = arith.addi %rem3A_390, %select_n3A_389 : i32
          %select_n3A_400 = arith.select %and3A_398, %add3A_399, %rem3A_390 : i32
          %eq3A_401 = arith.constant 0 : i32
          %eq3A_402 = arith.cmpi eq, %select_n3A_400, %eq3A_401 : i32
          %convert_element_type3A_403 = arith.extui %eq3A_402 : i1 to i32
          %cond3A_404 = arith.constant 0 : i32
          %cond3A_405 = arith.cmpi ne, %convert_element_type3A_403, %cond3A_404 : i32
          scf.if %cond3A_405 {
            %and3A_427 = arith.constant 16383 : i32
            %and3A_428 = arith.andi %select_n3A_320, %and3A_427 : i32
            %shift_right_arithmetic3A_429 = arith.constant 7 : i32
            %shift_right_arithmetic3A_430 = arith.shrsi %and3A_428, %shift_right_arithmetic3A_429 : i32
            %mul3A_431 = arith.constant 128 : i32
            %mul3A_432 = arith.muli %shift_right_arithmetic3A_430, %mul3A_431 : i32
            %multiple_of3A_433 = tpu.assume_multiple %mul3A_432, 128 : i32
            %dma_start3A_434 = arith.constant 0 : i32
            %dma_start3A_435 = tpu.memref_slice %arg4[%dma_start3A_434, %multiple_of3A_433] : memref<32x16384xf32, #tpu.memory_space<hbm>> -> memref<32x128xf32, #tpu.memory_space<hbm>>
            %dma_start3A_436 = arith.constant 0 : i32
            %dma_start3A_437 = tpu.memref_slice %arg4[%dma_start3A_436, %multiple_of3A_433] : memref<32x16384xf32, #tpu.memory_space<hbm>> -> memref<32x128xf32, #tpu.memory_space<hbm>>
            tpu.enqueue_dma source(%dma_start3A_437 : memref<32x128xf32, #tpu.memory_space<hbm>>) target(%arg15 : memref<32x128xf32, #tpu.memory_space<vmem>>) target_semaphore(%arg26 : memref<!tpu.dma_semaphore, #tpu.memory_space<semaphore_mem>>)
          } else {
          }
          %jit3A_406 = arith.constant 2 : i32
          %eq3A_407 = arith.constant 0 : i32
          %eq3A_408 = arith.cmpi eq, %jit3A_406, %eq3A_407 : i32
          %jit3A_409 = arith.constant 1 : i32
          %select_n3A_410 = arith.select %eq3A_408, %jit3A_409, %jit3A_406 : i32
          %rem3A_411 = arith.remsi %add3A_322, %select_n3A_410 : i32
          %ne3A_412 = arith.constant 0 : i32
          %ne3A_413 = arith.cmpi ne, %rem3A_411, %ne3A_412 : i32
          %lt3A_414 = arith.constant 0 : i32
          %lt3A_415 = arith.cmpi slt, %rem3A_411, %lt3A_414 : i32
          %lt3A_416 = arith.constant 0 : i32
          %lt3A_417 = arith.cmpi slt, %select_n3A_410, %lt3A_416 : i32
          %ne3A_418 = arith.xori %lt3A_415, %lt3A_417 : i1
          %and3A_419 = arith.andi %ne3A_418, %ne3A_413 : i1
          %add3A_420 = arith.addi %rem3A_411, %select_n3A_410 : i32
          %select_n3A_421 = arith.select %and3A_419, %add3A_420, %rem3A_411 : i32
          %eq3A_422 = arith.constant 1 : i32
          %eq3A_423 = arith.cmpi eq, %select_n3A_421, %eq3A_422 : i32
          %convert_element_type3A_424 = arith.extui %eq3A_423 : i1 to i32
          %cond3A_425 = arith.constant 0 : i32
          %cond3A_426 = arith.cmpi ne, %convert_element_type3A_424, %cond3A_425 : i32
          scf.if %cond3A_426 {
            %and3A_427 = arith.constant 16383 : i32
            %and3A_428 = arith.andi %select_n3A_320, %and3A_427 : i32
            %shift_right_arithmetic3A_429 = arith.constant 7 : i32
            %shift_right_arithmetic3A_430 = arith.shrsi %and3A_428, %shift_right_arithmetic3A_429 : i32
            %mul3A_431 = arith.constant 128 : i32
            %mul3A_432 = arith.muli %shift_right_arithmetic3A_430, %mul3A_431 : i32
            %multiple_of3A_433 = tpu.assume_multiple %mul3A_432, 128 : i32
            %dma_start3A_434 = arith.constant 0 : i32
            %dma_start3A_435 = tpu.memref_slice %arg4[%dma_start3A_434, %multiple_of3A_433] : memref<32x16384xf32, #tpu.memory_space<hbm>> -> memref<32x128xf32, #tpu.memory_space<hbm>>
            %dma_start3A_436 = arith.constant 0 : i32
            %dma_start3A_437 = tpu.memref_slice %arg4[%dma_start3A_436, %multiple_of3A_433] : memref<32x16384xf32, #tpu.memory_space<hbm>> -> memref<32x128xf32, #tpu.memory_space<hbm>>
            tpu.enqueue_dma source(%dma_start3A_437 : memref<32x128xf32, #tpu.memory_space<hbm>>) target(%arg16 : memref<32x128xf32, #tpu.memory_space<vmem>>) target_semaphore(%arg27 : memref<!tpu.dma_semaphore, #tpu.memory_space<semaphore_mem>>)
          } else {
          }
        } else {
        }
        %broadcast_in_dim3A_328 = arith.constant 0 : i32
        %broadcast_in_dim3A_329 = vector.broadcast %broadcast_in_dim3A_328 : i32 to vector<16xi32>
        %shift_right_arithmetic3A_330 = arith.constant 14 : i32
        %shift_right_arithmetic3A_331 = arith.shrsi %while3A_295, %shift_right_arithmetic3A_330 : i32
        %sub3A_332 = arith.subi %shift_right_arithmetic3A_331, %mul3A_271 : i32
        %add3A_333 = vector.broadcast %sub3A_332 : i32 to vector<16xi32>
        %add3A_334 = arith.addi %broadcast_in_dim3A_329, %add3A_333 : vector<16xi32>
        %broadcast_in_dim3A_335 = arith.constant 0 : i32
        %broadcast_in_dim3A_336 = vector.broadcast %broadcast_in_dim3A_335 : i32 to vector<16xi32>
        %and3A = arith.constant 16383 : i32
        %and3A_337 = arith.andi %while3A_295, %and3A : i32
        %and3A_338 = arith.constant 127 : i32
        %and3A_339 = arith.andi %and3A_337, %and3A_338 : i32
        %add3A_340 = vector.broadcast %and3A_339 : i32 to vector<16xi32>
        %add3A_341 = arith.addi %broadcast_in_dim3A_336, %add3A_340 : vector<16xi32>
        %jit3A_342 = arith.constant 2 : i32
        %eq3A_343 = arith.constant 0 : i32
        %eq3A_344 = arith.cmpi eq, %jit3A_342, %eq3A_343 : i32
        %jit3A_345 = arith.constant 1 : i32
        %select_n3A_346 = arith.select %eq3A_344, %jit3A_345, %jit3A_342 : i32
        %rem3A = arith.remsi %while3A_294, %select_n3A_346 : i32
        %ne3A_347 = arith.constant 0 : i32
        %ne3A_348 = arith.cmpi ne, %rem3A, %ne3A_347 : i32
        %lt3A_349 = arith.constant 0 : i32
        %lt3A_350 = arith.cmpi slt, %rem3A, %lt3A_349 : i32
        %lt3A_351 = arith.constant 0 : i32
        %lt3A_352 = arith.cmpi slt, %select_n3A_346, %lt3A_351 : i32
        %ne3A_353 = arith.xori %lt3A_350, %lt3A_352 : i1
        %and3A_354 = arith.andi %ne3A_353, %ne3A_348 : i1
        %add3A_355 = arith.addi %rem3A, %select_n3A_346 : i32
        %select_n3A_356 = arith.select %and3A_354, %add3A_355, %rem3A : i32
        %eq3A_357 = arith.constant 0 : i32
        %eq3A_358 = arith.cmpi eq, %select_n3A_356, %eq3A_357 : i32
        %convert_element_type3A_359 = arith.extui %eq3A_358 : i1 to i32
        %cond3A_360 = arith.constant 0 : i32
        %cond3A_361 = arith.cmpi ne, %convert_element_type3A_359, %cond3A_360 : i32
        scf.if %cond3A_361 {
          %dma_wait3A_385 = arith.constant 0 : i32
          %dma_wait3A_386 = arith.constant 0 : i32
          %dma_wait3A_387 = tpu.memref_slice %arg4[%dma_wait3A_385, %dma_wait3A_386] : memref<32x16384xf32, #tpu.memory_space<hbm>> -> memref<32x128xf32, #tpu.memory_space<hbm>>
          %dma_wait3A_388 = arith.constant 0 : i32
          %dma_wait3A_389 = arith.constant 0 : i32
          %dma_wait3A_390 = tpu.memref_slice %arg4[%dma_wait3A_388, %dma_wait3A_389] : memref<32x16384xf32, #tpu.memory_space<hbm>> -> memref<32x128xf32, #tpu.memory_space<hbm>>
          tpu.wait_dma2 semaphore(%arg26 : memref<!tpu.dma_semaphore, #tpu.memory_space<semaphore_mem>>) src(%dma_wait3A_390 : memref<32x128xf32, #tpu.memory_space<hbm>>) dst(%arg15 : memref<32x128xf32, #tpu.memory_space<vmem>>)
          %gather3A = tpu.vector_load_idx %arg15[%iota3A, %add3A_341] : memref<32x128xf32, #tpu.memory_space<vmem>>[vector<16xi32>, vector<16xi32>], vector<16xf32>,
          %add3A_391 = arith.constant 16 : i32
          %add3A_392 = vector.broadcast %add3A_391 : i32 to vector<16xi32>
          %add3A_393 = arith.addi %iota3A, %add3A_392 : vector<16xi32>
          %gather3A_394 = tpu.vector_load_idx %arg15[%add3A_393, %add3A_341] : memref<32x128xf32, #tpu.memory_space<vmem>>[vector<16xi32>, vector<16xi32>], vector<16xf32>,
          tpu.vector_store_idx %arg14[%iota3A, %add3A_334], %gather3A : memref<32x512xf32, #tpu.memory_space<vmem>>[vector<16xi32>, vector<16xi32>], vector<16xf32>,
          %add3A_395 = arith.constant 16 : i32
          %add3A_396 = vector.broadcast %add3A_395 : i32 to vector<16xi32>
          %add3A_397 = arith.addi %iota3A, %add3A_396 : vector<16xi32>
          tpu.vector_store_idx %arg14[%add3A_397, %add3A_334], %gather3A_394 : memref<32x512xf32, #tpu.memory_space<vmem>>[vector<16xi32>, vector<16xi32>], vector<16xf32>,
        } else {
        }
        %jit3A_362 = arith.constant 2 : i32
        %eq3A_363 = arith.constant 0 : i32
        %eq3A_364 = arith.cmpi eq, %jit3A_362, %eq3A_363 : i32
        %jit3A_365 = arith.constant 1 : i32
        %select_n3A_366 = arith.select %eq3A_364, %jit3A_365, %jit3A_362 : i32
        %rem3A_367 = arith.remsi %while3A_294, %select_n3A_366 : i32
        %ne3A_368 = arith.constant 0 : i32
        %ne3A_369 = arith.cmpi ne, %rem3A_367, %ne3A_368 : i32
        %lt3A_370 = arith.constant 0 : i32
        %lt3A_371 = arith.cmpi slt, %rem3A_367, %lt3A_370 : i32
        %lt3A_372 = arith.constant 0 : i32
        %lt3A_373 = arith.cmpi slt, %select_n3A_366, %lt3A_372 : i32
        %ne3A_374 = arith.xori %lt3A_371, %lt3A_373 : i1
        %and3A_375 = arith.andi %ne3A_374, %ne3A_369 : i1
        %add3A_376 = arith.addi %rem3A_367, %select_n3A_366 : i32
        %select_n3A_377 = arith.select %and3A_375, %add3A_376, %rem3A_367 : i32
        %eq3A_378 = arith.constant 1 : i32
        %eq3A_379 = arith.cmpi eq, %select_n3A_377, %eq3A_378 : i32
        %convert_element_type3A_380 = arith.extui %eq3A_379 : i1 to i32
        %cond3A_381 = arith.constant 0 : i32
        %cond3A_382 = arith.cmpi ne, %convert_element_type3A_380, %cond3A_381 : i32
        scf.if %cond3A_382 {
          %dma_wait3A_385 = arith.constant 0 : i32
          %dma_wait3A_386 = arith.constant 0 : i32
          %dma_wait3A_387 = tpu.memref_slice %arg4[%dma_wait3A_385, %dma_wait3A_386] : memref<32x16384xf32, #tpu.memory_space<hbm>> -> memref<32x128xf32, #tpu.memory_space<hbm>>
          %dma_wait3A_388 = arith.constant 0 : i32
          %dma_wait3A_389 = arith.constant 0 : i32
          %dma_wait3A_390 = tpu.memref_slice %arg4[%dma_wait3A_388, %dma_wait3A_389] : memref<32x16384xf32, #tpu.memory_space<hbm>> -> memref<32x128xf32, #tpu.memory_space<hbm>>
          tpu.wait_dma2 semaphore(%arg27 : memref<!tpu.dma_semaphore, #tpu.memory_space<semaphore_mem>>) src(%dma_wait3A_390 : memref<32x128xf32, #tpu.memory_space<hbm>>) dst(%arg16 : memref<32x128xf32, #tpu.memory_space<vmem>>)
          %gather3A = tpu.vector_load_idx %arg16[%iota3A, %add3A_341] : memref<32x128xf32, #tpu.memory_space<vmem>>[vector<16xi32>, vector<16xi32>], vector<16xf32>,
          %add3A_391 = arith.constant 16 : i32
          %add3A_392 = vector.broadcast %add3A_391 : i32 to vector<16xi32>
          %add3A_393 = arith.addi %iota3A, %add3A_392 : vector<16xi32>
          %gather3A_394 = tpu.vector_load_idx %arg16[%add3A_393, %add3A_341] : memref<32x128xf32, #tpu.memory_space<vmem>>[vector<16xi32>, vector<16xi32>], vector<16xf32>,
          tpu.vector_store_idx %arg14[%iota3A, %add3A_334], %gather3A : memref<32x512xf32, #tpu.memory_space<vmem>>[vector<16xi32>, vector<16xi32>], vector<16xf32>,
          %add3A_395 = arith.constant 16 : i32
          %add3A_396 = vector.broadcast %add3A_395 : i32 to vector<16xi32>
          %add3A_397 = arith.addi %iota3A, %add3A_396 : vector<16xi32>
          tpu.vector_store_idx %arg14[%add3A_397, %add3A_334], %gather3A_394 : memref<32x512xf32, #tpu.memory_space<vmem>>[vector<16xi32>, vector<16xi32>], vector<16xf32>,
        } else {
        }
        %add3A_383 = arith.constant 1 : i32
        %add3A_384 = arith.addi %while3A_294, %add3A_383 : i32
        scf.yield %add3A_384, %select_n3A_320 : i32, i32
      }
      %dma_start3A_279 = arith.constant 0 : i32
      %dma_start3A_280 = tpu.memref_slice %arg6[%dma_start3A_279, %multiple_of3A_269] : memref<32x1000000xf32, #tpu.memory_space<hbm>> -> memref<32x512xf32, #tpu.memory_space<hbm>>
      %dma_start3A_281 = arith.constant 0 : i32
      %dma_start3A_282 = tpu.memref_slice %arg6[%dma_start3A_281, %multiple_of3A_269] : memref<32x1000000xf32, #tpu.memory_space<hbm>> -> memref<32x512xf32, #tpu.memory_space<hbm>>
      tpu.enqueue_dma source(%arg14 : memref<32x512xf32, #tpu.memory_space<vmem>>) target(%dma_start3A_282 : memref<32x512xf32, #tpu.memory_space<hbm>>) target_semaphore(%arg25 : memref<!tpu.dma_semaphore, #tpu.memory_space<semaphore_mem>>)
      %ge3A_283 = arith.constant 2 : i32
      %ge3A_284 = arith.cmpi sge, %add3A_265, %ge3A_283 : i32
      %convert_element_type3A_285 = arith.extui %ge3A_284 : i1 to i32
      %cond3A_286 = arith.constant 0 : i32
      %cond3A_287 = arith.cmpi ne, %convert_element_type3A_285, %cond3A_286 : i32
      scf.if %cond3A_287 {
        %dma_wait3A_294 = arith.constant 0 : i32
        %dma_wait3A_295 = tpu.memref_slice %arg6[%dma_wait3A_294, %multiple_of3A_269] : memref<32x1000000xf32, #tpu.memory_space<hbm>> -> memref<32x512xf32, #tpu.memory_space<hbm>>
        %dma_wait3A_296 = arith.constant 0 : i32
        %dma_wait3A_297 = tpu.memref_slice %arg6[%dma_wait3A_296, %multiple_of3A_269] : memref<32x1000000xf32, #tpu.memory_space<hbm>> -> memref<32x512xf32, #tpu.memory_space<hbm>>
        tpu.wait_dma2 semaphore(%arg23 : memref<!tpu.dma_semaphore, #tpu.memory_space<semaphore_mem>>) src(%arg12 : memref<32x512xf32, #tpu.memory_space<vmem>>) dst(%dma_wait3A_297 : memref<32x512xf32, #tpu.memory_space<hbm>>)
      } else {
      }
      %add3A_288 = arith.constant 2 : i32
      %add3A_289 = arith.addi %add3A_265, %add3A_288 : i32
      %lt3A_290 = arith.cmpi slt, %add3A_289, %select_n3A_105 : i32
      %convert_element_type3A_291 = arith.extui %lt3A_290 : i1 to i32
      %cond3A_292 = arith.constant 0 : i32
      %cond3A_293 = arith.cmpi ne, %convert_element_type3A_291, %cond3A_292 : i32
      scf.if %cond3A_293 {
        %add3A_294 = arith.constant 2 : i32
        %add3A_295 = arith.addi %add3A_265, %add3A_294 : i32
        %mul3A_296 = arith.constant 512 : i32
        %mul3A_297 = arith.muli %add3A_295, %mul3A_296 : i32
        %add3A_298 = arith.addi %multiple_of3A, %mul3A_297 : i32
        %multiple_of3A_299 = tpu.assume_multiple %add3A_298, 128 : i32
        %dma_start3A_300 = arith.constant 0 : i32
        %dma_start3A_301 = tpu.memref_slice %arg2[%dma_start3A_300, %multiple_of3A_299] : memref<32x1000000xf32, #tpu.memory_space<hbm>> -> memref<32x512xf32, #tpu.memory_space<hbm>>
        %dma_start3A_302 = arith.constant 0 : i32
        %dma_start3A_303 = tpu.memref_slice %arg2[%dma_start3A_302, %multiple_of3A_299] : memref<32x1000000xf32, #tpu.memory_space<hbm>> -> memref<32x512xf32, #tpu.memory_space<hbm>>
        tpu.enqueue_dma source(%dma_start3A_303 : memref<32x512xf32, #tpu.memory_space<hbm>>) target(%arg12 : memref<32x512xf32, #tpu.memory_space<vmem>>) target_semaphore(%arg19 : memref<!tpu.dma_semaphore, #tpu.memory_space<semaphore_mem>>)
      } else {
      }
      scf.yield %while3A_278#0, %while3A_278#1 : i32, i32
    }
    %scan3A_112 = arith.constant 15 : i32
    %mul3A_113 = arith.constant 60 : i32
    %mul3A_114 = arith.constant 512 : i32
    %mul3A_115 = arith.muli %mul3A_113, %mul3A_114 : i32
    %add3A_116 = arith.addi %multiple_of3A, %mul3A_115 : i32
    %multiple_of3A_117 = tpu.assume_multiple %add3A_116, 128 : i32
    %mul3A_118 = arith.constant 60 : i32
    %mul3A_119 = arith.constant 512 : i32
    %mul3A_120 = arith.muli %mul3A_118, %mul3A_119 : i32
    %dma_wait3A = arith.constant 0 : i32
    %dma_wait3A_121 = tpu.memref_slice %arg2[%dma_wait3A, %multiple_of3A_117] : memref<32x1000000xf32, #tpu.memory_space<hbm>> -> memref<32x512xf32, #tpu.memory_space<hbm>>
    %dma_wait3A_122 = arith.constant 0 : i32
    %dma_wait3A_123 = tpu.memref_slice %arg2[%dma_wait3A_122, %multiple_of3A_117] : memref<32x1000000xf32, #tpu.memory_space<hbm>> -> memref<32x512xf32, #tpu.memory_space<hbm>>
    tpu.wait_dma2 semaphore(%arg18 : memref<!tpu.dma_semaphore, #tpu.memory_space<semaphore_mem>>) src(%dma_wait3A_123 : memref<32x512xf32, #tpu.memory_space<hbm>>) dst(%arg11 : memref<32x512xf32, #tpu.memory_space<vmem>>)
    %add3A_124 = arith.constant 512 : i32
    %add3A_125 = arith.addi %mul3A_120, %add3A_124 : i32
    %while3A:2 = scf.while (%while3A_163 = %scan3A_111#0, %while3A_164 = %scan3A_111#1) : (i32, i32) -> (i32, i32) {
      %shift_right_arithmetic3A_165 = arith.constant 14 : i32
      %shift_right_arithmetic3A_166 = arith.shrsi %while3A_164, %shift_right_arithmetic3A_165 : i32
      %lt3A_167 = arith.cmpi slt, %shift_right_arithmetic3A_166, %add3A_125 : i32
      scf.condition(%lt3A_167) %while3A_163, %while3A_164 : i32, i32
    } do {
    ^bb0(%while3A_163: i32, %while3A_164: i32):
      %add3A_165 = arith.constant 1 : i32
      %add3A_166 = arith.addi %while3A_163, %add3A_165 : i32
      %shift_right_arithmetic3A_167 = arith.constant 4 : i32
      %shift_right_arithmetic3A_168 = arith.shrsi %add3A_166, %shift_right_arithmetic3A_167 : i32
      %shift_left3A_169 = arith.constant 4 : i32
      %shift_left3A_170 = arith.shli %shift_right_arithmetic3A_168, %shift_left3A_169 : i32
      %get3A_171 = arith.index_cast %shift_left3A_170 : i32 to index
      %get3A_172 = tpu.vector_load %arg10[%get3A_171] {strides = array<i32>} : memref<16416xi32, #tpu.memory_space<vmem>>, vector<16xi32>,
      %sub3A_173 = arith.subi %add3A_166, %shift_left3A_170 : i32
      %eq3A_174 = vector.broadcast %sub3A_173 : i32 to vector<16xi32>
      %eq3A_175 = arith.cmpi eq, %iota3A, %eq3A_174 : vector<16xi32>
      %jit3A_176 = arith.constant -2147483648 : i32
      %broadcast_in_dim3A_177 = vector.broadcast %jit3A_176 : i32 to vector<16xi32>
      %select_n3A_178 = arith.select %eq3A_175, %get3A_172, %broadcast_in_dim3A_177 : vector<16xi1>, vector<16xi32>
      %reduce_max3A_179 = arith.constant true
      %reduce_max3A_180 = vector.broadcast %reduce_max3A_179 : i1 to vector<16xi1>
      %reduce_max3A_181 = arith.constant -2147483648 : i32
      %reduce_max3A_182 = vector.broadcast %reduce_max3A_181 : i32 to vector<16xi32>
      %reduce_max3A_183 = arith.xori %select_n3A_178, %reduce_max3A_182 : vector<16xi32>
      %reduce_max3A_184 = tpu.scan <max>, %reduce_max3A_183 masked %reduce_max3A_180 : vector<16xi32>, vector<16xi1> -> vector<16xi32>
      %reduce_max3A_185 = arith.xori %reduce_max3A_184, %reduce_max3A_182 : vector<16xi32>
      %reduce_max3A_186 = vector.extract %reduce_max3A_185[15] : i32 from vector<16xi32>
      %lt3A_187 = arith.cmpi slt, %add3A_166, %scan3A_77 : i32
      %jit3A_188 = arith.constant 2147483632 : i32
      %select_n3A_189 = arith.select %lt3A_187, %reduce_max3A_186, %jit3A_188 : i32
      %add3A_190 = arith.constant 1 : i32
      %add3A_191 = arith.addi %while3A_163, %add3A_190 : i32
      %ne3A_192 = arith.constant 2147483632 : i32
      %ne3A_193 = arith.cmpi ne, %select_n3A_189, %ne3A_192 : i32
      %convert_element_type3A_194 = arith.extui %ne3A_193 : i1 to i32
      %cond3A_195 = arith.constant 0 : i32
      %cond3A_196 = arith.cmpi ne, %convert_element_type3A_194, %cond3A_195 : i32
      scf.if %cond3A_196 {
        %jit3A_254 = arith.constant 2 : i32
        %eq3A_255 = arith.constant 0 : i32
        %eq3A_256 = arith.cmpi eq, %jit3A_254, %eq3A_255 : i32
        %jit3A_257 = arith.constant 1 : i32
        %select_n3A_258 = arith.select %eq3A_256, %jit3A_257, %jit3A_254 : i32
        %rem3A_259 = arith.remsi %add3A_191, %select_n3A_258 : i32
        %ne3A_260 = arith.constant 0 : i32
        %ne3A_261 = arith.cmpi ne, %rem3A_259, %ne3A_260 : i32
        %lt3A_262 = arith.constant 0 : i32
        %lt3A_263 = arith.cmpi slt, %rem3A_259, %lt3A_262 : i32
        %lt3A_264 = arith.constant 0 : i32
        %lt3A_265 = arith.cmpi slt, %select_n3A_258, %lt3A_264 : i32
        %ne3A_266 = arith.xori %lt3A_263, %lt3A_265 : i1
        %and3A_267 = arith.andi %ne3A_266, %ne3A_261 : i1
        %add3A_268 = arith.addi %rem3A_259, %select_n3A_258 : i32
        %select_n3A_269 = arith.select %and3A_267, %add3A_268, %rem3A_259 : i32
        %eq3A_270 = arith.constant 0 : i32
        %eq3A_271 = arith.cmpi eq, %select_n3A_269, %eq3A_270 : i32
        %convert_element_type3A_272 = arith.extui %eq3A_271 : i1 to i32
        %cond3A_273 = arith.constant 0 : i32
        %cond3A_274 = arith.cmpi ne, %convert_element_type3A_272, %cond3A_273 : i32
        scf.if %cond3A_274 {
          %and3A_296 = arith.constant 16383 : i32
          %and3A_297 = arith.andi %select_n3A_189, %and3A_296 : i32
          %shift_right_arithmetic3A_298 = arith.constant 7 : i32
          %shift_right_arithmetic3A_299 = arith.shrsi %and3A_297, %shift_right_arithmetic3A_298 : i32
          %mul3A_300 = arith.constant 128 : i32
          %mul3A_301 = arith.muli %shift_right_arithmetic3A_299, %mul3A_300 : i32
          %multiple_of3A_302 = tpu.assume_multiple %mul3A_301, 128 : i32
          %dma_start3A_303 = arith.constant 0 : i32
          %dma_start3A_304 = tpu.memref_slice %arg4[%dma_start3A_303, %multiple_of3A_302] : memref<32x16384xf32, #tpu.memory_space<hbm>> -> memref<32x128xf32, #tpu.memory_space<hbm>>
          %dma_start3A_305 = arith.constant 0 : i32
          %dma_start3A_306 = tpu.memref_slice %arg4[%dma_start3A_305, %multiple_of3A_302] : memref<32x16384xf32, #tpu.memory_space<hbm>> -> memref<32x128xf32, #tpu.memory_space<hbm>>
          tpu.enqueue_dma source(%dma_start3A_306 : memref<32x128xf32, #tpu.memory_space<hbm>>) target(%arg15 : memref<32x128xf32, #tpu.memory_space<vmem>>) target_semaphore(%arg26 : memref<!tpu.dma_semaphore, #tpu.memory_space<semaphore_mem>>)
        } else {
        }
        %jit3A_275 = arith.constant 2 : i32
        %eq3A_276 = arith.constant 0 : i32
        %eq3A_277 = arith.cmpi eq, %jit3A_275, %eq3A_276 : i32
        %jit3A_278 = arith.constant 1 : i32
        %select_n3A_279 = arith.select %eq3A_277, %jit3A_278, %jit3A_275 : i32
        %rem3A_280 = arith.remsi %add3A_191, %select_n3A_279 : i32
        %ne3A_281 = arith.constant 0 : i32
        %ne3A_282 = arith.cmpi ne, %rem3A_280, %ne3A_281 : i32
        %lt3A_283 = arith.constant 0 : i32
        %lt3A_284 = arith.cmpi slt, %rem3A_280, %lt3A_283 : i32
        %lt3A_285 = arith.constant 0 : i32
        %lt3A_286 = arith.cmpi slt, %select_n3A_279, %lt3A_285 : i32
        %ne3A_287 = arith.xori %lt3A_284, %lt3A_286 : i1
        %and3A_288 = arith.andi %ne3A_287, %ne3A_282 : i1
        %add3A_289 = arith.addi %rem3A_280, %select_n3A_279 : i32
        %select_n3A_290 = arith.select %and3A_288, %add3A_289, %rem3A_280 : i32
        %eq3A_291 = arith.constant 1 : i32
        %eq3A_292 = arith.cmpi eq, %select_n3A_290, %eq3A_291 : i32
        %convert_element_type3A_293 = arith.extui %eq3A_292 : i1 to i32
        %cond3A_294 = arith.constant 0 : i32
        %cond3A_295 = arith.cmpi ne, %convert_element_type3A_293, %cond3A_294 : i32
        scf.if %cond3A_295 {
          %and3A_296 = arith.constant 16383 : i32
          %and3A_297 = arith.andi %select_n3A_189, %and3A_296 : i32
          %shift_right_arithmetic3A_298 = arith.constant 7 : i32
          %shift_right_arithmetic3A_299 = arith.shrsi %and3A_297, %shift_right_arithmetic3A_298 : i32
          %mul3A_300 = arith.constant 128 : i32
          %mul3A_301 = arith.muli %shift_right_arithmetic3A_299, %mul3A_300 : i32
          %multiple_of3A_302 = tpu.assume_multiple %mul3A_301, 128 : i32
          %dma_start3A_303 = arith.constant 0 : i32
          %dma_start3A_304 = tpu.memref_slice %arg4[%dma_start3A_303, %multiple_of3A_302] : memref<32x16384xf32, #tpu.memory_space<hbm>> -> memref<32x128xf32, #tpu.memory_space<hbm>>
          %dma_start3A_305 = arith.constant 0 : i32
          %dma_start3A_306 = tpu.memref_slice %arg4[%dma_start3A_305, %multiple_of3A_302] : memref<32x16384xf32, #tpu.memory_space<hbm>> -> memref<32x128xf32, #tpu.memory_space<hbm>>
          tpu.enqueue_dma source(%dma_start3A_306 : memref<32x128xf32, #tpu.memory_space<hbm>>) target(%arg16 : memref<32x128xf32, #tpu.memory_space<vmem>>) target_semaphore(%arg27 : memref<!tpu.dma_semaphore, #tpu.memory_space<semaphore_mem>>)
        } else {
        }
      } else {
      }
      %broadcast_in_dim3A_197 = arith.constant 0 : i32
      %broadcast_in_dim3A_198 = vector.broadcast %broadcast_in_dim3A_197 : i32 to vector<16xi32>
      %shift_right_arithmetic3A_199 = arith.constant 14 : i32
      %shift_right_arithmetic3A_200 = arith.shrsi %while3A_164, %shift_right_arithmetic3A_199 : i32
      %sub3A_201 = arith.subi %shift_right_arithmetic3A_200, %mul3A_120 : i32
      %add3A_202 = vector.broadcast %sub3A_201 : i32 to vector<16xi32>
      %add3A_203 = arith.addi %broadcast_in_dim3A_198, %add3A_202 : vector<16xi32>
      %broadcast_in_dim3A_204 = arith.constant 0 : i32
      %broadcast_in_dim3A_205 = vector.broadcast %broadcast_in_dim3A_204 : i32 to vector<16xi32>
      %and3A = arith.constant 16383 : i32
      %and3A_206 = arith.andi %while3A_164, %and3A : i32
      %and3A_207 = arith.constant 127 : i32
      %and3A_208 = arith.andi %and3A_206, %and3A_207 : i32
      %add3A_209 = vector.broadcast %and3A_208 : i32 to vector<16xi32>
      %add3A_210 = arith.addi %broadcast_in_dim3A_205, %add3A_209 : vector<16xi32>
      %jit3A_211 = arith.constant 2 : i32
      %eq3A_212 = arith.constant 0 : i32
      %eq3A_213 = arith.cmpi eq, %jit3A_211, %eq3A_212 : i32
      %jit3A_214 = arith.constant 1 : i32
      %select_n3A_215 = arith.select %eq3A_213, %jit3A_214, %jit3A_211 : i32
      %rem3A = arith.remsi %while3A_163, %select_n3A_215 : i32
      %ne3A_216 = arith.constant 0 : i32
      %ne3A_217 = arith.cmpi ne, %rem3A, %ne3A_216 : i32
      %lt3A_218 = arith.constant 0 : i32
      %lt3A_219 = arith.cmpi slt, %rem3A, %lt3A_218 : i32
      %lt3A_220 = arith.constant 0 : i32
      %lt3A_221 = arith.cmpi slt, %select_n3A_215, %lt3A_220 : i32
      %ne3A_222 = arith.xori %lt3A_219, %lt3A_221 : i1
      %and3A_223 = arith.andi %ne3A_222, %ne3A_217 : i1
      %add3A_224 = arith.addi %rem3A, %select_n3A_215 : i32
      %select_n3A_225 = arith.select %and3A_223, %add3A_224, %rem3A : i32
      %eq3A_226 = arith.constant 0 : i32
      %eq3A_227 = arith.cmpi eq, %select_n3A_225, %eq3A_226 : i32
      %convert_element_type3A_228 = arith.extui %eq3A_227 : i1 to i32
      %cond3A_229 = arith.constant 0 : i32
      %cond3A_230 = arith.cmpi ne, %convert_element_type3A_228, %cond3A_229 : i32
      scf.if %cond3A_230 {
        %dma_wait3A_254 = arith.constant 0 : i32
        %dma_wait3A_255 = arith.constant 0 : i32
        %dma_wait3A_256 = tpu.memref_slice %arg4[%dma_wait3A_254, %dma_wait3A_255] : memref<32x16384xf32, #tpu.memory_space<hbm>> -> memref<32x128xf32, #tpu.memory_space<hbm>>
        %dma_wait3A_257 = arith.constant 0 : i32
        %dma_wait3A_258 = arith.constant 0 : i32
        %dma_wait3A_259 = tpu.memref_slice %arg4[%dma_wait3A_257, %dma_wait3A_258] : memref<32x16384xf32, #tpu.memory_space<hbm>> -> memref<32x128xf32, #tpu.memory_space<hbm>>
        tpu.wait_dma2 semaphore(%arg26 : memref<!tpu.dma_semaphore, #tpu.memory_space<semaphore_mem>>) src(%dma_wait3A_259 : memref<32x128xf32, #tpu.memory_space<hbm>>) dst(%arg15 : memref<32x128xf32, #tpu.memory_space<vmem>>)
        %gather3A = tpu.vector_load_idx %arg15[%iota3A, %add3A_210] : memref<32x128xf32, #tpu.memory_space<vmem>>[vector<16xi32>, vector<16xi32>], vector<16xf32>,
        %add3A_260 = arith.constant 16 : i32
        %add3A_261 = vector.broadcast %add3A_260 : i32 to vector<16xi32>
        %add3A_262 = arith.addi %iota3A, %add3A_261 : vector<16xi32>
        %gather3A_263 = tpu.vector_load_idx %arg15[%add3A_262, %add3A_210] : memref<32x128xf32, #tpu.memory_space<vmem>>[vector<16xi32>, vector<16xi32>], vector<16xf32>,
        tpu.vector_store_idx %arg11[%iota3A, %add3A_203], %gather3A : memref<32x512xf32, #tpu.memory_space<vmem>>[vector<16xi32>, vector<16xi32>], vector<16xf32>,
        %add3A_264 = arith.constant 16 : i32
        %add3A_265 = vector.broadcast %add3A_264 : i32 to vector<16xi32>
        %add3A_266 = arith.addi %iota3A, %add3A_265 : vector<16xi32>
        tpu.vector_store_idx %arg11[%add3A_266, %add3A_203], %gather3A_263 : memref<32x512xf32, #tpu.memory_space<vmem>>[vector<16xi32>, vector<16xi32>], vector<16xf32>,
      } else {
      }
      %jit3A_231 = arith.constant 2 : i32
      %eq3A_232 = arith.constant 0 : i32
      %eq3A_233 = arith.cmpi eq, %jit3A_231, %eq3A_232 : i32
      %jit3A_234 = arith.constant 1 : i32
      %select_n3A_235 = arith.select %eq3A_233, %jit3A_234, %jit3A_231 : i32
      %rem3A_236 = arith.remsi %while3A_163, %select_n3A_235 : i32
      %ne3A_237 = arith.constant 0 : i32
      %ne3A_238 = arith.cmpi ne, %rem3A_236, %ne3A_237 : i32
      %lt3A_239 = arith.constant 0 : i32
      %lt3A_240 = arith.cmpi slt, %rem3A_236, %lt3A_239 : i32
      %lt3A_241 = arith.constant 0 : i32
      %lt3A_242 = arith.cmpi slt, %select_n3A_235, %lt3A_241 : i32
      %ne3A_243 = arith.xori %lt3A_240, %lt3A_242 : i1
      %and3A_244 = arith.andi %ne3A_243, %ne3A_238 : i1
      %add3A_245 = arith.addi %rem3A_236, %select_n3A_235 : i32
      %select_n3A_246 = arith.select %and3A_244, %add3A_245, %rem3A_236 : i32
      %eq3A_247 = arith.constant 1 : i32
      %eq3A_248 = arith.cmpi eq, %select_n3A_246, %eq3A_247 : i32
      %convert_element_type3A_249 = arith.extui %eq3A_248 : i1 to i32
      %cond3A_250 = arith.constant 0 : i32
      %cond3A_251 = arith.cmpi ne, %convert_element_type3A_249, %cond3A_250 : i32
      scf.if %cond3A_251 {
        %dma_wait3A_254 = arith.constant 0 : i32
        %dma_wait3A_255 = arith.constant 0 : i32
        %dma_wait3A_256 = tpu.memref_slice %arg4[%dma_wait3A_254, %dma_wait3A_255] : memref<32x16384xf32, #tpu.memory_space<hbm>> -> memref<32x128xf32, #tpu.memory_space<hbm>>
        %dma_wait3A_257 = arith.constant 0 : i32
        %dma_wait3A_258 = arith.constant 0 : i32
        %dma_wait3A_259 = tpu.memref_slice %arg4[%dma_wait3A_257, %dma_wait3A_258] : memref<32x16384xf32, #tpu.memory_space<hbm>> -> memref<32x128xf32, #tpu.memory_space<hbm>>
        tpu.wait_dma2 semaphore(%arg27 : memref<!tpu.dma_semaphore, #tpu.memory_space<semaphore_mem>>) src(%dma_wait3A_259 : memref<32x128xf32, #tpu.memory_space<hbm>>) dst(%arg16 : memref<32x128xf32, #tpu.memory_space<vmem>>)
        %gather3A = tpu.vector_load_idx %arg16[%iota3A, %add3A_210] : memref<32x128xf32, #tpu.memory_space<vmem>>[vector<16xi32>, vector<16xi32>], vector<16xf32>,
        %add3A_260 = arith.constant 16 : i32
        %add3A_261 = vector.broadcast %add3A_260 : i32 to vector<16xi32>
        %add3A_262 = arith.addi %iota3A, %add3A_261 : vector<16xi32>
        %gather3A_263 = tpu.vector_load_idx %arg16[%add3A_262, %add3A_210] : memref<32x128xf32, #tpu.memory_space<vmem>>[vector<16xi32>, vector<16xi32>], vector<16xf32>,
        tpu.vector_store_idx %arg11[%iota3A, %add3A_203], %gather3A : memref<32x512xf32, #tpu.memory_space<vmem>>[vector<16xi32>, vector<16xi32>], vector<16xf32>,
        %add3A_264 = arith.constant 16 : i32
        %add3A_265 = vector.broadcast %add3A_264 : i32 to vector<16xi32>
        %add3A_266 = arith.addi %iota3A, %add3A_265 : vector<16xi32>
        tpu.vector_store_idx %arg11[%add3A_266, %add3A_203], %gather3A_263 : memref<32x512xf32, #tpu.memory_space<vmem>>[vector<16xi32>, vector<16xi32>], vector<16xf32>,
      } else {
      }
      %add3A_252 = arith.constant 1 : i32
      %add3A_253 = arith.addi %while3A_163, %add3A_252 : i32
      scf.yield %add3A_253, %select_n3A_189 : i32, i32
    }
    %dma_start3A_126 = arith.constant 0 : i32
    %dma_start3A_127 = tpu.memref_slice %arg6[%dma_start3A_126, %multiple_of3A_117] : memref<32x1000000xf32, #tpu.memory_space<hbm>> -> memref<32x512xf32, #tpu.memory_space<hbm>>
    %dma_start3A_128 = arith.constant 0 : i32
    %dma_start3A_129 = tpu.memref_slice %arg6[%dma_start3A_128, %multiple_of3A_117] : memref<32x1000000xf32, #tpu.memory_space<hbm>> -> memref<32x512xf32, #tpu.memory_space<hbm>>
    tpu.enqueue_dma source(%arg11 : memref<32x512xf32, #tpu.memory_space<vmem>>) target(%dma_start3A_129 : memref<32x512xf32, #tpu.memory_space<hbm>>) target_semaphore(%arg22 : memref<!tpu.dma_semaphore, #tpu.memory_space<semaphore_mem>>)
    %ge3A = arith.constant 60 : i32
    %ge3A_130 = arith.constant 2 : i32
    %ge3A_131 = arith.cmpi sge, %ge3A, %ge3A_130 : i32
    %convert_element_type3A_132 = arith.extui %ge3A_131 : i1 to i32
    %cond3A_133 = arith.constant 0 : i32
    %cond3A_134 = arith.cmpi ne, %convert_element_type3A_132, %cond3A_133 : i32
    scf.if %cond3A_134 {
      %dma_wait3A_163 = arith.constant 0 : i32
      %dma_wait3A_164 = tpu.memref_slice %arg6[%dma_wait3A_163, %multiple_of3A_117] : memref<32x1000000xf32, #tpu.memory_space<hbm>> -> memref<32x512xf32, #tpu.memory_space<hbm>>
      %dma_wait3A_165 = arith.constant 0 : i32
      %dma_wait3A_166 = tpu.memref_slice %arg6[%dma_wait3A_165, %multiple_of3A_117] : memref<32x1000000xf32, #tpu.memory_space<hbm>> -> memref<32x512xf32, #tpu.memory_space<hbm>>
      tpu.wait_dma2 semaphore(%arg24 : memref<!tpu.dma_semaphore, #tpu.memory_space<semaphore_mem>>) src(%arg13 : memref<32x512xf32, #tpu.memory_space<vmem>>) dst(%dma_wait3A_166 : memref<32x512xf32, #tpu.memory_space<hbm>>)
    } else {
    }
    %add3A_135 = arith.constant 60 : i32
    %add3A_136 = arith.constant 2 : i32
    %add3A_137 = arith.addi %add3A_135, %add3A_136 : i32
    %lt3A_138 = arith.cmpi slt, %add3A_137, %select_n3A_105 : i32
    %convert_element_type3A_139 = arith.extui %lt3A_138 : i1 to i32
    %cond3A_140 = arith.constant 60 : i32
    %cond3A_141 = arith.constant 0 : i32
    %cond3A_142 = arith.cmpi ne, %convert_element_type3A_139, %cond3A_141 : i32
    scf.if %cond3A_142 {
      %add3A_163 = arith.constant 2 : i32
      %add3A_164 = arith.addi %cond3A_140, %add3A_163 : i32
      %mul3A_165 = arith.constant 512 : i32
      %mul3A_166 = arith.muli %add3A_164, %mul3A_165 : i32
      %add3A_167 = arith.addi %multiple_of3A, %mul3A_166 : i32
      %multiple_of3A_168 = tpu.assume_multiple %add3A_167, 128 : i32
      %dma_start3A_169 = arith.constant 0 : i32
      %dma_start3A_170 = tpu.memref_slice %arg2[%dma_start3A_169, %multiple_of3A_168] : memref<32x1000000xf32, #tpu.memory_space<hbm>> -> memref<32x512xf32, #tpu.memory_space<hbm>>
      %dma_start3A_171 = arith.constant 0 : i32
      %dma_start3A_172 = tpu.memref_slice %arg2[%dma_start3A_171, %multiple_of3A_168] : memref<32x1000000xf32, #tpu.memory_space<hbm>> -> memref<32x512xf32, #tpu.memory_space<hbm>>
      tpu.enqueue_dma source(%dma_start3A_172 : memref<32x512xf32, #tpu.memory_space<hbm>>) target(%arg13 : memref<32x512xf32, #tpu.memory_space<vmem>>) target_semaphore(%arg20 : memref<!tpu.dma_semaphore, #tpu.memory_space<semaphore_mem>>)
    } else {
    }
    %eq3A_143 = arith.constant 31 : i32
    %eq3A_144 = arith.cmpi eq, %add3A, %eq3A_143 : i32
    %convert_element_type3A_145 = arith.extui %eq3A_144 : i1 to i32
    %cond3A_146 = arith.constant 0 : i32
    %cond3A_147 = arith.cmpi ne, %convert_element_type3A_145, %cond3A_146 : i32
    scf.if %cond3A_147 {
      %mul3A_163 = arith.constant 61 : i32
      %mul3A_164 = arith.constant 512 : i32
      %mul3A_165 = arith.muli %mul3A_163, %mul3A_164 : i32
      %add3A_166 = arith.addi %multiple_of3A, %mul3A_165 : i32
      %multiple_of3A_167 = tpu.assume_multiple %add3A_166, 128 : i32
      %mul3A_168 = arith.constant 61 : i32
      %mul3A_169 = arith.constant 512 : i32
      %mul3A_170 = arith.muli %mul3A_168, %mul3A_169 : i32
      %dma_wait3A_171 = arith.constant 0 : i32
      %dma_wait3A_172 = tpu.memref_slice %arg2[%dma_wait3A_171, %multiple_of3A_167] : memref<32x1000000xf32, #tpu.memory_space<hbm>> -> memref<32x512xf32, #tpu.memory_space<hbm>>
      %dma_wait3A_173 = arith.constant 0 : i32
      %dma_wait3A_174 = tpu.memref_slice %arg2[%dma_wait3A_173, %multiple_of3A_167] : memref<32x1000000xf32, #tpu.memory_space<hbm>> -> memref<32x512xf32, #tpu.memory_space<hbm>>
      tpu.wait_dma2 semaphore(%arg19 : memref<!tpu.dma_semaphore, #tpu.memory_space<semaphore_mem>>) src(%dma_wait3A_174 : memref<32x512xf32, #tpu.memory_space<hbm>>) dst(%arg12 : memref<32x512xf32, #tpu.memory_space<vmem>>)
      %add3A_175 = arith.constant 512 : i32
      %add3A_176 = arith.addi %mul3A_170, %add3A_175 : i32
      %while3A_177:2 = scf.while (%while3A_196 = %while3A#0, %while3A_197 = %while3A#1) : (i32, i32) -> (i32, i32) {
        %shift_right_arithmetic3A_198 = arith.constant 14 : i32
        %shift_right_arithmetic3A_199 = arith.shrsi %while3A_197, %shift_right_arithmetic3A_198 : i32
        %lt3A_200 = arith.cmpi slt, %shift_right_arithmetic3A_199, %add3A_176 : i32
        scf.condition(%lt3A_200) %while3A_196, %while3A_197 : i32, i32
      } do {
      ^bb0(%while3A_196: i32, %while3A_197: i32):
        %add3A_198 = arith.constant 1 : i32
        %add3A_199 = arith.addi %while3A_196, %add3A_198 : i32
        %shift_right_arithmetic3A_200 = arith.constant 4 : i32
        %shift_right_arithmetic3A_201 = arith.shrsi %add3A_199, %shift_right_arithmetic3A_200 : i32
        %shift_left3A_202 = arith.constant 4 : i32
        %shift_left3A_203 = arith.shli %shift_right_arithmetic3A_201, %shift_left3A_202 : i32
        %get3A_204 = arith.index_cast %shift_left3A_203 : i32 to index
        %get3A_205 = tpu.vector_load %arg10[%get3A_204] {strides = array<i32>} : memref<16416xi32, #tpu.memory_space<vmem>>, vector<16xi32>,
        %sub3A_206 = arith.subi %add3A_199, %shift_left3A_203 : i32
        %eq3A_207 = vector.broadcast %sub3A_206 : i32 to vector<16xi32>
        %eq3A_208 = arith.cmpi eq, %iota3A, %eq3A_207 : vector<16xi32>
        %jit3A_209 = arith.constant -2147483648 : i32
        %broadcast_in_dim3A_210 = vector.broadcast %jit3A_209 : i32 to vector<16xi32>
        %select_n3A_211 = arith.select %eq3A_208, %get3A_205, %broadcast_in_dim3A_210 : vector<16xi1>, vector<16xi32>
        %reduce_max3A_212 = arith.constant true
        %reduce_max3A_213 = vector.broadcast %reduce_max3A_212 : i1 to vector<16xi1>
        %reduce_max3A_214 = arith.constant -2147483648 : i32
        %reduce_max3A_215 = vector.broadcast %reduce_max3A_214 : i32 to vector<16xi32>
        %reduce_max3A_216 = arith.xori %select_n3A_211, %reduce_max3A_215 : vector<16xi32>
        %reduce_max3A_217 = tpu.scan <max>, %reduce_max3A_216 masked %reduce_max3A_213 : vector<16xi32>, vector<16xi1> -> vector<16xi32>
        %reduce_max3A_218 = arith.xori %reduce_max3A_217, %reduce_max3A_215 : vector<16xi32>
        %reduce_max3A_219 = vector.extract %reduce_max3A_218[15] : i32 from vector<16xi32>
        %lt3A_220 = arith.cmpi slt, %add3A_199, %scan3A_77 : i32
        %jit3A_221 = arith.constant 2147483632 : i32
        %select_n3A_222 = arith.select %lt3A_220, %reduce_max3A_219, %jit3A_221 : i32
        %add3A_223 = arith.constant 1 : i32
        %add3A_224 = arith.addi %while3A_196, %add3A_223 : i32
        %ne3A_225 = arith.constant 2147483632 : i32
        %ne3A_226 = arith.cmpi ne, %select_n3A_222, %ne3A_225 : i32
        %convert_element_type3A_227 = arith.extui %ne3A_226 : i1 to i32
        %cond3A_228 = arith.constant 0 : i32
        %cond3A_229 = arith.cmpi ne, %convert_element_type3A_227, %cond3A_228 : i32
        scf.if %cond3A_229 {
          %jit3A_287 = arith.constant 2 : i32
          %eq3A_288 = arith.constant 0 : i32
          %eq3A_289 = arith.cmpi eq, %jit3A_287, %eq3A_288 : i32
          %jit3A_290 = arith.constant 1 : i32
          %select_n3A_291 = arith.select %eq3A_289, %jit3A_290, %jit3A_287 : i32
          %rem3A_292 = arith.remsi %add3A_224, %select_n3A_291 : i32
          %ne3A_293 = arith.constant 0 : i32
          %ne3A_294 = arith.cmpi ne, %rem3A_292, %ne3A_293 : i32
          %lt3A_295 = arith.constant 0 : i32
          %lt3A_296 = arith.cmpi slt, %rem3A_292, %lt3A_295 : i32
          %lt3A_297 = arith.constant 0 : i32
          %lt3A_298 = arith.cmpi slt, %select_n3A_291, %lt3A_297 : i32
          %ne3A_299 = arith.xori %lt3A_296, %lt3A_298 : i1
          %and3A_300 = arith.andi %ne3A_299, %ne3A_294 : i1
          %add3A_301 = arith.addi %rem3A_292, %select_n3A_291 : i32
          %select_n3A_302 = arith.select %and3A_300, %add3A_301, %rem3A_292 : i32
          %eq3A_303 = arith.constant 0 : i32
          %eq3A_304 = arith.cmpi eq, %select_n3A_302, %eq3A_303 : i32
          %convert_element_type3A_305 = arith.extui %eq3A_304 : i1 to i32
          %cond3A_306 = arith.constant 0 : i32
          %cond3A_307 = arith.cmpi ne, %convert_element_type3A_305, %cond3A_306 : i32
          scf.if %cond3A_307 {
            %and3A_329 = arith.constant 16383 : i32
            %and3A_330 = arith.andi %select_n3A_222, %and3A_329 : i32
            %shift_right_arithmetic3A_331 = arith.constant 7 : i32
            %shift_right_arithmetic3A_332 = arith.shrsi %and3A_330, %shift_right_arithmetic3A_331 : i32
            %mul3A_333 = arith.constant 128 : i32
            %mul3A_334 = arith.muli %shift_right_arithmetic3A_332, %mul3A_333 : i32
            %multiple_of3A_335 = tpu.assume_multiple %mul3A_334, 128 : i32
            %dma_start3A_336 = arith.constant 0 : i32
            %dma_start3A_337 = tpu.memref_slice %arg4[%dma_start3A_336, %multiple_of3A_335] : memref<32x16384xf32, #tpu.memory_space<hbm>> -> memref<32x128xf32, #tpu.memory_space<hbm>>
            %dma_start3A_338 = arith.constant 0 : i32
            %dma_start3A_339 = tpu.memref_slice %arg4[%dma_start3A_338, %multiple_of3A_335] : memref<32x16384xf32, #tpu.memory_space<hbm>> -> memref<32x128xf32, #tpu.memory_space<hbm>>
            tpu.enqueue_dma source(%dma_start3A_339 : memref<32x128xf32, #tpu.memory_space<hbm>>) target(%arg15 : memref<32x128xf32, #tpu.memory_space<vmem>>) target_semaphore(%arg26 : memref<!tpu.dma_semaphore, #tpu.memory_space<semaphore_mem>>)
          } else {
          }
          %jit3A_308 = arith.constant 2 : i32
          %eq3A_309 = arith.constant 0 : i32
          %eq3A_310 = arith.cmpi eq, %jit3A_308, %eq3A_309 : i32
          %jit3A_311 = arith.constant 1 : i32
          %select_n3A_312 = arith.select %eq3A_310, %jit3A_311, %jit3A_308 : i32
          %rem3A_313 = arith.remsi %add3A_224, %select_n3A_312 : i32
          %ne3A_314 = arith.constant 0 : i32
          %ne3A_315 = arith.cmpi ne, %rem3A_313, %ne3A_314 : i32
          %lt3A_316 = arith.constant 0 : i32
          %lt3A_317 = arith.cmpi slt, %rem3A_313, %lt3A_316 : i32
          %lt3A_318 = arith.constant 0 : i32
          %lt3A_319 = arith.cmpi slt, %select_n3A_312, %lt3A_318 : i32
          %ne3A_320 = arith.xori %lt3A_317, %lt3A_319 : i1
          %and3A_321 = arith.andi %ne3A_320, %ne3A_315 : i1
          %add3A_322 = arith.addi %rem3A_313, %select_n3A_312 : i32
          %select_n3A_323 = arith.select %and3A_321, %add3A_322, %rem3A_313 : i32
          %eq3A_324 = arith.constant 1 : i32
          %eq3A_325 = arith.cmpi eq, %select_n3A_323, %eq3A_324 : i32
          %convert_element_type3A_326 = arith.extui %eq3A_325 : i1 to i32
          %cond3A_327 = arith.constant 0 : i32
          %cond3A_328 = arith.cmpi ne, %convert_element_type3A_326, %cond3A_327 : i32
          scf.if %cond3A_328 {
            %and3A_329 = arith.constant 16383 : i32
            %and3A_330 = arith.andi %select_n3A_222, %and3A_329 : i32
            %shift_right_arithmetic3A_331 = arith.constant 7 : i32
            %shift_right_arithmetic3A_332 = arith.shrsi %and3A_330, %shift_right_arithmetic3A_331 : i32
            %mul3A_333 = arith.constant 128 : i32
            %mul3A_334 = arith.muli %shift_right_arithmetic3A_332, %mul3A_333 : i32
            %multiple_of3A_335 = tpu.assume_multiple %mul3A_334, 128 : i32
            %dma_start3A_336 = arith.constant 0 : i32
            %dma_start3A_337 = tpu.memref_slice %arg4[%dma_start3A_336, %multiple_of3A_335] : memref<32x16384xf32, #tpu.memory_space<hbm>> -> memref<32x128xf32, #tpu.memory_space<hbm>>
            %dma_start3A_338 = arith.constant 0 : i32
            %dma_start3A_339 = tpu.memref_slice %arg4[%dma_start3A_338, %multiple_of3A_335] : memref<32x16384xf32, #tpu.memory_space<hbm>> -> memref<32x128xf32, #tpu.memory_space<hbm>>
            tpu.enqueue_dma source(%dma_start3A_339 : memref<32x128xf32, #tpu.memory_space<hbm>>) target(%arg16 : memref<32x128xf32, #tpu.memory_space<vmem>>) target_semaphore(%arg27 : memref<!tpu.dma_semaphore, #tpu.memory_space<semaphore_mem>>)
          } else {
          }
        } else {
        }
        %broadcast_in_dim3A_230 = arith.constant 0 : i32
        %broadcast_in_dim3A_231 = vector.broadcast %broadcast_in_dim3A_230 : i32 to vector<16xi32>
        %shift_right_arithmetic3A_232 = arith.constant 14 : i32
        %shift_right_arithmetic3A_233 = arith.shrsi %while3A_197, %shift_right_arithmetic3A_232 : i32
        %sub3A_234 = arith.subi %shift_right_arithmetic3A_233, %mul3A_170 : i32
        %add3A_235 = vector.broadcast %sub3A_234 : i32 to vector<16xi32>
        %add3A_236 = arith.addi %broadcast_in_dim3A_231, %add3A_235 : vector<16xi32>
        %broadcast_in_dim3A_237 = arith.constant 0 : i32
        %broadcast_in_dim3A_238 = vector.broadcast %broadcast_in_dim3A_237 : i32 to vector<16xi32>
        %and3A = arith.constant 16383 : i32
        %and3A_239 = arith.andi %while3A_197, %and3A : i32
        %and3A_240 = arith.constant 127 : i32
        %and3A_241 = arith.andi %and3A_239, %and3A_240 : i32
        %add3A_242 = vector.broadcast %and3A_241 : i32 to vector<16xi32>
        %add3A_243 = arith.addi %broadcast_in_dim3A_238, %add3A_242 : vector<16xi32>
        %jit3A_244 = arith.constant 2 : i32
        %eq3A_245 = arith.constant 0 : i32
        %eq3A_246 = arith.cmpi eq, %jit3A_244, %eq3A_245 : i32
        %jit3A_247 = arith.constant 1 : i32
        %select_n3A_248 = arith.select %eq3A_246, %jit3A_247, %jit3A_244 : i32
        %rem3A = arith.remsi %while3A_196, %select_n3A_248 : i32
        %ne3A_249 = arith.constant 0 : i32
        %ne3A_250 = arith.cmpi ne, %rem3A, %ne3A_249 : i32
        %lt3A_251 = arith.constant 0 : i32
        %lt3A_252 = arith.cmpi slt, %rem3A, %lt3A_251 : i32
        %lt3A_253 = arith.constant 0 : i32
        %lt3A_254 = arith.cmpi slt, %select_n3A_248, %lt3A_253 : i32
        %ne3A_255 = arith.xori %lt3A_252, %lt3A_254 : i1
        %and3A_256 = arith.andi %ne3A_255, %ne3A_250 : i1
        %add3A_257 = arith.addi %rem3A, %select_n3A_248 : i32
        %select_n3A_258 = arith.select %and3A_256, %add3A_257, %rem3A : i32
        %eq3A_259 = arith.constant 0 : i32
        %eq3A_260 = arith.cmpi eq, %select_n3A_258, %eq3A_259 : i32
        %convert_element_type3A_261 = arith.extui %eq3A_260 : i1 to i32
        %cond3A_262 = arith.constant 0 : i32
        %cond3A_263 = arith.cmpi ne, %convert_element_type3A_261, %cond3A_262 : i32
        scf.if %cond3A_263 {
          %dma_wait3A_287 = arith.constant 0 : i32
          %dma_wait3A_288 = arith.constant 0 : i32
          %dma_wait3A_289 = tpu.memref_slice %arg4[%dma_wait3A_287, %dma_wait3A_288] : memref<32x16384xf32, #tpu.memory_space<hbm>> -> memref<32x128xf32, #tpu.memory_space<hbm>>
          %dma_wait3A_290 = arith.constant 0 : i32
          %dma_wait3A_291 = arith.constant 0 : i32
          %dma_wait3A_292 = tpu.memref_slice %arg4[%dma_wait3A_290, %dma_wait3A_291] : memref<32x16384xf32, #tpu.memory_space<hbm>> -> memref<32x128xf32, #tpu.memory_space<hbm>>
          tpu.wait_dma2 semaphore(%arg26 : memref<!tpu.dma_semaphore, #tpu.memory_space<semaphore_mem>>) src(%dma_wait3A_292 : memref<32x128xf32, #tpu.memory_space<hbm>>) dst(%arg15 : memref<32x128xf32, #tpu.memory_space<vmem>>)
          %gather3A = tpu.vector_load_idx %arg15[%iota3A, %add3A_243] : memref<32x128xf32, #tpu.memory_space<vmem>>[vector<16xi32>, vector<16xi32>], vector<16xf32>,
          %add3A_293 = arith.constant 16 : i32
          %add3A_294 = vector.broadcast %add3A_293 : i32 to vector<16xi32>
          %add3A_295 = arith.addi %iota3A, %add3A_294 : vector<16xi32>
          %gather3A_296 = tpu.vector_load_idx %arg15[%add3A_295, %add3A_243] : memref<32x128xf32, #tpu.memory_space<vmem>>[vector<16xi32>, vector<16xi32>], vector<16xf32>,
          tpu.vector_store_idx %arg12[%iota3A, %add3A_236], %gather3A : memref<32x512xf32, #tpu.memory_space<vmem>>[vector<16xi32>, vector<16xi32>], vector<16xf32>,
          %add3A_297 = arith.constant 16 : i32
          %add3A_298 = vector.broadcast %add3A_297 : i32 to vector<16xi32>
          %add3A_299 = arith.addi %iota3A, %add3A_298 : vector<16xi32>
          tpu.vector_store_idx %arg12[%add3A_299, %add3A_236], %gather3A_296 : memref<32x512xf32, #tpu.memory_space<vmem>>[vector<16xi32>, vector<16xi32>], vector<16xf32>,
        } else {
        }
        %jit3A_264 = arith.constant 2 : i32
        %eq3A_265 = arith.constant 0 : i32
        %eq3A_266 = arith.cmpi eq, %jit3A_264, %eq3A_265 : i32
        %jit3A_267 = arith.constant 1 : i32
        %select_n3A_268 = arith.select %eq3A_266, %jit3A_267, %jit3A_264 : i32
        %rem3A_269 = arith.remsi %while3A_196, %select_n3A_268 : i32
        %ne3A_270 = arith.constant 0 : i32
        %ne3A_271 = arith.cmpi ne, %rem3A_269, %ne3A_270 : i32
        %lt3A_272 = arith.constant 0 : i32
        %lt3A_273 = arith.cmpi slt, %rem3A_269, %lt3A_272 : i32
        %lt3A_274 = arith.constant 0 : i32
        %lt3A_275 = arith.cmpi slt, %select_n3A_268, %lt3A_274 : i32
        %ne3A_276 = arith.xori %lt3A_273, %lt3A_275 : i1
        %and3A_277 = arith.andi %ne3A_276, %ne3A_271 : i1
        %add3A_278 = arith.addi %rem3A_269, %select_n3A_268 : i32
        %select_n3A_279 = arith.select %and3A_277, %add3A_278, %rem3A_269 : i32
        %eq3A_280 = arith.constant 1 : i32
        %eq3A_281 = arith.cmpi eq, %select_n3A_279, %eq3A_280 : i32
        %convert_element_type3A_282 = arith.extui %eq3A_281 : i1 to i32
        %cond3A_283 = arith.constant 0 : i32
        %cond3A_284 = arith.cmpi ne, %convert_element_type3A_282, %cond3A_283 : i32
        scf.if %cond3A_284 {
          %dma_wait3A_287 = arith.constant 0 : i32
          %dma_wait3A_288 = arith.constant 0 : i32
          %dma_wait3A_289 = tpu.memref_slice %arg4[%dma_wait3A_287, %dma_wait3A_288] : memref<32x16384xf32, #tpu.memory_space<hbm>> -> memref<32x128xf32, #tpu.memory_space<hbm>>
          %dma_wait3A_290 = arith.constant 0 : i32
          %dma_wait3A_291 = arith.constant 0 : i32
          %dma_wait3A_292 = tpu.memref_slice %arg4[%dma_wait3A_290, %dma_wait3A_291] : memref<32x16384xf32, #tpu.memory_space<hbm>> -> memref<32x128xf32, #tpu.memory_space<hbm>>
          tpu.wait_dma2 semaphore(%arg27 : memref<!tpu.dma_semaphore, #tpu.memory_space<semaphore_mem>>) src(%dma_wait3A_292 : memref<32x128xf32, #tpu.memory_space<hbm>>) dst(%arg16 : memref<32x128xf32, #tpu.memory_space<vmem>>)
          %gather3A = tpu.vector_load_idx %arg16[%iota3A, %add3A_243] : memref<32x128xf32, #tpu.memory_space<vmem>>[vector<16xi32>, vector<16xi32>], vector<16xf32>,
          %add3A_293 = arith.constant 16 : i32
          %add3A_294 = vector.broadcast %add3A_293 : i32 to vector<16xi32>
          %add3A_295 = arith.addi %iota3A, %add3A_294 : vector<16xi32>
          %gather3A_296 = tpu.vector_load_idx %arg16[%add3A_295, %add3A_243] : memref<32x128xf32, #tpu.memory_space<vmem>>[vector<16xi32>, vector<16xi32>], vector<16xf32>,
          tpu.vector_store_idx %arg12[%iota3A, %add3A_236], %gather3A : memref<32x512xf32, #tpu.memory_space<vmem>>[vector<16xi32>, vector<16xi32>], vector<16xf32>,
          %add3A_297 = arith.constant 16 : i32
          %add3A_298 = vector.broadcast %add3A_297 : i32 to vector<16xi32>
          %add3A_299 = arith.addi %iota3A, %add3A_298 : vector<16xi32>
          tpu.vector_store_idx %arg12[%add3A_299, %add3A_236], %gather3A_296 : memref<32x512xf32, #tpu.memory_space<vmem>>[vector<16xi32>, vector<16xi32>], vector<16xf32>,
        } else {
        }
        %add3A_285 = arith.constant 1 : i32
        %add3A_286 = arith.addi %while3A_196, %add3A_285 : i32
        scf.yield %add3A_286, %select_n3A_222 : i32, i32
      }
      %dma_start3A_178 = arith.constant 0 : i32
      %dma_start3A_179 = tpu.memref_slice %arg6[%dma_start3A_178, %multiple_of3A_167] : memref<32x1000000xf32, #tpu.memory_space<hbm>> -> memref<32x512xf32, #tpu.memory_space<hbm>>
      %dma_start3A_180 = arith.constant 0 : i32
      %dma_start3A_181 = tpu.memref_slice %arg6[%dma_start3A_180, %multiple_of3A_167] : memref<32x1000000xf32, #tpu.memory_space<hbm>> -> memref<32x512xf32, #tpu.memory_space<hbm>>
      tpu.enqueue_dma source(%arg12 : memref<32x512xf32, #tpu.memory_space<vmem>>) target(%dma_start3A_181 : memref<32x512xf32, #tpu.memory_space<hbm>>) target_semaphore(%arg23 : memref<!tpu.dma_semaphore, #tpu.memory_space<semaphore_mem>>)
      %ge3A_182 = arith.constant 61 : i32
      %ge3A_183 = arith.constant 2 : i32
      %ge3A_184 = arith.cmpi sge, %ge3A_182, %ge3A_183 : i32
      %convert_element_type3A_185 = arith.extui %ge3A_184 : i1 to i32
      %cond3A_186 = arith.constant 0 : i32
      %cond3A_187 = arith.cmpi ne, %convert_element_type3A_185, %cond3A_186 : i32
      scf.if %cond3A_187 {
        %dma_wait3A_196 = arith.constant 0 : i32
        %dma_wait3A_197 = tpu.memref_slice %arg6[%dma_wait3A_196, %multiple_of3A_167] : memref<32x1000000xf32, #tpu.memory_space<hbm>> -> memref<32x512xf32, #tpu.memory_space<hbm>>
        %dma_wait3A_198 = arith.constant 0 : i32
        %dma_wait3A_199 = tpu.memref_slice %arg6[%dma_wait3A_198, %multiple_of3A_167] : memref<32x1000000xf32, #tpu.memory_space<hbm>> -> memref<32x512xf32, #tpu.memory_space<hbm>>
        tpu.wait_dma2 semaphore(%arg25 : memref<!tpu.dma_semaphore, #tpu.memory_space<semaphore_mem>>) src(%arg14 : memref<32x512xf32, #tpu.memory_space<vmem>>) dst(%dma_wait3A_199 : memref<32x512xf32, #tpu.memory_space<hbm>>)
      } else {
      }
      %add3A_188 = arith.constant 61 : i32
      %add3A_189 = arith.constant 2 : i32
      %add3A_190 = arith.addi %add3A_188, %add3A_189 : i32
      %lt3A_191 = arith.cmpi slt, %add3A_190, %select_n3A_105 : i32
      %convert_element_type3A_192 = arith.extui %lt3A_191 : i1 to i32
      %cond3A_193 = arith.constant 61 : i32
      %cond3A_194 = arith.constant 0 : i32
      %cond3A_195 = arith.cmpi ne, %convert_element_type3A_192, %cond3A_194 : i32
      scf.if %cond3A_195 {
        %add3A_196 = arith.constant 2 : i32
        %add3A_197 = arith.addi %cond3A_193, %add3A_196 : i32
        %mul3A_198 = arith.constant 512 : i32
        %mul3A_199 = arith.muli %add3A_197, %mul3A_198 : i32
        %add3A_200 = arith.addi %multiple_of3A, %mul3A_199 : i32
        %multiple_of3A_201 = tpu.assume_multiple %add3A_200, 128 : i32
        %dma_start3A_202 = arith.constant 0 : i32
        %dma_start3A_203 = tpu.memref_slice %arg2[%dma_start3A_202, %multiple_of3A_201] : memref<32x1000000xf32, #tpu.memory_space<hbm>> -> memref<32x512xf32, #tpu.memory_space<hbm>>
        %dma_start3A_204 = arith.constant 0 : i32
        %dma_start3A_205 = tpu.memref_slice %arg2[%dma_start3A_204, %multiple_of3A_201] : memref<32x1000000xf32, #tpu.memory_space<hbm>> -> memref<32x512xf32, #tpu.memory_space<hbm>>
        tpu.enqueue_dma source(%dma_start3A_205 : memref<32x512xf32, #tpu.memory_space<hbm>>) target(%arg14 : memref<32x512xf32, #tpu.memory_space<vmem>>) target_semaphore(%arg21 : memref<!tpu.dma_semaphore, #tpu.memory_space<semaphore_mem>>)
      } else {
      }
    } else {
    }
    %ne3A_148 = arith.constant 31 : i32
    %ne3A_149 = arith.cmpi ne, %add3A, %ne3A_148 : i32
    %convert_element_type3A_150 = arith.extui %ne3A_149 : i1 to i32
    %cond3A_151 = arith.constant 0 : i32
    %cond3A_152 = arith.cmpi ne, %convert_element_type3A_150, %cond3A_151 : i32
    scf.if %cond3A_152 {
      %dma_wait3A_163 = arith.constant 0 : i32
      %dma_wait3A_164 = tpu.memref_slice %arg6[%dma_wait3A_163, %multiple_of3A] : memref<32x1000000xf32, #tpu.memory_space<hbm>> -> memref<32x512xf32, #tpu.memory_space<hbm>>
      %dma_wait3A_165 = arith.constant 0 : i32
      %dma_wait3A_166 = tpu.memref_slice %arg6[%dma_wait3A_165, %multiple_of3A] : memref<32x1000000xf32, #tpu.memory_space<hbm>> -> memref<32x512xf32, #tpu.memory_space<hbm>>
      tpu.wait_dma2 semaphore(%arg25 : memref<!tpu.dma_semaphore, #tpu.memory_space<semaphore_mem>>) src(%arg14 : memref<32x512xf32, #tpu.memory_space<vmem>>) dst(%dma_wait3A_166 : memref<32x512xf32, #tpu.memory_space<hbm>>)
      %dma_wait3A_167 = arith.constant 0 : i32
      %dma_wait3A_168 = tpu.memref_slice %arg6[%dma_wait3A_167, %multiple_of3A] : memref<32x1000000xf32, #tpu.memory_space<hbm>> -> memref<32x512xf32, #tpu.memory_space<hbm>>
      %dma_wait3A_169 = arith.constant 0 : i32
      %dma_wait3A_170 = tpu.memref_slice %arg6[%dma_wait3A_169, %multiple_of3A] : memref<32x1000000xf32, #tpu.memory_space<hbm>> -> memref<32x512xf32, #tpu.memory_space<hbm>>
      tpu.wait_dma2 semaphore(%arg22 : memref<!tpu.dma_semaphore, #tpu.memory_space<semaphore_mem>>) src(%arg11 : memref<32x512xf32, #tpu.memory_space<vmem>>) dst(%dma_wait3A_170 : memref<32x512xf32, #tpu.memory_space<hbm>>)
    } else {
    }
    %eq3A_153 = arith.constant 31 : i32
    %eq3A_154 = arith.cmpi eq, %add3A, %eq3A_153 : i32
    %convert_element_type3A_155 = arith.extui %eq3A_154 : i1 to i32
    %cond3A_156 = arith.constant 0 : i32
    %cond3A_157 = arith.cmpi ne, %convert_element_type3A_155, %cond3A_156 : i32
    scf.if %cond3A_157 {
      %dma_wait3A_163 = arith.constant 0 : i32
      %dma_wait3A_164 = tpu.memref_slice %arg6[%dma_wait3A_163, %multiple_of3A] : memref<32x1000000xf32, #tpu.memory_space<hbm>> -> memref<32x512xf32, #tpu.memory_space<hbm>>
      %dma_wait3A_165 = arith.constant 0 : i32
      %dma_wait3A_166 = tpu.memref_slice %arg6[%dma_wait3A_165, %multiple_of3A] : memref<32x1000000xf32, #tpu.memory_space<hbm>> -> memref<32x512xf32, #tpu.memory_space<hbm>>
      tpu.wait_dma2 semaphore(%arg22 : memref<!tpu.dma_semaphore, #tpu.memory_space<semaphore_mem>>) src(%arg11 : memref<32x512xf32, #tpu.memory_space<vmem>>) dst(%dma_wait3A_166 : memref<32x512xf32, #tpu.memory_space<hbm>>)
      %dma_wait3A_167 = arith.constant 0 : i32
      %dma_wait3A_168 = tpu.memref_slice %arg6[%dma_wait3A_167, %multiple_of3A] : memref<32x1000000xf32, #tpu.memory_space<hbm>> -> memref<32x512xf32, #tpu.memory_space<hbm>>
      %dma_wait3A_169 = arith.constant 0 : i32
      %dma_wait3A_170 = tpu.memref_slice %arg6[%dma_wait3A_169, %multiple_of3A] : memref<32x1000000xf32, #tpu.memory_space<hbm>> -> memref<32x512xf32, #tpu.memory_space<hbm>>
      tpu.wait_dma2 semaphore(%arg23 : memref<!tpu.dma_semaphore, #tpu.memory_space<semaphore_mem>>) src(%arg12 : memref<32x512xf32, #tpu.memory_space<vmem>>) dst(%dma_wait3A_170 : memref<32x512xf32, #tpu.memory_space<hbm>>)
    } else {
    }
    %eq3A_158 = arith.constant 0 : i32
    %eq3A_159 = arith.cmpi eq, %add3A, %eq3A_158 : i32
    %convert_element_type3A_160 = arith.extui %eq3A_159 : i1 to i32
    %cond3A_161 = arith.constant 0 : i32
    %cond3A_162 = arith.cmpi ne, %convert_element_type3A_160, %cond3A_161 : i32
    scf.if %cond3A_162 {
      tpu.enqueue_dma source(%arg5 : memref<32x64xf32, #tpu.memory_space<hbm>>) target(%arg17 : memref<32x64xf32, #tpu.memory_space<vmem>>) target_semaphore(%arg19 : memref<!tpu.dma_semaphore, #tpu.memory_space<semaphore_mem>>)
      tpu.wait_dma2 semaphore(%arg19 : memref<!tpu.dma_semaphore, #tpu.memory_space<semaphore_mem>>) src(%arg5 : memref<32x64xf32, #tpu.memory_space<hbm>>) dst(%arg17 : memref<32x64xf32, #tpu.memory_space<vmem>>)
      %while3A_163:2 = scf.while (%while3A_164 = %while3A#0, %while3A_165 = %while3A#1) : (i32, i32) -> (i32, i32) {
        %shift_right_arithmetic3A_166 = arith.constant 14 : i32
        %shift_right_arithmetic3A_167 = arith.shrsi %while3A_165, %shift_right_arithmetic3A_166 : i32
        %lt3A_168 = arith.constant 31296 : i32
        %lt3A_169 = arith.cmpi slt, %shift_right_arithmetic3A_167, %lt3A_168 : i32
        scf.condition(%lt3A_169) %while3A_164, %while3A_165 : i32, i32
      } do {
      ^bb0(%while3A_164: i32, %while3A_165: i32):
        %add3A_166 = arith.constant 1 : i32
        %add3A_167 = arith.addi %while3A_164, %add3A_166 : i32
        %shift_right_arithmetic3A_168 = arith.constant 4 : i32
        %shift_right_arithmetic3A_169 = arith.shrsi %add3A_167, %shift_right_arithmetic3A_168 : i32
        %shift_left3A_170 = arith.constant 4 : i32
        %shift_left3A_171 = arith.shli %shift_right_arithmetic3A_169, %shift_left3A_170 : i32
        %get3A_172 = arith.index_cast %shift_left3A_171 : i32 to index
        %get3A_173 = tpu.vector_load %arg10[%get3A_172] {strides = array<i32>} : memref<16416xi32, #tpu.memory_space<vmem>>, vector<16xi32>,
        %sub3A_174 = arith.subi %add3A_167, %shift_left3A_171 : i32
        %eq3A_175 = vector.broadcast %sub3A_174 : i32 to vector<16xi32>
        %eq3A_176 = arith.cmpi eq, %iota3A, %eq3A_175 : vector<16xi32>
        %jit3A_177 = arith.constant -2147483648 : i32
        %broadcast_in_dim3A_178 = vector.broadcast %jit3A_177 : i32 to vector<16xi32>
        %select_n3A_179 = arith.select %eq3A_176, %get3A_173, %broadcast_in_dim3A_178 : vector<16xi1>, vector<16xi32>
        %reduce_max3A_180 = arith.constant true
        %reduce_max3A_181 = vector.broadcast %reduce_max3A_180 : i1 to vector<16xi1>
        %reduce_max3A_182 = arith.constant -2147483648 : i32
        %reduce_max3A_183 = vector.broadcast %reduce_max3A_182 : i32 to vector<16xi32>
        %reduce_max3A_184 = arith.xori %select_n3A_179, %reduce_max3A_183 : vector<16xi32>
        %reduce_max3A_185 = tpu.scan <max>, %reduce_max3A_184 masked %reduce_max3A_181 : vector<16xi32>, vector<16xi1> -> vector<16xi32>
        %reduce_max3A_186 = arith.xori %reduce_max3A_185, %reduce_max3A_183 : vector<16xi32>
        %reduce_max3A_187 = vector.extract %reduce_max3A_186[15] : i32 from vector<16xi32>
        %lt3A_188 = arith.cmpi slt, %add3A_167, %scan3A_77 : i32
        %jit3A_189 = arith.constant 2147483632 : i32
        %select_n3A_190 = arith.select %lt3A_188, %reduce_max3A_187, %jit3A_189 : i32
        %add3A_191 = arith.constant 1 : i32
        %add3A_192 = arith.addi %while3A_164, %add3A_191 : i32
        %ne3A_193 = arith.constant 2147483632 : i32
        %ne3A_194 = arith.cmpi ne, %select_n3A_190, %ne3A_193 : i32
        %convert_element_type3A_195 = arith.extui %ne3A_194 : i1 to i32
        %cond3A_196 = arith.constant 0 : i32
        %cond3A_197 = arith.cmpi ne, %convert_element_type3A_195, %cond3A_196 : i32
        scf.if %cond3A_197 {
          %jit3A_256 = arith.constant 2 : i32
          %eq3A_257 = arith.constant 0 : i32
          %eq3A_258 = arith.cmpi eq, %jit3A_256, %eq3A_257 : i32
          %jit3A_259 = arith.constant 1 : i32
          %select_n3A_260 = arith.select %eq3A_258, %jit3A_259, %jit3A_256 : i32
          %rem3A_261 = arith.remsi %add3A_192, %select_n3A_260 : i32
          %ne3A_262 = arith.constant 0 : i32
          %ne3A_263 = arith.cmpi ne, %rem3A_261, %ne3A_262 : i32
          %lt3A_264 = arith.constant 0 : i32
          %lt3A_265 = arith.cmpi slt, %rem3A_261, %lt3A_264 : i32
          %lt3A_266 = arith.constant 0 : i32
          %lt3A_267 = arith.cmpi slt, %select_n3A_260, %lt3A_266 : i32
          %ne3A_268 = arith.xori %lt3A_265, %lt3A_267 : i1
          %and3A_269 = arith.andi %ne3A_268, %ne3A_263 : i1
          %add3A_270 = arith.addi %rem3A_261, %select_n3A_260 : i32
          %select_n3A_271 = arith.select %and3A_269, %add3A_270, %rem3A_261 : i32
          %eq3A_272 = arith.constant 0 : i32
          %eq3A_273 = arith.cmpi eq, %select_n3A_271, %eq3A_272 : i32
          %convert_element_type3A_274 = arith.extui %eq3A_273 : i1 to i32
          %cond3A_275 = arith.constant 0 : i32
          %cond3A_276 = arith.cmpi ne, %convert_element_type3A_274, %cond3A_275 : i32
          scf.if %cond3A_276 {
            %and3A_298 = arith.constant 16383 : i32
            %and3A_299 = arith.andi %select_n3A_190, %and3A_298 : i32
            %shift_right_arithmetic3A_300 = arith.constant 7 : i32
            %shift_right_arithmetic3A_301 = arith.shrsi %and3A_299, %shift_right_arithmetic3A_300 : i32
            %mul3A_302 = arith.constant 128 : i32
            %mul3A_303 = arith.muli %shift_right_arithmetic3A_301, %mul3A_302 : i32
            %multiple_of3A_304 = tpu.assume_multiple %mul3A_303, 128 : i32
            %dma_start3A_305 = arith.constant 0 : i32
            %dma_start3A_306 = tpu.memref_slice %arg4[%dma_start3A_305, %multiple_of3A_304] : memref<32x16384xf32, #tpu.memory_space<hbm>> -> memref<32x128xf32, #tpu.memory_space<hbm>>
            %dma_start3A_307 = arith.constant 0 : i32
            %dma_start3A_308 = tpu.memref_slice %arg4[%dma_start3A_307, %multiple_of3A_304] : memref<32x16384xf32, #tpu.memory_space<hbm>> -> memref<32x128xf32, #tpu.memory_space<hbm>>
            tpu.enqueue_dma source(%dma_start3A_308 : memref<32x128xf32, #tpu.memory_space<hbm>>) target(%arg15 : memref<32x128xf32, #tpu.memory_space<vmem>>) target_semaphore(%arg26 : memref<!tpu.dma_semaphore, #tpu.memory_space<semaphore_mem>>)
          } else {
          }
          %jit3A_277 = arith.constant 2 : i32
          %eq3A_278 = arith.constant 0 : i32
          %eq3A_279 = arith.cmpi eq, %jit3A_277, %eq3A_278 : i32
          %jit3A_280 = arith.constant 1 : i32
          %select_n3A_281 = arith.select %eq3A_279, %jit3A_280, %jit3A_277 : i32
          %rem3A_282 = arith.remsi %add3A_192, %select_n3A_281 : i32
          %ne3A_283 = arith.constant 0 : i32
          %ne3A_284 = arith.cmpi ne, %rem3A_282, %ne3A_283 : i32
          %lt3A_285 = arith.constant 0 : i32
          %lt3A_286 = arith.cmpi slt, %rem3A_282, %lt3A_285 : i32
          %lt3A_287 = arith.constant 0 : i32
          %lt3A_288 = arith.cmpi slt, %select_n3A_281, %lt3A_287 : i32
          %ne3A_289 = arith.xori %lt3A_286, %lt3A_288 : i1
          %and3A_290 = arith.andi %ne3A_289, %ne3A_284 : i1
          %add3A_291 = arith.addi %rem3A_282, %select_n3A_281 : i32
          %select_n3A_292 = arith.select %and3A_290, %add3A_291, %rem3A_282 : i32
          %eq3A_293 = arith.constant 1 : i32
          %eq3A_294 = arith.cmpi eq, %select_n3A_292, %eq3A_293 : i32
          %convert_element_type3A_295 = arith.extui %eq3A_294 : i1 to i32
          %cond3A_296 = arith.constant 0 : i32
          %cond3A_297 = arith.cmpi ne, %convert_element_type3A_295, %cond3A_296 : i32
          scf.if %cond3A_297 {
            %and3A_298 = arith.constant 16383 : i32
            %and3A_299 = arith.andi %select_n3A_190, %and3A_298 : i32
            %shift_right_arithmetic3A_300 = arith.constant 7 : i32
            %shift_right_arithmetic3A_301 = arith.shrsi %and3A_299, %shift_right_arithmetic3A_300 : i32
            %mul3A_302 = arith.constant 128 : i32
            %mul3A_303 = arith.muli %shift_right_arithmetic3A_301, %mul3A_302 : i32
            %multiple_of3A_304 = tpu.assume_multiple %mul3A_303, 128 : i32
            %dma_start3A_305 = arith.constant 0 : i32
            %dma_start3A_306 = tpu.memref_slice %arg4[%dma_start3A_305, %multiple_of3A_304] : memref<32x16384xf32, #tpu.memory_space<hbm>> -> memref<32x128xf32, #tpu.memory_space<hbm>>
            %dma_start3A_307 = arith.constant 0 : i32
            %dma_start3A_308 = tpu.memref_slice %arg4[%dma_start3A_307, %multiple_of3A_304] : memref<32x16384xf32, #tpu.memory_space<hbm>> -> memref<32x128xf32, #tpu.memory_space<hbm>>
            tpu.enqueue_dma source(%dma_start3A_308 : memref<32x128xf32, #tpu.memory_space<hbm>>) target(%arg16 : memref<32x128xf32, #tpu.memory_space<vmem>>) target_semaphore(%arg27 : memref<!tpu.dma_semaphore, #tpu.memory_space<semaphore_mem>>)
          } else {
          }
        } else {
        }
        %broadcast_in_dim3A_198 = arith.constant 0 : i32
        %broadcast_in_dim3A_199 = vector.broadcast %broadcast_in_dim3A_198 : i32 to vector<16xi32>
        %shift_right_arithmetic3A_200 = arith.constant 14 : i32
        %shift_right_arithmetic3A_201 = arith.shrsi %while3A_165, %shift_right_arithmetic3A_200 : i32
        %sub3A_202 = arith.constant 31232 : i32
        %sub3A_203 = arith.subi %shift_right_arithmetic3A_201, %sub3A_202 : i32
        %add3A_204 = vector.broadcast %sub3A_203 : i32 to vector<16xi32>
        %add3A_205 = arith.addi %broadcast_in_dim3A_199, %add3A_204 : vector<16xi32>
        %broadcast_in_dim3A_206 = arith.constant 0 : i32
        %broadcast_in_dim3A_207 = vector.broadcast %broadcast_in_dim3A_206 : i32 to vector<16xi32>
        %and3A = arith.constant 16383 : i32
        %and3A_208 = arith.andi %while3A_165, %and3A : i32
        %and3A_209 = arith.constant 127 : i32
        %and3A_210 = arith.andi %and3A_208, %and3A_209 : i32
        %add3A_211 = vector.broadcast %and3A_210 : i32 to vector<16xi32>
        %add3A_212 = arith.addi %broadcast_in_dim3A_207, %add3A_211 : vector<16xi32>
        %jit3A_213 = arith.constant 2 : i32
        %eq3A_214 = arith.constant 0 : i32
        %eq3A_215 = arith.cmpi eq, %jit3A_213, %eq3A_214 : i32
        %jit3A_216 = arith.constant 1 : i32
        %select_n3A_217 = arith.select %eq3A_215, %jit3A_216, %jit3A_213 : i32
        %rem3A = arith.remsi %while3A_164, %select_n3A_217 : i32
        %ne3A_218 = arith.constant 0 : i32
        %ne3A_219 = arith.cmpi ne, %rem3A, %ne3A_218 : i32
        %lt3A_220 = arith.constant 0 : i32
        %lt3A_221 = arith.cmpi slt, %rem3A, %lt3A_220 : i32
        %lt3A_222 = arith.constant 0 : i32
        %lt3A_223 = arith.cmpi slt, %select_n3A_217, %lt3A_222 : i32
        %ne3A_224 = arith.xori %lt3A_221, %lt3A_223 : i1
        %and3A_225 = arith.andi %ne3A_224, %ne3A_219 : i1
        %add3A_226 = arith.addi %rem3A, %select_n3A_217 : i32
        %select_n3A_227 = arith.select %and3A_225, %add3A_226, %rem3A : i32
        %eq3A_228 = arith.constant 0 : i32
        %eq3A_229 = arith.cmpi eq, %select_n3A_227, %eq3A_228 : i32
        %convert_element_type3A_230 = arith.extui %eq3A_229 : i1 to i32
        %cond3A_231 = arith.constant 0 : i32
        %cond3A_232 = arith.cmpi ne, %convert_element_type3A_230, %cond3A_231 : i32
        scf.if %cond3A_232 {
          %dma_wait3A_256 = arith.constant 0 : i32
          %dma_wait3A_257 = arith.constant 0 : i32
          %dma_wait3A_258 = tpu.memref_slice %arg4[%dma_wait3A_256, %dma_wait3A_257] : memref<32x16384xf32, #tpu.memory_space<hbm>> -> memref<32x128xf32, #tpu.memory_space<hbm>>
          %dma_wait3A_259 = arith.constant 0 : i32
          %dma_wait3A_260 = arith.constant 0 : i32
          %dma_wait3A_261 = tpu.memref_slice %arg4[%dma_wait3A_259, %dma_wait3A_260] : memref<32x16384xf32, #tpu.memory_space<hbm>> -> memref<32x128xf32, #tpu.memory_space<hbm>>
          tpu.wait_dma2 semaphore(%arg26 : memref<!tpu.dma_semaphore, #tpu.memory_space<semaphore_mem>>) src(%dma_wait3A_261 : memref<32x128xf32, #tpu.memory_space<hbm>>) dst(%arg15 : memref<32x128xf32, #tpu.memory_space<vmem>>)
          %gather3A = tpu.vector_load_idx %arg15[%iota3A, %add3A_212] : memref<32x128xf32, #tpu.memory_space<vmem>>[vector<16xi32>, vector<16xi32>], vector<16xf32>,
          %add3A_262 = arith.constant 16 : i32
          %add3A_263 = vector.broadcast %add3A_262 : i32 to vector<16xi32>
          %add3A_264 = arith.addi %iota3A, %add3A_263 : vector<16xi32>
          %gather3A_265 = tpu.vector_load_idx %arg15[%add3A_264, %add3A_212] : memref<32x128xf32, #tpu.memory_space<vmem>>[vector<16xi32>, vector<16xi32>], vector<16xf32>,
          tpu.vector_store_idx %arg17[%iota3A, %add3A_205], %gather3A : memref<32x64xf32, #tpu.memory_space<vmem>>[vector<16xi32>, vector<16xi32>], vector<16xf32>,
          %add3A_266 = arith.constant 16 : i32
          %add3A_267 = vector.broadcast %add3A_266 : i32 to vector<16xi32>
          %add3A_268 = arith.addi %iota3A, %add3A_267 : vector<16xi32>
          tpu.vector_store_idx %arg17[%add3A_268, %add3A_205], %gather3A_265 : memref<32x64xf32, #tpu.memory_space<vmem>>[vector<16xi32>, vector<16xi32>], vector<16xf32>,
        } else {
        }
        %jit3A_233 = arith.constant 2 : i32
        %eq3A_234 = arith.constant 0 : i32
        %eq3A_235 = arith.cmpi eq, %jit3A_233, %eq3A_234 : i32
        %jit3A_236 = arith.constant 1 : i32
        %select_n3A_237 = arith.select %eq3A_235, %jit3A_236, %jit3A_233 : i32
        %rem3A_238 = arith.remsi %while3A_164, %select_n3A_237 : i32
        %ne3A_239 = arith.constant 0 : i32
        %ne3A_240 = arith.cmpi ne, %rem3A_238, %ne3A_239 : i32
        %lt3A_241 = arith.constant 0 : i32
        %lt3A_242 = arith.cmpi slt, %rem3A_238, %lt3A_241 : i32
        %lt3A_243 = arith.constant 0 : i32
        %lt3A_244 = arith.cmpi slt, %select_n3A_237, %lt3A_243 : i32
        %ne3A_245 = arith.xori %lt3A_242, %lt3A_244 : i1
        %and3A_246 = arith.andi %ne3A_245, %ne3A_240 : i1
        %add3A_247 = arith.addi %rem3A_238, %select_n3A_237 : i32
        %select_n3A_248 = arith.select %and3A_246, %add3A_247, %rem3A_238 : i32
        %eq3A_249 = arith.constant 1 : i32
        %eq3A_250 = arith.cmpi eq, %select_n3A_248, %eq3A_249 : i32
        %convert_element_type3A_251 = arith.extui %eq3A_250 : i1 to i32
        %cond3A_252 = arith.constant 0 : i32
        %cond3A_253 = arith.cmpi ne, %convert_element_type3A_251, %cond3A_252 : i32
        scf.if %cond3A_253 {
          %dma_wait3A_256 = arith.constant 0 : i32
          %dma_wait3A_257 = arith.constant 0 : i32
          %dma_wait3A_258 = tpu.memref_slice %arg4[%dma_wait3A_256, %dma_wait3A_257] : memref<32x16384xf32, #tpu.memory_space<hbm>> -> memref<32x128xf32, #tpu.memory_space<hbm>>
          %dma_wait3A_259 = arith.constant 0 : i32
          %dma_wait3A_260 = arith.constant 0 : i32
          %dma_wait3A_261 = tpu.memref_slice %arg4[%dma_wait3A_259, %dma_wait3A_260] : memref<32x16384xf32, #tpu.memory_space<hbm>> -> memref<32x128xf32, #tpu.memory_space<hbm>>
          tpu.wait_dma2 semaphore(%arg27 : memref<!tpu.dma_semaphore, #tpu.memory_space<semaphore_mem>>) src(%dma_wait3A_261 : memref<32x128xf32, #tpu.memory_space<hbm>>) dst(%arg16 : memref<32x128xf32, #tpu.memory_space<vmem>>)
          %gather3A = tpu.vector_load_idx %arg16[%iota3A, %add3A_212] : memref<32x128xf32, #tpu.memory_space<vmem>>[vector<16xi32>, vector<16xi32>], vector<16xf32>,
          %add3A_262 = arith.constant 16 : i32
          %add3A_263 = vector.broadcast %add3A_262 : i32 to vector<16xi32>
          %add3A_264 = arith.addi %iota3A, %add3A_263 : vector<16xi32>
          %gather3A_265 = tpu.vector_load_idx %arg16[%add3A_264, %add3A_212] : memref<32x128xf32, #tpu.memory_space<vmem>>[vector<16xi32>, vector<16xi32>], vector<16xf32>,
          tpu.vector_store_idx %arg17[%iota3A, %add3A_205], %gather3A : memref<32x64xf32, #tpu.memory_space<vmem>>[vector<16xi32>, vector<16xi32>], vector<16xf32>,
          %add3A_266 = arith.constant 16 : i32
          %add3A_267 = vector.broadcast %add3A_266 : i32 to vector<16xi32>
          %add3A_268 = arith.addi %iota3A, %add3A_267 : vector<16xi32>
          tpu.vector_store_idx %arg17[%add3A_268, %add3A_205], %gather3A_265 : memref<32x64xf32, #tpu.memory_space<vmem>>[vector<16xi32>, vector<16xi32>], vector<16xf32>,
        } else {
        }
        %add3A_254 = arith.constant 1 : i32
        %add3A_255 = arith.addi %while3A_164, %add3A_254 : i32
        scf.yield %add3A_255, %select_n3A_190 : i32, i32
      }
      tpu.enqueue_dma source(%arg17 : memref<32x64xf32, #tpu.memory_space<vmem>>) target(%arg7 : memref<32x64xf32, #tpu.memory_space<hbm>>) target_semaphore(%arg23 : memref<!tpu.dma_semaphore, #tpu.memory_space<semaphore_mem>>)
      tpu.wait_dma2 semaphore(%arg23 : memref<!tpu.dma_semaphore, #tpu.memory_space<semaphore_mem>>) src(%arg17 : memref<32x64xf32, #tpu.memory_space<vmem>>) dst(%arg7 : memref<32x64xf32, #tpu.memory_space<hbm>>)
    } else {
    }
    "tpu.trace_stop"() : () -> ()
    return
  }
}

</mosaic_0001>

<sc_bundles>
// kernel: _sc_set.3.cloned.1.call-start
scs
__scs_entry_jumppad:
0x0: {  	(pc) =	sbr.rel $0x88, $3  }
0x1: {  	(tag) =	ssettag $0x0;
	lr =	simm.s32 $0x1  }
0x2: {  	[smem:$0x3F9E] =	sst lr;
	_ =	strace $0xD0000000  }
0x3: {  	_ = 	snop  }
0x4: {  	_ = 	snop  }
0x5: {  	_ = 	snop  }
0x6: {  	_ = 	snop  }
0x7: {  	_ = 	snop  }
__scs_overlays_trampoline_lowered:
0x8: {  	[smem:$0x3FAD] =	sst s0  }
0x9: {  	[smem:$0x3FAE] =	sst s1  }
0xa: {  	[smem:$0x3FAF] =	sst s2  }
0xb: {  	[smem:$0x3FB0] =	sst s3  }
0xc: {  	[smem:$0x3FB1] =	sst s4  }
0xd: {  	[smem:$0x3FB2] =	sst s5  }
0xe: {  	[smem:$0x3FB3] =	sst s6  }
0xf: {  	[smem:$0x3FB4] =	sst s7  }
0x10: {  	[smem:$0x3FB5] =	sst s8  }
0x11: {  	[smem:$0x3FB6] =	sst s9;
	s0 =	simm.s32 @!p0 $0x0  }
0x12: {  	s1 =	sld [smem:$0x3F9C];
	s0 =	simm.s32 @p0 $0x1  }
0x13: {  	[smem:$0x3FB7] =	sst s0;
	s0 =	simm.s32 @!p1 $0x0  }
0x14: {  	s2 =	sld [smem:$0x3F9B];
	s0 =	simm.s32 @p1 $0x1  }
0x15: {  	[smem:$0x3FB8] =	sst s0;
	s0 =	simm.s32 @!p2 $0x0  }
0x16: {  	s3 =	sld [smem:$0x3FDB];
	s0 =	simm.s32 @p2 $0x1  }
0x17: {  	s4 =	simm.s32 $0x1BF5;
	[smem:$0x3FBA] =	sst s0  }
0x18: {  	s0 =	sld [smem:$0x3F9D];
	_ =	swait.ge [sflag:s4], $0x0  }
0x19: {  	s7 =	sld [smem:$0x3F9E]  }
0x1a: {  	s8 =	sadd.s32 $0xFFFFE003, lr  }
0x1b: {  	s9 =	sadd.s32 $0xFFFFFEF7, lr;
	s5 =	simm.s32 $0xFFFFFFFF;
	p2 =	slt.u32 s8, $0xFFFFF086  }
0x1c: {  	p1 =	slt.u32 s9, $0xF7A;
	s5 =	simm.s32 @!p2 $0x0  }
0x1d: {  	s5 =	simm.s32 @p1 $0x1;
	p0 =	seq.s32 s7, s2  }
0x1e: {  	s7 =	smul.u32 @!p0 $0xF7A, s2;
	p2 =	seq.s32 @!p0 s5, $0x0  }
0x1f: {  	s9 =	smul.u32 $0xF7A, s1;
	s8 =	simm.s32 @!p0 $0x1BF5;
	p2 =	por !p2, p0  }
0x20: {  	[sflag:s8] =	ssyncset.s32 @!p0 $0xFFFFF086;
	s6 =	sadd.s32 @!p0 s3, s7;
	s7 =	simm.s32 @!p0 $0x108  }
0x21: {  	s3 =	sadd.s32 s3, s9;
	s6 =	sadd.s32 @!p0 $0x88, s6;
	s7 =	simm.s32 @p2 $0x1082  }
0x22: {  	[simem:s7], [sflag:s8] =	dma.local @!p0 [hbm:s6], $0xF7A  }
0x23: {  	s9 =	sor.u32 $0xD0000000, s2;
	s6 =	simm.s32 $0x108;
	_ =	swait.ge @!p0 [sflag:s8], $0x0  }
0x24: {  	s3 =	sadd.s32 $0x88, s3;
	s6 =	simm.s32 @!p1 $0x1082;
	[sflag:s4] =	ssyncset.s32 $0xFFFFF086  }
0x25: {  	[simem:s6], [sflag:s4] =	dma.local [hbm:s3], $0xF7A  }
0x26: {  	[smem:$0x3F9E] =	sst s1;
	(tag) =	ssettag s2;
	_ =	strace s9  }
0x27: {  	s1 =	sld [smem:$0x3FAE]  }
0x28: {  	s2 =	sld [smem:$0x3FAF]  }
0x29: {  	s4 =	sld [smem:$0x3FB1]  }
0x2a: {  	p0 =	seq.s32 s5, $0x0;
	s5 =	sld [smem:$0x3FB2]  }
0x2b: {  	s6 =	sld [smem:$0x3FB3]  }
0x2c: {  	s7 =	sld [smem:$0x3FB4]  }
0x2d: {  	s3 =	simm.s32 $0x108;
	s8 =	sld [smem:$0x3FB5]  }
0x2e: {  	s3 =	simm.s32 @!p0 $0x1082;
	s9 =	sld [smem:$0x3FB6]  }
0x2f: {  	lr =	sadd.s32 s0, s3;
	s0 =	sld [smem:$0x3FAD]  }
0x30: {  	s3 =	sld [smem:$0x3FB0]  }
0x31: {  	[smem:$0x3FB9] =	sst s10  }
0x32: {  	s10 =	sld [smem:$0x3FB7];
	_ =	sdelay $0x3  }
0x33: {  	p0 =	seq.s32 s10, $0x1;
	s10 =	sld [smem:$0x3FB9];
	_ =	sdelay $0x3  }
0x34: {  	[smem:$0x3FB9] =	sst s10  }
0x35: {  	s10 =	sld [smem:$0x3FB8];
	_ =	sdelay $0x3  }
0x36: {  	p1 =	seq.s32 s10, $0x1;
	s10 =	sld [smem:$0x3FB9];
	_ =	sdelay $0x3  }
0x37: {  	[smem:$0x3FB9] =	sst s10  }
0x38: {  	s10 =	sld [smem:$0x3FBA]  }
0x39: {  	_ = 	snop;
	(pc) =	sbr.ind lr, $3  }
0x3a: {  	_ = 	snop  }
0x3b: {  	_ = 	snop  }
0x3c: {  	p2 =	seq.s32 s10, $0x1;
	s10 =	sld [smem:$0x3FB9]  }
0x3d: {  	_ =	shalt  }
0x3e: {  	_ =	shalt  }
0x3f: {  	_ =	shalt  }
0x40: {  	_ =	shalt  }
0x41: {  	_ =	shalt  }
0x42: {  	_ =	shalt  }
0x43: {  	_ =	shalt  }
0x44: {  	_ =	shalt  }
0x45: {  	_ =	shalt  }
0x46: {  	_ =	shalt  }
0x47: {  	_ =	shalt  }
0x48: {  	_ =	shalt  }
0x49: {  	_ =	shalt  }
0x4a: {  	_ =	shalt  }
0x4b: {  	_ =	shalt  }
0x4c: {  	_ =	shalt  }
0x4d: {  	_ =	shalt  }
0x4e: {  	_ =	shalt  }
0x4f: {  	_ =	shalt  }
0x50: {  	_ =	shalt  }
0x51: {  	_ =	shalt  }
0x52: {  	_ =	shalt  }
0x53: {  	_ =	shalt  }
0x54: {  	_ =	shalt  }
0x55: {  	_ =	shalt  }
0x56: {  	_ =	shalt  }
0x57: {  	_ =	shalt  }
0x58: {  	_ =	shalt  }
0x59: {  	_ =	shalt  }
0x5a: {  	_ =	shalt  }
0x5b: {  	_ =	shalt  }
0x5c: {  	_ =	shalt  }
0x5d: {  	_ =	shalt  }
0x5e: {  	_ =	shalt  }
0x5f: {  	_ =	shalt  }
0x60: {  	_ =	shalt  }
0x61: {  	_ =	shalt  }
0x62: {  	_ =	shalt  }
0x63: {  	_ =	shalt  }
0x64: {  	_ =	shalt  }
0x65: {  	_ =	shalt  }
0x66: {  	_ =	shalt  }
0x67: {  	_ =	shalt  }
0x68: {  	_ =	shalt  }
0x69: {  	_ =	shalt  }
0x6a: {  	_ =	shalt  }
0x6b: {  	_ =	shalt  }
0x6c: {  	_ =	shalt  }
0x6d: {  	_ =	shalt  }
0x6e: {  	_ =	shalt  }
0x6f: {  	_ =	shalt  }
0x70: {  	_ =	shalt  }
0x71: {  	_ =	shalt  }
0x72: {  	_ =	shalt  }
0x73: {  	_ =	shalt  }
0x74: {  	_ =	shalt  }
0x75: {  	_ =	shalt  }
0x76: {  	_ =	shalt  }
0x77: {  	_ =	shalt  }
0x78: {  	_ =	shalt  }
0x79: {  	_ =	shalt  }
0x7a: {  	_ =	shalt  }
0x7b: {  	_ =	shalt  }
0x7c: {  	_ =	shalt  }
0x7d: {  	_ =	shalt  }
0x7e: {  	_ =	shalt  }
0x7f: {  	_ =	shalt  }
0x80: {  	_ =	shalt  }
0x81: {  	_ =	shalt  }
0x82: {  	_ =	shalt  }
0x83: {  	_ =	shalt  }
0x84: {  	_ =	shalt  }
0x85: {  	_ =	shalt  }
0x86: {  	_ =	shalt  }
0x87: {  	_ =	shalt  }
.Lfunc_end0:
.L_simem_size_0:
called_computation_lowered:
.L_overlay_start_0:
0x88: {  	s2 =	sld [smem:$0x3FD9]  }
0x89: {  	s3 =	sld [smem:$0x3FFE];
	_ =	sdelay $0x1  }
0x8a: {  	s1 =	srdreg.scid  }
0x8b: {  	s0 =	sand.u32 $0x1, s1  }
0x8c: {  	s17 =	sshll.u32 s0, $0xA;
	s2 =	sadd.s32 s3, s2  }
0x8d: {  	s2 =	sadd.s32 s2, s17  }
0x8e: {  	[smem:$0x3FC5] =	sst s2  }
0x8f: {  	_ = 	snop  }
0x90: {  	s2 =	sld [smem:$0x3FC9]  }
0x91: {  	s18 =	sld [smem:$0x3FC8]  }
0x92: {  	s4 =	sld [smem:$0x3FC7]  }
0x93: {  	s5 =	sld [smem:$0x3FD0];
	(tm) =	ssettm $0x1  }
0x94: {  	s6 =	sld [smem:$0x3FFB];
	_ =	sdelay $0x3  }
0x95: {  	_ =	strace s6  }
0x96: {  	s6 =	sld [smem:$0x3FFC];
	_ =	sdelay $0x3  }
0x97: {  	_ =	strace s6  }
0x98: {  	s6 =	sld [smem:$0x3FFD];
	_ =	sdelay $0x3  }
0x99: {  	_ =	strace s6  }
0x9a: {  	_ =	strace $0x8FFFFFFF  }
0x9b: {  	s19 =	sld [smem:$0x3FDB];
	_ =	sdelay $0x1  }
0x9c: {  	s7 =	simm.s32 $_scs_section_size  }
0x9d: {  	s8 =	simm.s32 $_size__tile_overlayer_lowered;
	s9 =	simm.s32 $_tile_overlayer_lowered  }
0x9e: {  	s22 =	simm.s32 $0x1BFF;
	s21 =	sshll.u32 s9, $0x1;
	s6 =	sadd.s32 s7, s19  }
0x9f: {  	s10 =	simm.s32 $0x0;
	s20 =	sshll.u32 s8, $0x1;
	s8 =	sadd.s32 s21, s6  }
0xa0: {  	[timem:s10], [sflag:s22] =	dma.local [hbm:s8], s20  }
0xa1: {  	_ =	swait.ge [sflag:s22], s20  }
0xa2: {  	s7 =	ssub.s32 $0x0, s20;
	[sflag:s22] =	ssyncset.done $0x0  }
0xa3: {  	[sflag:s22] =	ssyncadd.s32 s7;
	_ =	sdelay $0x1  }
0xa4: {  	s23 =	simm.s32 $0x1B8B  }
0xa5: {  	_ =	swait.ge [sflag:s23], $0x1  }
0xa6: {  	[sflag:s23] =	ssyncset.done $0x0  }
0xa7: {  	s25 =	simm.s32 $0x1B8E;
	s24 =	sld [smem:$0x3FFE];
	[sflag:s23] =	ssyncadd.s32 $0xFFFFFFFF  }
0xa8: {  	s26 =	simm.s32 $execute0_lowered;
	[smem:$0x3FD2] =	sst s25  }
0xa9: {  	s8 =	sshll.u32 s26, $0x1;
	_ =	strace $0x80000046;
	[dreg:$0x1] =	wrdreg $0xFFFFFFFF  }
0xaa: {  	s28 =	simm.s32 $_size_execute0_lowered;
	s6 =	sadd.s32 s6, s8;
	[dreg:$0x0] =	wrdreg $0x0  }
0xab: {  	s8 =	sshll.u32 s28, $0x1;
	[dreg:$0x2] =	wrdreg s6  }
0xac: {  	[dreg:$0x3] =	wrdreg s8  }
0xad: {  	[dreg:$0x4] =	wrdreg $0xC0  }
0xae: {  	_ =	task [dreg:s10], $0x5FFFF  }
0xaf: {  	[dreg:$0x1] =	wrdreg $0xFFFFFFFF  }
0xb0: {  	[dreg:$0x0] =	wrdreg $0x60  }
0xb1: {  	[dreg:$0x2] =	wrdreg s2  }
0xb2: {  	[dreg:$0x3] =	wrdreg s18  }
0xb3: {  	[dreg:$0x4] =	wrdreg s4  }
0xb4: {  	[dreg:$0x5] =	wrdreg s24  }
0xb5: {  	[dreg:$0x6] =	wrdreg s5  }
0xb6: {  	[dreg:$0x7] =	wrdreg $0x9  }
0xb7: {  	_ =	task.clear_ibuf [dreg:s10], $0x8FFFF;
	_ =	strace $0x90000046  }
0xb8: {  	s29 =	simm.s32 $0x9;
	_ =	strace $0x8000004B  }
0xb9: {  	_ =	swait.ge [sflag:s29], $0x1  }
0xba: {  	[sflag:s29] =	ssyncadd.s32 $0xFFFFFFFF  }
0xbb: {  	_ =	strace $0x9000004B  }
0xbc: {  	_ =	sfence  }
0xbd: {  	s30 =	sld [smem:$0x0];
	_ =	sdelay $0x2  }
0xbe: {  	s31 =	sshll.u32 s1, $0xD;
	s1 =	sshrl.u32 s1, $0x2  }
0xbf: {  	s3 =	sand.u32 $0x4000, s31;
	s1 =	sadd.s32 s1, s30  }
0xc0: {  	s0 =	sor.u32 s3, s0;
	s1 =	sshll.u32 s1, $0x11  }
0xc1: {  	s0 =	sor.u32 s1, s0  }
0xc2: {  	s0 =	sadd.s32 $0x8F2B, s0  }
0xc3: {  	[sflag:s0] =	ssyncadd.remote.s32 $0x1  }
0xc4: {  	_ =	sfence.sel $0xFFFF  }
0xc5: {  	[dreg:$0x0] =	wrdreg $0xFFFFFFFF;
	(pc) =	sbr.abs _section_cstart, $3  }
0xc6: {  	[dreg:$0x1] =	wrdreg $0xFFFFFFFF  }
0xc7: {  	_ =	task.clear_ibuf [dreg:s10], $0x2FFFF;
	_ =	strace $0x9FFFFFFF  }
0xc8: {  	(tm) =	ssettm $0x7FFFFFFF  }
0xc9: {  	_ =	shalt  }
tec
execute0_lowered:
.L_overlay_start_1:
0x0: {  	(tag) =	ssettag $0x1  }
0x1: {  	s10 =	rddreg [dreg:$0x1]  }
0x2: {  	s3 =	rddreg [dreg:$0x2]  }
0x3: {  	s0 =	srdreg.scid;
	s7 =	rddreg [dreg:$0x3]  }
0x4: {  	s1 =	stileid.u32;
	v1 =	vimm.s32 $0xFFEDCBA9;
	v2 =	vimm.s32 $0x87654321;
	s8 =	rddreg [dreg:$0x4]  }
0x5: {  	vm0 =	vmxor vm0, vm0;
	v3 =	vlaneseq.u32;
	s13 =	simm.s32 $0x0;
	v7 =	vimm.s32 $0x1380;
	s12 =	sshll.u32 s1, $0x1;
	s1 =	rddreg [dreg:$0x0]  }
0x6: {  	s5 =	simm.s32 $0x7C00;
	vm1 =	vcmask $0x300;
	v8 =	vimm.s32 $0x3380;
	vm2 =	vcmask $0x704;
	[smem:$0x7FF] =	sst s13;
	s14 =	sadd.s32 $0x800, s7  }
0x7: {  	vm3 =	vcmask $0x3B38;
	v1 =	vunpack.c.l.s4.s8 v1;
	v2 =	vunpack.c.l.s4.s8 v2;
	s7 =	sadd.s32 $0xA00, s7;
	_ =	strace $0x80000047;
	[dreg:$0x6] =	wrdreg s14  }
0x8: {  	s4 =	sand.u32 $0x1, s0;
	v4 =	vor.u32 $0x80000000, v3;
	v7 =	vsel vm1, $0x0, v7;
	v8 =	vsel vm1, $0x2000, v8;
	s18 =	sadd.s32 $0x100, s10;
	[dreg:$0x7] =	wrdreg s7  }
0x9: {  	vm1 =	vcmask $0xB08;
	s19 =	sadd.s32 $0x200, s10;
	s20 =	sadd.s32 $0x300, s10;
	v7 =	vsel vm2, $0x80, v7;
	v8 =	vsel vm2, $0x2080, v8;
	[dreg:$0xa] =	wrdreg s18  }
0xa: {  	s21 =	sadd.s32 $0x400, s10;
	s0 =	sor.u32 s4, s12;
	vm2 =	vcmask $0xF0C;
	[dreg:$0xb] =	wrdreg s19;
	v5 =	vunpack.c.0.s8.s32 v1;
	v6 =	vunpack.c.0.s8.s32 v2  }
0xb: {  	[dreg:$0xc] =	wrdreg s20;
	s2 =	smul.u32 $0x7A00, s0;
	p1 =	seq.s32 s0, $0x0;
	v2 =	vimm.s32 $0xFFFFFFFF;
	v7 =	vsel vm1, $0x100, v7;
	v8 =	vsel vm1, $0x2100, v8  }
0xc: {  	s22 =	sadd.s32 $0x500, s10;
	[dreg:$0xd] =	wrdreg s21;
	p0 =	seq.s32 s0, $0x1F;
	vm1 =	vcmask $0x1310;
	vm0 =	vmneg @p1 vm0;
	v7 =	vsel vm2, $0x180, v7  }
0xd: {  	s23 =	sadd.s32 $0x600, s10;
	[dreg:$0xe] =	wrdreg s22;
	s5 =	simm.s32 @!p0 $0x7A00;
	v8 =	vsel vm2, $0x2180, v8;
	vm2 =	vcmask $0x1714;
	v0 =	vmov s2  }
0xe: {  	s29 =	simm.s32 $0x800;
	s24 =	sadd.s32 $0x700, s10;
	[dreg:$0xf] =	wrdreg s23;
	v1 =	vmov s5;
	v5 =	vcombine.low v6, v5;
	v6 =	vmul.u32 $0x80, v3  }
0xf: {  	s31 =	simm.s32 $0x400;
	s28 =	sadd.s32 $0xF4000, s8;
	[dreg:$0x10] =	wrdreg s24;
	v7 =	vsel vm1, $0x200, v7;
	v8 =	vsel vm1, $0x2200, v8;
	vm1 =	vcmask $0x1B18  }
0x10: {  	s10 =	simm.s32 $0xB;
	s4 =	ssub.s32 $0x2, s4;
	[dreg:$0x12] =	wrdreg s28;
	v0 =	vsub.s32 $0x0, v0;
	v7 =	vsel vm2, $0x280, v7;
	v8 =	vsel vm2, $0x2280, v8  }
0x11: {  	s23 =	simm.s32 $0x1000;
	s6 =	smul.u32 $0x3D000, s0;
	s15 =	sshrl.u32 s4, $0x1;
	vm2 =	vcmask $0x1F1C;
	v0 =	vbroadcast v0, $0x0;
	v7 =	vsel vm1, $0x300, v7  }
0x12: {  	s24 =	simm.s32 $0x7A1400;
	s4 =	ssub.s32 s4, s15;
	p1 =	sne.s32 s0, $0x0;
	v8 =	vsel vm1, $0x2300, v8;
	vm1 =	vcmask $0x2320;
	v7 =	vsel vm2, $0x380, v7  }
0x13: {  	s9 =	sshrl.u32 s6, $0x3;
	s17 =	sadd.s32 s1, s2;
	s19 =	sadd.s32 s8, s2;
	v8 =	vsel vm2, $0x2380, v8;
	vm2 =	vcmask $0x2724;
	v7 =	vsel vm1, $0x1000, v7  }
0x14: {  	s30 =	smax.u32 s4, $0x1;
	s4 =	simm.s32 $0x20000;
	s2 =	simm.s32 $0x5;
	v8 =	vsel vm1, $0x3000, v8;
	vm1 =	vcmask $0x2B28;
	v7 =	vsel vm2, $0x1080, v7  }
0x15: {  	s16 =	sadd.s32 s1, s9;
	[dreg:$0x8] =	wrdreg s17;
	s17 =	simm.s32 $0x3E;
	v8 =	vsel vm2, $0x3080, v8;
	vm2 =	vcmask $0x2F2C;
	v7 =	vsel vm1, $0x1100, v7  }
.Ltmp0:
0x16: {  	s25 =	sadd.s32 s8, s9;
	[dreg:$0x13] =	wrdreg s30;
	v8 =	vsel vm1, $0x3100, v8;
	vm1 =	vcmask $0x3330;
	v7 =	vsel vm2, $0x1180, v7;
	(pc) =	sbr.rel .LBB2_1-.Ltmp0, $4  }
0x17: {  	s8 =	simm.s32 $0x18480;
	s9 =	simm.s32 $0x0;
	s5 =	sadd.s32 $0x200, s16;
	v8 =	vsel vm2, $0x3180, v8;
	vm2 =	vcmask $0x3734;
	v7 =	vsel vm1, $0x1200, v7  }
0x18: {  	s17 =	simm.s32 @!p0 $0x3D;
	s26 =	sadd.s32 $0x7800, s25;
	p0 =	sne.s32 s0, $0x1F;
	v8 =	vsel vm1, $0x3200, v8;
	vm1 =	vcmask $0x3F3C;
	v9 =	vsel vm2, $0x1280, v7  }
0x19: {  	s25 =	simm.s32 $0xC480;
	s0 =	simm.s32 $0x1D480;
	[dreg:$0x9] =	wrdreg s5;
	v10 =	vsel vm2, $0x3280, v8;
	v7 =	vmul.u32 $0x4000, v3;
	vm2 =	vmmov $0x1  }
0x1a: {  	[dreg:$0x11] =	wrdreg s26;
	s26 =	simm.s32 $0x10480;
	s5 =	simm.s32 $0x14480;
	v8 =	vsel vm3, $0x1300, v9;
	v9 =	vsel vm3, $0x3300, v10;
	v10 =	vor.u32 $0x800, v6  }
.LBB2_37:
0x1b: {  	s7 =	rddreg [dreg:$0x12];
	s28 =	simm.s32 $0x8  }
0x1c: {  	[hbm4b:s7+s23] =	stream.strided.scatter [tilespmem:s26], [sflag:$0x6], $0x4000, s24, s23, $0x200038;
	[tilespmem:$0x1F480] =	vst v63  }
0x1d: {  	_ =	swait.ge [sflag:s28], $0x4000  }
0x1e: {  	[sflag:s28] =	ssyncset.done $0x0  }
0x1f: {  	[sflag:s28] =	ssyncadd.s32 $0xFFFFC000  }
0x20: {  	_ =	swait.ge [sflag:s2], $0x4000  }
0x21: {  	[sflag:s2] =	ssyncset.done $0x0  }
0x22: {  	s30 =	simm.s32 $0x6;
	[sflag:s2] =	ssyncadd.s32 $0xFFFFC000  }
0x23: {  	_ =	swait.ge [sflag:s30], $0x4000  }
0x24: {  	[sflag:s30] =	ssyncset.done $0x0  }
0x25: {  	s9 =	rddreg [dreg:$0x14];
	[sflag:s30] =	ssyncadd.s32 $0xFFFFC000  }
.LBB2_43:
0x26: {  	s9 =	sadd.s32 $0x1, s9;
	s7 =	rddreg [dreg:$0x13]  }
0x27: {  	p2 =	sne.s32 s9, s7  }
.Ltmp1:
0x28: {  	_ = 	snop;
	(pc) =	sbr.rel @!p2 .LBB2_44-.Ltmp1, $2  }
0x29: {  	_ =	sdelay $0x2  }
0x2a: {  	_ =	strace $0x9000004A;
	s10 =	simm.s32 $0xB  }
.LBB2_1:
0x2b: {  	[dreg:$0x14] =	wrdreg s9  }
0x2c: {  	s7 =	rddreg [dreg:$0x8]  }
0x2d: {  	[tilespmem:s25], [sflag:$0x1] =	stream.strided.gather [hbm4b:s7+s23], $0x4000, s24, s23, $0x38;
	[tilespmem:$0x1F480] =	vst v63  }
0x2e: {  	s30 =	rddreg [dreg:$0x9];
	s11 =	simm.s32 $0x40;
	s9 =	simm.s32 $0x0  }
0x2f: {  	[tilespmem:s26], [sflag:$0x2] =	stream.strided.gather [hbm4b:s30+s23], $0x4000, s24, s23, $0x38;
	[tilespmem:$0x1F480] =	vst v63  }
.LBB2_2:
0x30: {  	p2 =	sne.s32 s11, $0x1EFC0;
	[tilespmem:s9+$0x800] =	vst v2;
	s9 =	smov.u32 s11;
	s11 =	sadd.s32 $0x40, s11  }
.Ltmp2:
0x31: {  	(pc) =	sbr.rel @p2 .LBB2_2-.Ltmp2, $2  }
0x32: {  	_ =	sdelay $0x2  }
0x33: {  	s9 =	sshra.s32 s9, $0x2  }
0x34: {  	[tilespmem:s9+$0x800] =	vst v2  }
0x35: {  	_ =	strace $0x80000048  }
0x36: {  	s11 =	simm.s32 $0x0;
	s7 =	rddreg [dreg:$0x1]  }
0x37: {  	[tilespmem:s11], [sflag:$0xB] =	stream.linear.gather [hbm4b:s7+s11], $0x800, $0x200038;
	[tilespmem:$0x1F480] =	vst v63  }
0x38: {  	_ =	swait.ge [sflag:s10], $0x800  }
0x39: {  	[sflag:s10] =	ssyncset.done $0x0  }
0x3a: {  	[sflag:s10] =	ssyncadd.s32 $0xFFFFF800  }
0x3b: {  	s12 =	simm.s32 $0x10;
	s13 =	simm.s32 $0x0;
	v11 =	vld [tilespmem:s11+$0x0]  }
.LBB2_4:
0x3c: {  	p2 =	sne.s32 s12, $0x7F0;
	_ =	sdelay $0x3  }
0x3d: {  	vm3 =	vgt.s32 v11, $0xF41FF  }
0x3e: {  	vm3 =	vmand vm0, vm3  }
0x3f: {  	v12 =	vsel vm3, $0xFFF13800, v0  }
0x40: {  	v11 =	vadd.s32 v11, v12  }
0x41: {  	vm4 =	vgt.s32 v11, $0xFFFFFFFF;
	vm5 =	vlt.s32 v11, v1  }
0x42: {  	v11 =	vshll.u32 v11, $0x4;
	vm4 =	vmand vm4, vm5  }
0x43: {  	v12 =	vor.u32 s11, v3;
	s11 =	smov.u32 s12;
	v11 =	vxor.u32 v4, v11;
	vm3 =	vmor vm3, vm4  }
0x44: {  	v12 =	vnsel vm3, $0xFFFFFFFF, v12;
	v11 =	vnsel vm3, $0xFFFFFFF0, v11  }
0x45: {  	(xrf1) =	vsort.ascd.msk.u32 $0xffff, v11, v12;
	_ =	sdelay $0xd  }
0x46: {  	v11, v12, _ =	vpop (xrf1)  }
0x47: {  	v11 =	vxor.u32 $0x80000000, v11  }
0x48: {  	v13 =	vperm.xlane v11, v5;
	_ =	sdelay $0x1  }
0x49: {  	v11 =	vshra.s32 v11, $0x4;
	v13 =	vshra.s32 v13, $0x4  }
0x4a: {  	vm3 =	vne.s32 v11, v13  }
0x4b: {  	vm4 =	vgt.s32 v12, $0xFFFFFFFF;
	vm3 =	vmor vm3, vm1  }
0x4c: {  	vm3 =	vmand vm4, vm3;
	_ =	sdelay $0x2  }
.Ltmp3:
0x4d: {  	(pc) =	sbr.rel @p2 .LBB2_4-.Ltmp3, $3  }
0x4e: {  	_ =	sdelay $0x1  }
0x4f: {  	s13 =	sadd.s32 $0x10, s13;
	[tilespmem:v11+s29+$0x0] =	vst.idx.msk vm3, v12  }
0x50: {  	s12 =	sadd.s32 $0x10, s12;
	v11 =	vld [tilespmem:s13+$0x0]  }
0x51: {  	_ =	sdelay $0x3  }
0x52: {  	vm3 =	vgt.s32 v11, $0xF41FF  }
0x53: {  	vm3 =	vmand vm0, vm3  }
0x54: {  	v12 =	vsel vm3, $0xFFF13800, v0  }
0x55: {  	v11 =	vadd.s32 v11, v12  }
0x56: {  	vm4 =	vgt.s32 v11, $0xFFFFFFFF;
	vm5 =	vlt.s32 v11, v1  }
0x57: {  	v11 =	vshll.u32 v11, $0x4;
	vm4 =	vmand vm4, vm5  }
0x58: {  	v63 =	vor.u32 s11, v3;
	v11 =	vxor.u32 v4, v11;
	vm3 =	vmor vm3, vm4  }
0x59: {  	v12 =	vnsel vm3, $0xFFFFFFFF, v63;
	v11 =	vnsel vm3, $0xFFFFFFF0, v11  }
0x5a: {  	(xrf1) =	vsort.ascd.msk.u32 $0xffff, v11, v12;
	_ =	sdelay $0xd  }
0x5b: {  	v11, v12, _ =	vpop (xrf1)  }
0x5c: {  	v11 =	vxor.u32 $0x80000000, v11  }
0x5d: {  	v13 =	vperm.xlane v11, v5;
	_ =	sdelay $0x1  }
0x5e: {  	v11 =	vshra.s32 v11, $0x4;
	v13 =	vshra.s32 v13, $0x4  }
0x5f: {  	vm3 =	vne.s32 v11, v13  }
0x60: {  	vm15 =	vgt.s32 v12, $0xFFFFFFFF;
	vm3 =	vmor vm3, vm1  }
0x61: {  	vm3 =	vmand vm15, vm3;
	_ =	sdelay $0x5  }
0x62: {  	s12 =	simm.s32 $0x0;
	s7 =	rddreg [dreg:$0xa];
	[tilespmem:v11+s29+$0x0] =	vst.idx.msk vm3, v12  }
0x63: {  	[tilespmem:s12], [sflag:$0xB] =	stream.linear.gather [hbm4b:s7+s12], $0x800, $0x200038;
	[tilespmem:$0x1F480] =	vst v63  }
0x64: {  	_ =	swait.ge [sflag:s10], $0x800  }
0x65: {  	[sflag:s10] =	ssyncset.done $0x0  }
0x66: {  	[sflag:s10] =	ssyncadd.s32 $0xFFFFF800  }
0x67: {  	s11 =	simm.s32 $0x800;
	s13 =	simm.s32 $0x810;
	v11 =	vld [tilespmem:s12+$0x0]  }
.LBB2_6:
0x68: {  	p2 =	sne.s32 s13, $0xFF0;
	_ =	sdelay $0x3  }
0x69: {  	vm3 =	vgt.s32 v11, $0xF41FF  }
0x6a: {  	vm3 =	vmand vm0, vm3  }
0x6b: {  	v12 =	vsel vm3, $0xFFF13800, v0  }
0x6c: {  	v11 =	vadd.s32 v11, v12  }
0x6d: {  	vm4 =	vgt.s32 v11, $0xFFFFFFFF;
	vm5 =	vlt.s32 v11, v1  }
0x6e: {  	v11 =	vshll.u32 v11, $0x4;
	vm4 =	vmand vm4, vm5  }
0x6f: {  	v12 =	vor.u32 s11, v3;
	s11 =	smov.u32 s13;
	v11 =	vxor.u32 v4, v11;
	vm3 =	vmor vm3, vm4  }
0x70: {  	v12 =	vnsel vm3, $0xFFFFFFFF, v12;
	v11 =	vnsel vm3, $0xFFFFFFF0, v11  }
0x71: {  	(xrf1) =	vsort.ascd.msk.u32 $0xffff, v11, v12;
	_ =	sdelay $0xd  }
0x72: {  	v11, v12, _ =	vpop (xrf1)  }
0x73: {  	v11 =	vxor.u32 $0x80000000, v11  }
0x74: {  	v13 =	vperm.xlane v11, v5;
	_ =	sdelay $0x1  }
0x75: {  	v11 =	vshra.s32 v11, $0x4;
	v13 =	vshra.s32 v13, $0x4  }
0x76: {  	vm3 =	vne.s32 v11, v13  }
0x77: {  	vm4 =	vgt.s32 v12, $0xFFFFFFFF;
	vm3 =	vmor vm3, vm1  }
0x78: {  	vm3 =	vmand vm4, vm3;
	_ =	sdelay $0x2  }
.Ltmp4:
0x79: {  	(pc) =	sbr.rel @p2 .LBB2_6-.Ltmp4, $3  }
0x7a: {  	_ =	sdelay $0x1  }
0x7b: {  	s12 =	sadd.s32 $0x10, s12;
	[tilespmem:v11+s29+$0x0] =	vst.idx.msk vm3, v12  }
0x7c: {  	s13 =	sadd.s32 $0x10, s13;
	v11 =	vld [tilespmem:s12+$0x0]  }
0x7d: {  	_ =	sdelay $0x3  }
0x7e: {  	vm3 =	vgt.s32 v11, $0xF41FF  }
0x7f: {  	vm3 =	vmand vm0, vm3  }
0x80: {  	v12 =	vsel vm3, $0xFFF13800, v0  }
0x81: {  	v11 =	vadd.s32 v11, v12  }
0x82: {  	vm4 =	vgt.s32 v11, $0xFFFFFFFF;
	vm5 =	vlt.s32 v11, v1  }
0x83: {  	v11 =	vshll.u32 v11, $0x4;
	vm4 =	vmand vm4, vm5  }
0x84: {  	v63 =	vor.u32 s11, v3;
	v11 =	vxor.u32 v4, v11;
	vm3 =	vmor vm3, vm4  }
0x85: {  	v12 =	vnsel vm3, $0xFFFFFFFF, v63;
	v11 =	vnsel vm3, $0xFFFFFFF0, v11  }
0x86: {  	(xrf1) =	vsort.ascd.msk.u32 $0xffff, v11, v12;
	_ =	sdelay $0xd  }
0x87: {  	v11, v12, _ =	vpop (xrf1)  }
0x88: {  	v11 =	vxor.u32 $0x80000000, v11  }
0x89: {  	v13 =	vperm.xlane v11, v5;
	_ =	sdelay $0x1  }
0x8a: {  	v11 =	vshra.s32 v11, $0x4;
	v13 =	vshra.s32 v13, $0x4  }
0x8b: {  	vm3 =	vne.s32 v11, v13  }
0x8c: {  	vm15 =	vgt.s32 v12, $0xFFFFFFFF;
	vm3 =	vmor vm3, vm1  }
0x8d: {  	vm3 =	vmand vm15, vm3;
	_ =	sdelay $0x5  }
0x8e: {  	s12 =	simm.s32 $0x0;
	s7 =	rddreg [dreg:$0xb];
	[tilespmem:v11+s29+$0x0] =	vst.idx.msk vm3, v12  }
0x8f: {  	[tilespmem:s12], [sflag:$0xB] =	stream.linear.gather [hbm4b:s7+s12], $0x800, $0x200038;
	[tilespmem:$0x1F480] =	vst v63  }
0x90: {  	_ =	swait.ge [sflag:s10], $0x800  }
0x91: {  	[sflag:s10] =	ssyncset.done $0x0  }
0x92: {  	[sflag:s10] =	ssyncadd.s32 $0xFFFFF800  }
0x93: {  	s11 =	simm.s32 $0x1000;
	s13 =	simm.s32 $0x1010;
	v11 =	vld [tilespmem:s12+$0x0]  }
.LBB2_8:
0x94: {  	p2 =	sne.s32 s13, $0x17F0;
	_ =	sdelay $0x3  }
0x95: {  	vm3 =	vgt.s32 v11, $0xF41FF  }
0x96: {  	vm3 =	vmand vm0, vm3  }
0x97: {  	v12 =	vsel vm3, $0xFFF13800, v0  }
0x98: {  	v11 =	vadd.s32 v11, v12  }
0x99: {  	vm4 =	vgt.s32 v11, $0xFFFFFFFF;
	vm5 =	vlt.s32 v11, v1  }
0x9a: {  	v11 =	vshll.u32 v11, $0x4;
	vm4 =	vmand vm4, vm5  }
0x9b: {  	v12 =	vor.u32 s11, v3;
	s11 =	smov.u32 s13;
	v11 =	vxor.u32 v4, v11;
	vm3 =	vmor vm3, vm4  }
0x9c: {  	v12 =	vnsel vm3, $0xFFFFFFFF, v12;
	v11 =	vnsel vm3, $0xFFFFFFF0, v11  }
0x9d: {  	(xrf1) =	vsort.ascd.msk.u32 $0xffff, v11, v12;
	_ =	sdelay $0xd  }
0x9e: {  	v11, v12, _ =	vpop (xrf1)  }
0x9f: {  	v11 =	vxor.u32 $0x80000000, v11  }
0xa0: {  	v13 =	vperm.xlane v11, v5;
	_ =	sdelay $0x1  }
0xa1: {  	v11 =	vshra.s32 v11, $0x4;
	v13 =	vshra.s32 v13, $0x4  }
0xa2: {  	vm3 =	vne.s32 v11, v13  }
0xa3: {  	vm4 =	vgt.s32 v12, $0xFFFFFFFF;
	vm3 =	vmor vm3, vm1  }
0xa4: {  	vm3 =	vmand vm4, vm3;
	_ =	sdelay $0x2  }
.Ltmp5:
0xa5: {  	(pc) =	sbr.rel @p2 .LBB2_8-.Ltmp5, $3  }
0xa6: {  	_ =	sdelay $0x1  }
0xa7: {  	s12 =	sadd.s32 $0x10, s12;
	[tilespmem:v11+s29+$0x0] =	vst.idx.msk vm3, v12  }
0xa8: {  	s13 =	sadd.s32 $0x10, s13;
	v11 =	vld [tilespmem:s12+$0x0]  }
0xa9: {  	_ =	sdelay $0x3  }
0xaa: {  	vm3 =	vgt.s32 v11, $0xF41FF  }
0xab: {  	vm3 =	vmand vm0, vm3  }
0xac: {  	v12 =	vsel vm3, $0xFFF13800, v0  }
0xad: {  	v11 =	vadd.s32 v11, v12  }
0xae: {  	vm4 =	vgt.s32 v11, $0xFFFFFFFF;
	vm5 =	vlt.s32 v11, v1  }
0xaf: {  	v11 =	vshll.u32 v11, $0x4;
	vm4 =	vmand vm4, vm5  }
0xb0: {  	v63 =	vor.u32 s11, v3;
	v11 =	vxor.u32 v4, v11;
	vm3 =	vmor vm3, vm4  }
0xb1: {  	v12 =	vnsel vm3, $0xFFFFFFFF, v63;
	v11 =	vnsel vm3, $0xFFFFFFF0, v11  }
0xb2: {  	(xrf1) =	vsort.ascd.msk.u32 $0xffff, v11, v12;
	_ =	sdelay $0xd  }
0xb3: {  	v11, v12, _ =	vpop (xrf1)  }
0xb4: {  	v11 =	vxor.u32 $0x80000000, v11  }
0xb5: {  	v13 =	vperm.xlane v11, v5;
	_ =	sdelay $0x1  }
0xb6: {  	v11 =	vshra.s32 v11, $0x4;
	v13 =	vshra.s32 v13, $0x4  }
0xb7: {  	vm3 =	vne.s32 v11, v13  }
0xb8: {  	vm15 =	vgt.s32 v12, $0xFFFFFFFF;
	vm3 =	vmor vm3, vm1  }
0xb9: {  	vm3 =	vmand vm15, vm3;
	_ =	sdelay $0x5  }
0xba: {  	s12 =	simm.s32 $0x0;
	s7 =	rddreg [dreg:$0xc];
	[tilespmem:v11+s29+$0x0] =	vst.idx.msk vm3, v12  }
0xbb: {  	[tilespmem:s12], [sflag:$0xB] =	stream.linear.gather [hbm4b:s7+s12], $0x800, $0x200038;
	[tilespmem:$0x1F480] =	vst v63  }
0xbc: {  	_ =	swait.ge [sflag:s10], $0x800  }
0xbd: {  	[sflag:s10] =	ssyncset.done $0x0  }
0xbe: {  	[sflag:s10] =	ssyncadd.s32 $0xFFFFF800  }
0xbf: {  	s11 =	simm.s32 $0x1800;
	s13 =	simm.s32 $0x1810;
	v11 =	vld [tilespmem:s12+$0x0]  }
.LBB2_10:
0xc0: {  	p2 =	sne.s32 s13, $0x1FF0;
	_ =	sdelay $0x3  }
0xc1: {  	vm3 =	vgt.s32 v11, $0xF41FF  }
0xc2: {  	vm3 =	vmand vm0, vm3  }
0xc3: {  	v12 =	vsel vm3, $0xFFF13800, v0  }
0xc4: {  	v11 =	vadd.s32 v11, v12  }
0xc5: {  	vm4 =	vgt.s32 v11, $0xFFFFFFFF;
	vm5 =	vlt.s32 v11, v1  }
0xc6: {  	v11 =	vshll.u32 v11, $0x4;
	vm4 =	vmand vm4, vm5  }
0xc7: {  	v12 =	vor.u32 s11, v3;
	s11 =	smov.u32 s13;
	v11 =	vxor.u32 v4, v11;
	vm3 =	vmor vm3, vm4  }
0xc8: {  	v12 =	vnsel vm3, $0xFFFFFFFF, v12;
	v11 =	vnsel vm3, $0xFFFFFFF0, v11  }
0xc9: {  	(xrf1) =	vsort.ascd.msk.u32 $0xffff, v11, v12;
	_ =	sdelay $0xd  }
0xca: {  	v11, v12, _ =	vpop (xrf1)  }
0xcb: {  	v11 =	vxor.u32 $0x80000000, v11  }
0xcc: {  	v13 =	vperm.xlane v11, v5;
	_ =	sdelay $0x1  }
0xcd: {  	v11 =	vshra.s32 v11, $0x4;
	v13 =	vshra.s32 v13, $0x4  }
0xce: {  	vm3 =	vne.s32 v11, v13  }
0xcf: {  	vm4 =	vgt.s32 v12, $0xFFFFFFFF;
	vm3 =	vmor vm3, vm1  }
0xd0: {  	vm3 =	vmand vm4, vm3;
	_ =	sdelay $0x2  }
.Ltmp6:
0xd1: {  	(pc) =	sbr.rel @p2 .LBB2_10-.Ltmp6, $3  }
0xd2: {  	_ =	sdelay $0x1  }
0xd3: {  	s12 =	sadd.s32 $0x10, s12;
	[tilespmem:v11+s29+$0x0] =	vst.idx.msk vm3, v12  }
0xd4: {  	s13 =	sadd.s32 $0x10, s13;
	v11 =	vld [tilespmem:s12+$0x0]  }
0xd5: {  	_ =	sdelay $0x3  }
0xd6: {  	vm3 =	vgt.s32 v11, $0xF41FF  }
0xd7: {  	vm3 =	vmand vm0, vm3  }
0xd8: {  	v12 =	vsel vm3, $0xFFF13800, v0  }
0xd9: {  	v11 =	vadd.s32 v11, v12  }
0xda: {  	vm4 =	vgt.s32 v11, $0xFFFFFFFF;
	vm5 =	vlt.s32 v11, v1  }
0xdb: {  	v11 =	vshll.u32 v11, $0x4;
	vm4 =	vmand vm4, vm5  }
0xdc: {  	v63 =	vor.u32 s11, v3;
	v11 =	vxor.u32 v4, v11;
	vm3 =	vmor vm3, vm4  }
0xdd: {  	v12 =	vnsel vm3, $0xFFFFFFFF, v63;
	v11 =	vnsel vm3, $0xFFFFFFF0, v11  }
0xde: {  	(xrf1) =	vsort.ascd.msk.u32 $0xffff, v11, v12;
	_ =	sdelay $0xd  }
0xdf: {  	v11, v12, _ =	vpop (xrf1)  }
0xe0: {  	v11 =	vxor.u32 $0x80000000, v11  }
0xe1: {  	v13 =	vperm.xlane v11, v5;
	_ =	sdelay $0x1  }
0xe2: {  	v11 =	vshra.s32 v11, $0x4;
	v13 =	vshra.s32 v13, $0x4  }
0xe3: {  	vm3 =	vne.s32 v11, v13  }
0xe4: {  	vm15 =	vgt.s32 v12, $0xFFFFFFFF;
	vm3 =	vmor vm3, vm1  }
0xe5: {  	vm3 =	vmand vm15, vm3;
	_ =	sdelay $0x5  }
0xe6: {  	s12 =	simm.s32 $0x0;
	s7 =	rddreg [dreg:$0xd];
	[tilespmem:v11+s29+$0x0] =	vst.idx.msk vm3, v12  }
0xe7: {  	[tilespmem:s12], [sflag:$0xB] =	stream.linear.gather [hbm4b:s7+s12], $0x800, $0x200038;
	[tilespmem:$0x1F480] =	vst v63  }
0xe8: {  	_ =	swait.ge [sflag:s10], $0x800  }
0xe9: {  	[sflag:s10] =	ssyncset.done $0x0  }
0xea: {  	[sflag:s10] =	ssyncadd.s32 $0xFFFFF800  }
0xeb: {  	s11 =	simm.s32 $0x2000;
	s13 =	simm.s32 $0x2010;
	v11 =	vld [tilespmem:s12+$0x0]  }
.LBB2_12:
0xec: {  	p2 =	sne.s32 s13, $0x27F0;
	_ =	sdelay $0x3  }
0xed: {  	vm3 =	vgt.s32 v11, $0xF41FF  }
0xee: {  	vm3 =	vmand vm0, vm3  }
0xef: {  	v12 =	vsel vm3, $0xFFF13800, v0  }
0xf0: {  	v11 =	vadd.s32 v11, v12  }
0xf1: {  	vm4 =	vgt.s32 v11, $0xFFFFFFFF;
	vm5 =	vlt.s32 v11, v1  }
0xf2: {  	v11 =	vshll.u32 v11, $0x4;
	vm4 =	vmand vm4, vm5  }
0xf3: {  	v12 =	vor.u32 s11, v3;
	s11 =	smov.u32 s13;
	v11 =	vxor.u32 v4, v11;
	vm3 =	vmor vm3, vm4  }
0xf4: {  	v12 =	vnsel vm3, $0xFFFFFFFF, v12;
	v11 =	vnsel vm3, $0xFFFFFFF0, v11  }
0xf5: {  	(xrf1) =	vsort.ascd.msk.u32 $0xffff, v11, v12;
	_ =	sdelay $0xd  }
0xf6: {  	v11, v12, _ =	vpop (xrf1)  }
0xf7: {  	v11 =	vxor.u32 $0x80000000, v11  }
0xf8: {  	v13 =	vperm.xlane v11, v5;
	_ =	sdelay $0x1  }
0xf9: {  	v11 =	vshra.s32 v11, $0x4;
	v13 =	vshra.s32 v13, $0x4  }
0xfa: {  	vm3 =	vne.s32 v11, v13  }
0xfb: {  	vm4 =	vgt.s32 v12, $0xFFFFFFFF;
	vm3 =	vmor vm3, vm1  }
0xfc: {  	vm3 =	vmand vm4, vm3;
	_ =	sdelay $0x2  }
.Ltmp7:
0xfd: {  	(pc) =	sbr.rel @p2 .LBB2_12-.Ltmp7, $3  }
0xfe: {  	_ =	sdelay $0x1  }
0xff: {  	s12 =	sadd.s32 $0x10, s12;
	[tilespmem:v11+s29+$0x0] =	vst.idx.msk vm3, v12  }
0x100: {  	s13 =	sadd.s32 $0x10, s13;
	v11 =	vld [tilespmem:s12+$0x0]  }
0x101: {  	_ =	sdelay $0x3  }
0x102: {  	vm3 =	vgt.s32 v11, $0xF41FF  }
0x103: {  	vm3 =	vmand vm0, vm3  }
0x104: {  	v12 =	vsel vm3, $0xFFF13800, v0  }
0x105: {  	v11 =	vadd.s32 v11, v12  }
0x106: {  	vm4 =	vgt.s32 v11, $0xFFFFFFFF;
	vm5 =	vlt.s32 v11, v1  }
0x107: {  	v11 =	vshll.u32 v11, $0x4;
	vm4 =	vmand vm4, vm5  }
0x108: {  	v63 =	vor.u32 s11, v3;
	v11 =	vxor.u32 v4, v11;
	vm3 =	vmor vm3, vm4  }
0x109: {  	v12 =	vnsel vm3, $0xFFFFFFFF, v63;
	v11 =	vnsel vm3, $0xFFFFFFF0, v11  }
0x10a: {  	(xrf1) =	vsort.ascd.msk.u32 $0xffff, v11, v12;
	_ =	sdelay $0xd  }
0x10b: {  	v11, v12, _ =	vpop (xrf1)  }
0x10c: {  	v11 =	vxor.u32 $0x80000000, v11  }
0x10d: {  	v13 =	vperm.xlane v11, v5;
	_ =	sdelay $0x1  }
0x10e: {  	v11 =	vshra.s32 v11, $0x4;
	v13 =	vshra.s32 v13, $0x4  }
0x10f: {  	vm3 =	vne.s32 v11, v13  }
0x110: {  	vm15 =	vgt.s32 v12, $0xFFFFFFFF;
	vm3 =	vmor vm3, vm1  }
0x111: {  	vm3 =	vmand vm15, vm3;
	_ =	sdelay $0x5  }
0x112: {  	s12 =	simm.s32 $0x0;
	s7 =	rddreg [dreg:$0xe];
	[tilespmem:v11+s29+$0x0] =	vst.idx.msk vm3, v12  }
0x113: {  	[tilespmem:s12], [sflag:$0xB] =	stream.linear.gather [hbm4b:s7+s12], $0x800, $0x200038;
	[tilespmem:$0x1F480] =	vst v63  }
0x114: {  	_ =	swait.ge [sflag:s10], $0x800  }
0x115: {  	[sflag:s10] =	ssyncset.done $0x0  }
0x116: {  	[sflag:s10] =	ssyncadd.s32 $0xFFFFF800  }
0x117: {  	s11 =	simm.s32 $0x2800;
	s13 =	simm.s32 $0x2810;
	v11 =	vld [tilespmem:s12+$0x0]  }
.LBB2_14:
0x118: {  	p2 =	sne.s32 s13, $0x2FF0;
	_ =	sdelay $0x3  }
0x119: {  	vm3 =	vgt.s32 v11, $0xF41FF  }
0x11a: {  	vm3 =	vmand vm0, vm3  }
0x11b: {  	v12 =	vsel vm3, $0xFFF13800, v0  }
0x11c: {  	v11 =	vadd.s32 v11, v12  }
0x11d: {  	vm4 =	vgt.s32 v11, $0xFFFFFFFF;
	vm5 =	vlt.s32 v11, v1  }
0x11e: {  	v11 =	vshll.u32 v11, $0x4;
	vm4 =	vmand vm4, vm5  }
0x11f: {  	v12 =	vor.u32 s11, v3;
	s11 =	smov.u32 s13;
	v11 =	vxor.u32 v4, v11;
	vm3 =	vmor vm3, vm4  }
0x120: {  	v12 =	vnsel vm3, $0xFFFFFFFF, v12;
	v11 =	vnsel vm3, $0xFFFFFFF0, v11  }
0x121: {  	(xrf1) =	vsort.ascd.msk.u32 $0xffff, v11, v12;
	_ =	sdelay $0xd  }
0x122: {  	v11, v12, _ =	vpop (xrf1)  }
0x123: {  	v11 =	vxor.u32 $0x80000000, v11  }
0x124: {  	v13 =	vperm.xlane v11, v5;
	_ =	sdelay $0x1  }
0x125: {  	v11 =	vshra.s32 v11, $0x4;
	v13 =	vshra.s32 v13, $0x4  }
0x126: {  	vm3 =	vne.s32 v11, v13  }
0x127: {  	vm4 =	vgt.s32 v12, $0xFFFFFFFF;
	vm3 =	vmor vm3, vm1  }
0x128: {  	vm3 =	vmand vm4, vm3;
	_ =	sdelay $0x2  }
.Ltmp8:
0x129: {  	(pc) =	sbr.rel @p2 .LBB2_14-.Ltmp8, $3  }
0x12a: {  	_ =	sdelay $0x1  }
0x12b: {  	s12 =	sadd.s32 $0x10, s12;
	[tilespmem:v11+s29+$0x0] =	vst.idx.msk vm3, v12  }
0x12c: {  	s13 =	sadd.s32 $0x10, s13;
	v11 =	vld [tilespmem:s12+$0x0]  }
0x12d: {  	_ =	sdelay $0x3  }
0x12e: {  	vm3 =	vgt.s32 v11, $0xF41FF  }
0x12f: {  	vm3 =	vmand vm0, vm3  }
0x130: {  	v12 =	vsel vm3, $0xFFF13800, v0  }
0x131: {  	v11 =	vadd.s32 v11, v12  }
0x132: {  	vm4 =	vgt.s32 v11, $0xFFFFFFFF;
	vm5 =	vlt.s32 v11, v1  }
0x133: {  	v11 =	vshll.u32 v11, $0x4;
	vm4 =	vmand vm4, vm5  }
0x134: {  	v63 =	vor.u32 s11, v3;
	v11 =	vxor.u32 v4, v11;
	vm3 =	vmor vm3, vm4  }
0x135: {  	v12 =	vnsel vm3, $0xFFFFFFFF, v63;
	v11 =	vnsel vm3, $0xFFFFFFF0, v11  }
0x136: {  	(xrf1) =	vsort.ascd.msk.u32 $0xffff, v11, v12;
	_ =	sdelay $0xd  }
0x137: {  	v11, v12, _ =	vpop (xrf1)  }
0x138: {  	v11 =	vxor.u32 $0x80000000, v11  }
0x139: {  	v13 =	vperm.xlane v11, v5;
	_ =	sdelay $0x1  }
0x13a: {  	v11 =	vshra.s32 v11, $0x4;
	v13 =	vshra.s32 v13, $0x4  }
0x13b: {  	vm3 =	vne.s32 v11, v13  }
0x13c: {  	vm15 =	vgt.s32 v12, $0xFFFFFFFF;
	vm3 =	vmor vm3, vm1  }
0x13d: {  	vm3 =	vmand vm15, vm3;
	_ =	sdelay $0x5  }
0x13e: {  	s12 =	simm.s32 $0x0;
	s7 =	rddreg [dreg:$0xf];
	[tilespmem:v11+s29+$0x0] =	vst.idx.msk vm3, v12  }
0x13f: {  	[tilespmem:s12], [sflag:$0xB] =	stream.linear.gather [hbm4b:s7+s12], $0x800, $0x200038;
	[tilespmem:$0x1F480] =	vst v63  }
0x140: {  	_ =	swait.ge [sflag:s10], $0x800  }
0x141: {  	[sflag:s10] =	ssyncset.done $0x0  }
0x142: {  	[sflag:s10] =	ssyncadd.s32 $0xFFFFF800  }
0x143: {  	s11 =	simm.s32 $0x3000;
	s13 =	simm.s32 $0x3010;
	v11 =	vld [tilespmem:s12+$0x0]  }
.LBB2_16:
0x144: {  	p2 =	sne.s32 s13, $0x37F0;
	_ =	sdelay $0x3  }
0x145: {  	vm3 =	vgt.s32 v11, $0xF41FF  }
0x146: {  	vm3 =	vmand vm0, vm3  }
0x147: {  	v12 =	vsel vm3, $0xFFF13800, v0  }
0x148: {  	v11 =	vadd.s32 v11, v12  }
0x149: {  	vm4 =	vgt.s32 v11, $0xFFFFFFFF;
	vm5 =	vlt.s32 v11, v1  }
0x14a: {  	v11 =	vshll.u32 v11, $0x4;
	vm4 =	vmand vm4, vm5  }
0x14b: {  	v12 =	vor.u32 s11, v3;
	s11 =	smov.u32 s13;
	v11 =	vxor.u32 v4, v11;
	vm3 =	vmor vm3, vm4  }
0x14c: {  	v12 =	vnsel vm3, $0xFFFFFFFF, v12;
	v11 =	vnsel vm3, $0xFFFFFFF0, v11  }
0x14d: {  	(xrf1) =	vsort.ascd.msk.u32 $0xffff, v11, v12;
	_ =	sdelay $0xd  }
0x14e: {  	v11, v12, _ =	vpop (xrf1)  }
0x14f: {  	v11 =	vxor.u32 $0x80000000, v11  }
0x150: {  	v13 =	vperm.xlane v11, v5;
	_ =	sdelay $0x1  }
0x151: {  	v11 =	vshra.s32 v11, $0x4;
	v13 =	vshra.s32 v13, $0x4  }
0x152: {  	vm3 =	vne.s32 v11, v13  }
0x153: {  	vm4 =	vgt.s32 v12, $0xFFFFFFFF;
	vm3 =	vmor vm3, vm1  }
0x154: {  	vm3 =	vmand vm4, vm3;
	_ =	sdelay $0x2  }
.Ltmp9:
0x155: {  	(pc) =	sbr.rel @p2 .LBB2_16-.Ltmp9, $3  }
0x156: {  	_ =	sdelay $0x1  }
0x157: {  	s12 =	sadd.s32 $0x10, s12;
	[tilespmem:v11+s29+$0x0] =	vst.idx.msk vm3, v12  }
0x158: {  	s13 =	sadd.s32 $0x10, s13;
	v11 =	vld [tilespmem:s12+$0x0]  }
0x159: {  	_ =	sdelay $0x3  }
0x15a: {  	vm3 =	vgt.s32 v11, $0xF41FF  }
0x15b: {  	vm3 =	vmand vm0, vm3  }
0x15c: {  	v12 =	vsel vm3, $0xFFF13800, v0  }
0x15d: {  	v11 =	vadd.s32 v11, v12  }
0x15e: {  	vm4 =	vgt.s32 v11, $0xFFFFFFFF;
	vm5 =	vlt.s32 v11, v1  }
0x15f: {  	v11 =	vshll.u32 v11, $0x4;
	vm4 =	vmand vm4, vm5  }
0x160: {  	v63 =	vor.u32 s11, v3;
	v11 =	vxor.u32 v4, v11;
	vm3 =	vmor vm3, vm4  }
0x161: {  	v12 =	vnsel vm3, $0xFFFFFFFF, v63;
	v11 =	vnsel vm3, $0xFFFFFFF0, v11  }
0x162: {  	(xrf1) =	vsort.ascd.msk.u32 $0xffff, v11, v12;
	_ =	sdelay $0xd  }
0x163: {  	v11, v12, _ =	vpop (xrf1)  }
0x164: {  	v11 =	vxor.u32 $0x80000000, v11  }
0x165: {  	v13 =	vperm.xlane v11, v5;
	_ =	sdelay $0x1  }
0x166: {  	v11 =	vshra.s32 v11, $0x4;
	v13 =	vshra.s32 v13, $0x4  }
0x167: {  	vm3 =	vne.s32 v11, v13  }
0x168: {  	vm15 =	vgt.s32 v12, $0xFFFFFFFF;
	vm3 =	vmor vm3, vm1  }
0x169: {  	vm3 =	vmand vm15, vm3;
	_ =	sdelay $0x5  }
0x16a: {  	s12 =	simm.s32 $0x0;
	s7 =	rddreg [dreg:$0x10];
	[tilespmem:v11+s29+$0x0] =	vst.idx.msk vm3, v12  }
0x16b: {  	[tilespmem:s12], [sflag:$0xB] =	stream.linear.gather [hbm4b:s7+s12], $0x800, $0x200038;
	[tilespmem:$0x1F480] =	vst v63  }
0x16c: {  	_ =	swait.ge [sflag:s10], $0x800  }
0x16d: {  	[sflag:s10] =	ssyncset.done $0x0  }
0x16e: {  	[sflag:s10] =	ssyncadd.s32 $0xFFFFF800  }
0x16f: {  	s11 =	simm.s32 $0x3800;
	s13 =	simm.s32 $0x3810;
	v11 =	vld [tilespmem:s12+$0x0]  }
.LBB2_18:
0x170: {  	p2 =	sne.s32 s13, $0x3FF0;
	_ =	sdelay $0x3  }
0x171: {  	vm3 =	vgt.s32 v11, $0xF41FF  }
0x172: {  	vm3 =	vmand vm0, vm3  }
0x173: {  	v12 =	vsel vm3, $0xFFF13800, v0  }
0x174: {  	v11 =	vadd.s32 v11, v12  }
0x175: {  	vm4 =	vgt.s32 v11, $0xFFFFFFFF;
	vm5 =	vlt.s32 v11, v1  }
0x176: {  	v11 =	vshll.u32 v11, $0x4;
	vm4 =	vmand vm4, vm5  }
0x177: {  	v12 =	vor.u32 s11, v3;
	s11 =	smov.u32 s13;
	v11 =	vxor.u32 v4, v11;
	vm3 =	vmor vm3, vm4  }
0x178: {  	v12 =	vnsel vm3, $0xFFFFFFFF, v12;
	v11 =	vnsel vm3, $0xFFFFFFF0, v11  }
0x179: {  	(xrf1) =	vsort.ascd.msk.u32 $0xffff, v11, v12;
	_ =	sdelay $0xd  }
0x17a: {  	v11, v12, _ =	vpop (xrf1)  }
0x17b: {  	v11 =	vxor.u32 $0x80000000, v11  }
0x17c: {  	v13 =	vperm.xlane v11, v5;
	_ =	sdelay $0x1  }
0x17d: {  	v11 =	vshra.s32 v11, $0x4;
	v13 =	vshra.s32 v13, $0x4  }
0x17e: {  	vm3 =	vne.s32 v11, v13  }
0x17f: {  	vm4 =	vgt.s32 v12, $0xFFFFFFFF;
	vm3 =	vmor vm3, vm1  }
0x180: {  	vm3 =	vmand vm4, vm3;
	_ =	sdelay $0x2  }
.Ltmp10:
0x181: {  	(pc) =	sbr.rel @p2 .LBB2_18-.Ltmp10, $3  }
0x182: {  	_ =	sdelay $0x1  }
0x183: {  	s12 =	sadd.s32 $0x10, s12;
	[tilespmem:v11+s29+$0x0] =	vst.idx.msk vm3, v12  }
0x184: {  	s13 =	sadd.s32 $0x10, s13;
	v11 =	vld [tilespmem:s12+$0x0]  }
0x185: {  	_ =	sdelay $0x3  }
0x186: {  	vm3 =	vgt.s32 v11, $0xF41FF  }
0x187: {  	vm3 =	vmand vm0, vm3  }
0x188: {  	v12 =	vsel vm3, $0xFFF13800, v0  }
0x189: {  	v11 =	vadd.s32 v11, v12  }
0x18a: {  	vm4 =	vgt.s32 v11, $0xFFFFFFFF;
	vm5 =	vlt.s32 v11, v1  }
0x18b: {  	v11 =	vshll.u32 v11, $0x4;
	vm4 =	vmand vm4, vm5  }
0x18c: {  	v60 =	vor.u32 s11, v3;
	v11 =	vxor.u32 v4, v11;
	vm3 =	vmor vm3, vm4  }
0x18d: {  	v12 =	vnsel vm3, $0xFFFFFFFF, v60;
	v11 =	vnsel vm3, $0xFFFFFFF0, v11  }
0x18e: {  	(xrf1) =	vsort.ascd.msk.u32 $0xffff, v11, v12;
	_ =	sdelay $0xd  }
0x18f: {  	v11, v12, _ =	vpop (xrf1)  }
0x190: {  	v11 =	vxor.u32 $0x80000000, v11  }
0x191: {  	v13 =	vperm.xlane v11, v5;
	_ =	sdelay $0x1  }
0x192: {  	v11 =	vshra.s32 v11, $0x4;
	v13 =	vshra.s32 v13, $0x4  }
0x193: {  	vm3 =	vne.s32 v11, v13  }
0x194: {  	vm15 =	vgt.s32 v12, $0xFFFFFFFF;
	vm3 =	vmor vm3, vm1  }
0x195: {  	vm3 =	vmand vm15, vm3;
	_ =	sdelay $0x5  }
0x196: {  	[tilespmem:v11+s29+$0x0] =	vst.idx.msk vm3, v12  }
0x197: {  	_ =	strace $0x90000048  }
0x198: {  	s9 =	simm.s32 $0x800;
	_ =	strace $0x80000049  }
0x199: {  	v11 =	vld [tilespmem:s9+$0x0];
	_ =	sdelay $0x4  }
0x19a: {  	vm3 =	vgt.s32 v11, $0xFFFFFFFF  }
0x19b: {  	v61 =	vmpcnt.ones.xlane vm3;
	_ =	sdelay $0x1  }
0x19c: {  	v12 =	vxor.u32 $0x80000000, v61  }
0x19d: {  	(xrf0) =	vmax.scan.msk.u32 $0xffff, v12;
	_ =	sdelay $0x2  }
0x19e: {  	s11 =	simm.s32 $0x0  }
0x19f: {  	v62 =	vmov s11  }
0x1a0: {  	v12 =	vshll.u32 v62, $0xE  }
0x1a1: {  	v11 =	vand.u32 $0x3FFF, v11;
	v12 =	vor.u32 v7, v12;
	v63, _, _ =	vpop (xrf0)  }
0x1a2: {  	v11 =	vor.u32 v12, v11;
	(v2sf) =	vpush v63, $0xF  }
0x1a3: {  	s13 =	simm.s32 $0x810;
	[tilespmem:s11+$0x8400] =	vst.msk vm3, v11  }
0x1a4: {  	s12 =	simm.s32 $0x10;
	s14 =	simm.s32 $0x20;
	v11 =	vld [tilespmem:s13+$0x0]  }
.LBB2_20:
0x1a5: {  	p2 =	sne.s32 s14, $0x7BF0;
	_ =	sdelay $0x3  }
0x1a6: {  	vm3 =	vgt.s32 v11, $0xFFFFFFFF;
	v11 =	vand.u32 $0x3FFF, v11  }
0x1a7: {  	v12 =	vmpcnt.ones.xlane vm3;
	_ =	sdelay $0x1  }
0x1a8: {  	v12 =	vxor.u32 $0x80000000, v12  }
0x1a9: {  	(xrf0) =	vmax.scan.msk.u32 $0xffff, v12;
	_ =	sdelay $0x2  }
0x1aa: {  	v12 =	vmov s12;
	s12 =	smov.u32 s14  }
0x1ab: {  	v14 =	vshll.u32 v12, $0xE;
	s9 =	spop (v2sf)  }
.Ltmp11:
0x1ac: {  	v13 =	vor.u32 v7, v14;
	s9 =	sadd.s32 s9, s11;
	(pc) =	sbr.rel @p2 .LBB2_20-.Ltmp11, $4  }
0x1ad: {  	v11 =	vor.u32 v13, v11;
	v12, _, _ =	vpop (xrf0);
	s11 =	sadd.s32 $0x80000000, s9  }
0x1ae: {  	[tilespmem:s11+$0x8400] =	vst.msk vm3, v11;
	(v2sf) =	vpush v12, $0xF  }
0x1af: {  	s13 =	sadd.s32 $0x10, s13  }
0x1b0: {  	s14 =	sadd.s32 $0x10, s14;
	v11 =	vld [tilespmem:s13+$0x0]  }
0x1b1: {  	_ =	sdelay $0x3  }
0x1b2: {  	vm3 =	vgt.s32 v11, $0xFFFFFFFF  }
0x1b3: {  	v12 =	vmpcnt.ones.xlane vm3;
	_ =	sdelay $0x1  }
0x1b4: {  	v12 =	vxor.u32 $0x80000000, v12  }
0x1b5: {  	(xrf0) =	vmax.scan.msk.u32 $0xffff, v12;
	_ =	sdelay $0x5  }
0x1b6: {  	v12, _, _ =	vpop (xrf0)  }
0x1b7: {  	(v2sf) =	vpush v12, $0xF;
	_ =	sdelay $0xa  }
0x1b8: {  	v63 =	vmov s12  }
0x1b9: {  	s9 =	spop (v2sf);
	v12 =	vshll.u32 v63, $0xE  }
0x1ba: {  	v11 =	vand.u32 $0x3FFF, v11;
	s9 =	sadd.s32 s9, s11;
	v12 =	vor.u32 v7, v12  }
0x1bb: {  	s9 =	sadd.s32 $0x80000000, s9;
	v11 =	vor.u32 v12, v11  }
0x1bc: {  	[tilespmem:s9+$0x8400] =	vst.msk vm3, v11;
	s28 =	spop (v2sf)  }
0x1bd: {  	_ =	strace $0x90000049  }
0x1be: {  	v11 =	vld [tilespmem:$0x8400];
	_ =	sdelay $0x4  }
0x1bf: {  	v11 =	vnsel vm2, $0x80000000, v11  }
0x1c0: {  	v11 =	vxor.u32 $0x80000000, v11  }
0x1c1: {  	(xrf0) =	vmax.scan.msk.u32 $0xffff, v11;
	_ =	sdelay $0x5  }
0x1c2: {  	v11, _, _ =	vpop (xrf0)  }
0x1c3: {  	(v2sf) =	vpush v11, $0xF;
	_ =	sdelay $0xd  }
0x1c4: {  	s9 =	sadd.s32 s28, s9  }
0x1c5: {  	s15 =	sadd.s32 $0x80000000, s9;
	s30 =	spop (v2sf)  }
0x1c6: {  	p2 =	sgt.s32 s15, $0x0;
	s16 =	sxor.u32 $0x80000000, s30  }
0x1c7: {  	s16 =	simm.s32 @!p2 $0x7FFFFFF0  }
.Ltmp12:
0x1c8: {  	p2 =	seq.s32 s16, $0x7FFFFFF0;
	(pc) =	sbr.rel .LBB2_22-.Ltmp12, $4  }
0x1c9: {  	s9 =	sand.u32 @!p2 $0x3F80, s16;
	s11 =	simm.s32 @!p2 $0x400  }
0x1ca: {  	s12 =	simm.s32 @!p2 $0x20000;
	s13 =	simm.s32 @!p2 $0x1C480;
	s9 =	sadd.s32 @!p2 s3, s9  }
0x1cb: {  	[tilespmem:s13], [sflag:$0x9] =	stream.strided.gather @!p2 [hbm4b:s9+s11], $0x1000, s12, s11, $0x38;
	[tilespmem:$0x1F480] =	vst v63  }
0x1cc: {  	s21 =	simm.s32 $0x0;
	s11 =	simm.s32 $0x0;
	_ =	strace $0x8000004A  }
.LBB2_30:
0x1cd: {  	s7 =	sadd.s32 s13, s19  }
0x1ce: {  	[hbm4b:s7+s23] =	stream.strided.scatter [tilespmem:s8], [sflag:$0x8], $0x4000, s24, s23, $0x200038;
	[tilespmem:$0x1F480] =	vst v63  }
0x1cf: {  	s7 =	sadd.s32 $0x5, s22  }
0x1d0: {  	s9 =	simm.s32 $0x6;
	p2 =	sge.u32 s7, s17  }
0x1d1: {  	_ =	swait.ge [sflag:s9], $0x4000;
	s7 =	sshll.u32 @!p2 s7, $0xC  }
0x1d2: {  	s21 =	sadd.s32 $0x1, s21;
	[sflag:s9] =	ssyncset.done $0x0;
	s7 =	sadd.s32 @!p2 s6, s7  }
0x1d3: {  	s10 =	simm.s32 @!p2 $0x7A1400;
	s12 =	simm.s32 @!p2 $0x10480;
	s7 =	sshrl.u32 @!p2 s7, $0x3  }
0x1d4: {  	[sflag:s9] =	ssyncadd.s32 $0xFFFFC000;
	s9 =	simm.s32 @!p2 $0x1000;
	s7 =	sadd.s32 @!p2 s1, s7  }
0x1d5: {  	[tilespmem:s12], [sflag:$0x2] =	stream.strided.gather @!p2 [hbm4b:s7+s9], $0x4000, s10, s9, $0x200038;
	[tilespmem:$0x1F480] =	vst v63  }
0x1d6: {  	p2 =	sne.s32 s21, $0xF  }
.Ltmp13:
0x1d7: {  	_ = 	snop;
	(pc) =	sbr.rel @!p2 .LBB2_31-.Ltmp13, $1  }
0x1d8: {  	_ =	sdelay $0x3  }
.LBB2_22:
0x1d9: {  	s13 =	sshll.u32 s21, $0xB  }
0x1da: {  	s18 =	sshra.s32 s16, $0xE;
	s14 =	sor.u32 $0x200, s13  }
0x1db: {  	p2 =	sge.s32 s18, s14  }
.Ltmp14:
0x1dc: {  	_ = 	snop;
	(pc) =	sbr.rel @p2 .LBB2_24-.Ltmp14, $4  }
0x1dd: {  	s7 =	simm.s32 $0x1  }
0x1de: {  	_ =	swait.ge [sflag:s7], $0x4000  }
0x1df: {  	[sflag:s7] =	ssyncset.done $0x0  }
0x1e0: {  	[sflag:s7] =	ssyncadd.s32 $0xFFFFC000  }
.LBB2_23:
0x1e1: {  	s12 =	sadd.s32 $0x1, s11  }
0x1e2: {  	s9 =	sand.u32 $0xFFFFFFF0, s12  }
0x1e3: {  	v11 =	vld [tilespmem:s9+$0x8400];
	_ =	sdelay $0x2  }
0x1e4: {  	s7 =	sand.u32 $0xF, s12  }
0x1e5: {  	v12 =	vmov s7  }
0x1e6: {  	vm3 =	veq.s32 v12, v3;
	v11 =	vxor.u32 $0x80000000, v11  }
0x1e7: {  	v11 =	vnsel vm3, $0x0, v11  }
0x1e8: {  	(xrf0) =	vmax.scan.msk.u32 $0xffff, v11;
	_ =	sdelay $0x5  }
0x1e9: {  	v11, _, _ =	vpop (xrf0)  }
0x1ea: {  	(v2sf) =	vpush v11, $0xF;
	_ =	sdelay $0xe  }
0x1eb: {  	s10 =	spop (v2sf)  }
0x1ec: {  	p2 =	slt.s32 s12, s15;
	s22 =	sxor.u32 $0x80000000, s10  }
0x1ed: {  	s22 =	simm.s32 @!p2 $0x7FFFFFF0  }
0x1ee: {  	p2 =	seq.s32 s22, $0x7FFFFFF0  }
0x1ef: {  	s9 =	sand.u32 @!p2 $0x1, s12  }
0x1f0: {  	p3 =	seq.s32 @!p2 s9, $0x1;
	s9 =	sand.u32 @!p2 $0x3F80, s22  }
0x1f1: {  	s20 =	sadd.s32 @!p2 s3, s9;
	p4 =	por p3, p2  }
0x1f2: {  	s9 =	simm.s32 @!p4 $0x400;
	s28 =	simm.s32 @!p4 $0x20000;
	s7 =	simm.s32 @!p4 $0x1C480  }
0x1f3: {  	[tilespmem:s7], [sflag:$0x9] =	stream.strided.gather @!p4 [hbm4b:s20+s9], $0x1000, s28, s9, $0x200038;
	[tilespmem:$0x1F480] =	vst v63  }
0x1f4: {  	s7 =	sand.u32 @!p4 $0x1, s11  }
0x1f5: {  	p4 =	seq.s32 @!p4 s7, $0x1  }
0x1f6: {  	p3 =	por @!p2 p3, !p4  }
0x1f7: {  	p2 =	por p2, !p3  }
0x1f8: {  	[tilespmem:s0], [sflag:$0xA] =	stream.strided.gather @!p2 [hbm4b:s20+s31], $0x1000, s4, s31, $0x200038;
	[tilespmem:$0x1F480] =	vst v63  }
0x1f9: {  	s28 =	sand.u32 $0x1, s11;
	s20 =	sand.u32 $0x7F, s16  }
0x1fa: {  	s30 =	ssub.s32 s18, s13;
	s9 =	simm.s32 $0xA;
	p2 =	seq.s32 s28, $0x1;
	v11 =	vor.u32 s20, v6  }
0x1fb: {  	v63 =	vmov s30;
	v13 =	vor.u32 s20, v10;
	s9 =	simm.s32 @!p2 $0x9  }
0x1fc: {  	v14 =	vshll.u32 v63, $0x3;
	_ =	swait.ge [sflag:s9], $0x1000  }
0x1fd: {  	v12 =	vand.u32 $0x7F, v63;
	v14 =	vand.u32 $0xFFFFFC00, v14;
	s7 =	simm.s32 $0x1D480;
	[sflag:s9] =	ssyncset.done $0x0  }
0x1fe: {  	v12 =	vor.u32 v12, v14;
	s7 =	simm.s32 @!p2 $0x1C480;
	[sflag:s9] =	ssyncadd.s32 $0xFFFFF000  }
0x1ff: {  	v14 =	vadd.s32 v8, v12;
	s18 =	sshra.s32 s22, $0xE;
	v11 =	vld.idx.msk [tilespmem:v11+s7+$0x0], $0xffff  }
0x200: {  	v12 =	vadd.s32 v9, v12;
	p2 =	slt.s32 s18, s14;
	v13 =	vld.idx.msk [tilespmem:v13+s7+$0x0], $0xffff  }
.Ltmp15:
0x201: {  	_ = 	snop;
	(pc) =	sbr.rel @p2 .LBB2_23-.Ltmp15, $3  }
0x202: {  	_ =	sdelay $0x1  }
0x203: {  	[tilespmem:v14+s25+$0x0] =	vst.idx.msk $0xffff, v11  }
0x204: {  	s11 =	smov.u32 s12;
	s16 =	smov.u32 s22;
	[tilespmem:v12+s25+$0x0] =	vst.idx.msk $0xffff, v13  }
.LBB2_24:
0x205: {  	s22 =	sshll.u32 s21, $0x2;
	s7 =	sadd.s32 s13, s19  }
0x206: {  	[hbm4b:s7+s23] =	stream.strided.scatter [tilespmem:s25], [sflag:$0x5], $0x4000, s24, s23, $0x200038;
	[tilespmem:$0x1F480] =	vst v63  }
0x207: {  	p2 =	seq.s32 s21, $0x0;
	s30 =	simm.s32 $0x2;
	s12 =	sor.u32 $0x2, s22  }
0x208: {  	s13 =	sor.u32 $0x400, s13;
	s7 =	simm.s32 @!p2 $0x7;
	s9 =	sshll.u32 s12, $0xC  }
0x209: {  	s28 =	sshra.s32 s16, $0xE;
	_ =	swait.ge @!p2 [sflag:s7], $0x4000;
	s9 =	sadd.s32 s6, s9  }
0x20a: {  	p3 =	sge.s32 s28, s13;
	[sflag:s7] =	ssyncset.done @!p2 $0x0;
	s9 =	sshrl.u32 s9, $0x3  }
.Ltmp16:
0x20b: {  	[sflag:s7] =	ssyncadd.s32 @!p2 $0xFFFFC000;
	s20 =	sadd.s32 s1, s9;
	(pc) =	sbr.rel @p3 .LBB2_26-.Ltmp16, $4  }
0x20c: {  	[tilespmem:s5], [sflag:$0x3] =	stream.strided.gather [hbm4b:s20+s23], $0x4000, s24, s23, $0x200038;
	[tilespmem:$0x1F480] =	vst v63  }
0x20d: {  	_ =	swait.ge [sflag:s30], $0x4000  }
0x20e: {  	[sflag:s30] =	ssyncset.done $0x0  }
0x20f: {  	[sflag:s30] =	ssyncadd.s32 $0xFFFFC000  }
.LBB2_25:
0x210: {  	s18 =	sadd.s32 $0x1, s11  }
0x211: {  	s7 =	sand.u32 $0xFFFFFFF0, s18  }
0x212: {  	v11 =	vld [tilespmem:s7+$0x8400];
	_ =	sdelay $0x2  }
0x213: {  	s9 =	sand.u32 $0xF, s18  }
0x214: {  	v12 =	vmov s9  }
0x215: {  	vm3 =	veq.s32 v12, v3;
	v11 =	vxor.u32 $0x80000000, v11  }
0x216: {  	v11 =	vnsel vm3, $0x0, v11  }
0x217: {  	(xrf0) =	vmax.scan.msk.u32 $0xffff, v11;
	_ =	sdelay $0x5  }
0x218: {  	v11, _, _ =	vpop (xrf0)  }
0x219: {  	(v2sf) =	vpush v11, $0xF;
	_ =	sdelay $0xe  }
0x21a: {  	s10 =	spop (v2sf)  }
0x21b: {  	p3 =	slt.s32 s18, s15;
	s20 =	sxor.u32 $0x80000000, s10  }
0x21c: {  	s20 =	simm.s32 @!p3 $0x7FFFFFF0  }
0x21d: {  	p3 =	seq.s32 s20, $0x7FFFFFF0  }
0x21e: {  	s7 =	sand.u32 @!p3 $0x1, s18  }
0x21f: {  	p4 =	seq.s32 @!p3 s7, $0x1;
	s7 =	sand.u32 @!p3 $0x3F80, s20  }
0x220: {  	s9 =	sadd.s32 @!p3 s3, s7;
	p5 =	por p4, p3  }
0x221: {  	s7 =	simm.s32 @!p5 $0x400;
	s30 =	simm.s32 @!p5 $0x20000;
	s10 =	simm.s32 @!p5 $0x1C480  }
0x222: {  	[tilespmem:s10], [sflag:$0x9] =	stream.strided.gather @!p5 [hbm4b:s9+s7], $0x1000, s30, s7, $0x200038;
	[tilespmem:$0x1F480] =	vst v63  }
0x223: {  	s7 =	sand.u32 @!p5 $0x1, s11  }
0x224: {  	p5 =	seq.s32 @!p5 s7, $0x1  }
0x225: {  	p4 =	por @!p3 p4, !p5  }
0x226: {  	s7 =	sand.u32 $0x7F, s16;
	s16 =	sand.u32 $0x1, s11;
	p3 =	por p3, !p4  }
0x227: {  	[tilespmem:s0], [sflag:$0xA] =	stream.strided.gather @!p3 [hbm4b:s9+s31], $0x1000, s4, s31, $0x200038;
	[tilespmem:$0x1F480] =	vst v63  }
0x228: {  	s30 =	ssub.s32 s28, s14;
	v11 =	vor.u32 s7, v6;
	p3 =	seq.s32 s16, $0x1;
	s9 =	simm.s32 $0xA  }
0x229: {  	v63 =	vmov s30;
	v13 =	vor.u32 s7, v10;
	s9 =	simm.s32 @!p3 $0x9  }
0x22a: {  	v14 =	vshll.u32 v63, $0x3;
	_ =	swait.ge [sflag:s9], $0x1000  }
0x22b: {  	v12 =	vand.u32 $0x7F, v63;
	s7 =	simm.s32 $0x1D480;
	v14 =	vand.u32 $0xFFFFFC00, v14;
	[sflag:s9] =	ssyncset.done $0x0  }
0x22c: {  	v12 =	vor.u32 v12, v14;
	s7 =	simm.s32 @!p3 $0x1C480;
	[sflag:s9] =	ssyncadd.s32 $0xFFFFF000  }
0x22d: {  	s28 =	sshra.s32 s20, $0xE;
	v14 =	vadd.s32 v8, v12;
	v11 =	vld.idx.msk [tilespmem:v11+s7+$0x0], $0xffff  }
0x22e: {  	v12 =	vadd.s32 v9, v12;
	p3 =	slt.s32 s28, s13;
	v13 =	vld.idx.msk [tilespmem:v13+s7+$0x0], $0xffff  }
.Ltmp17:
0x22f: {  	_ = 	snop;
	(pc) =	sbr.rel @p3 .LBB2_25-.Ltmp17, $3  }
0x230: {  	_ =	sdelay $0x1  }
0x231: {  	[tilespmem:v14+s26+$0x0] =	vst.idx.msk $0xffff, v11  }
0x232: {  	s11 =	smov.u32 s18;
	s16 =	smov.u32 s20;
	[tilespmem:v12+s26+$0x0] =	vst.idx.msk $0xffff, v13  }
.LBB2_26:
0x233: {  	s7 =	sadd.s32 s14, s19  }
0x234: {  	[hbm4b:s7+s23] =	stream.strided.scatter [tilespmem:s26], [sflag:$0x6], $0x4000, s24, s23, $0x200038;
	[tilespmem:$0x1F480] =	vst v63  }
0x235: {  	s14 =	sor.u32 $0x3, s22;
	s12 =	sshll.u32 s12, $0x9;
	s7 =	simm.s32 @!p2 $0x8  }
0x236: {  	s28 =	sshra.s32 s16, $0xE;
	s9 =	sshll.u32 s14, $0xC;
	_ =	swait.ge @!p2 [sflag:s7], $0x4000  }
0x237: {  	s13 =	sor.u32 $0x200, s12;
	s9 =	sadd.s32 s6, s9;
	[sflag:s7] =	ssyncset.done @!p2 $0x0  }
0x238: {  	s9 =	sshrl.u32 s9, $0x3;
	[sflag:s7] =	ssyncadd.s32 @!p2 $0xFFFFC000;
	p2 =	sge.s32 s28, s13  }
.Ltmp18:
0x239: {  	s30 =	simm.s32 $0x3;
	s20 =	sadd.s32 s1, s9;
	(pc) =	sbr.rel @p2 .LBB2_28-.Ltmp18, $4  }
0x23a: {  	[tilespmem:s8], [sflag:$0x4] =	stream.strided.gather [hbm4b:s20+s23], $0x4000, s24, s23, $0x200038;
	[tilespmem:$0x1F480] =	vst v63  }
0x23b: {  	_ =	swait.ge [sflag:s30], $0x4000  }
0x23c: {  	[sflag:s30] =	ssyncset.done $0x0  }
0x23d: {  	[sflag:s30] =	ssyncadd.s32 $0xFFFFC000  }
.LBB2_27:
0x23e: {  	s18 =	sadd.s32 $0x1, s11  }
0x23f: {  	s7 =	sand.u32 $0xFFFFFFF0, s18  }
0x240: {  	v11 =	vld [tilespmem:s7+$0x8400];
	_ =	sdelay $0x2  }
0x241: {  	s9 =	sand.u32 $0xF, s18  }
0x242: {  	v12 =	vmov s9  }
0x243: {  	vm3 =	veq.s32 v12, v3;
	v11 =	vxor.u32 $0x80000000, v11  }
0x244: {  	v11 =	vnsel vm3, $0x0, v11  }
0x245: {  	(xrf0) =	vmax.scan.msk.u32 $0xffff, v11;
	_ =	sdelay $0x5  }
0x246: {  	v11, _, _ =	vpop (xrf0)  }
0x247: {  	(v2sf) =	vpush v11, $0xF;
	_ =	sdelay $0xe  }
0x248: {  	s10 =	spop (v2sf)  }
0x249: {  	p2 =	slt.s32 s18, s15;
	s20 =	sxor.u32 $0x80000000, s10  }
0x24a: {  	s20 =	simm.s32 @!p2 $0x7FFFFFF0  }
0x24b: {  	p2 =	seq.s32 s20, $0x7FFFFFF0  }
0x24c: {  	s7 =	sand.u32 @!p2 $0x1, s18  }
0x24d: {  	p3 =	seq.s32 @!p2 s7, $0x1;
	s7 =	sand.u32 @!p2 $0x3F80, s20  }
0x24e: {  	s9 =	sadd.s32 @!p2 s3, s7;
	p4 =	por p3, p2  }
0x24f: {  	s7 =	simm.s32 @!p4 $0x400;
	s10 =	simm.s32 @!p4 $0x20000;
	s30 =	simm.s32 @!p4 $0x1C480  }
0x250: {  	[tilespmem:s30], [sflag:$0x9] =	stream.strided.gather @!p4 [hbm4b:s9+s7], $0x1000, s10, s7, $0x200038;
	[tilespmem:$0x1F480] =	vst v63  }
0x251: {  	s7 =	sand.u32 @!p4 $0x1, s11  }
0x252: {  	p4 =	seq.s32 @!p4 s7, $0x1  }
0x253: {  	p3 =	por @!p2 p3, !p4  }
0x254: {  	s7 =	sand.u32 $0x7F, s16;
	s16 =	sand.u32 $0x1, s11;
	p2 =	por p2, !p3  }
0x255: {  	[tilespmem:s0], [sflag:$0xA] =	stream.strided.gather @!p2 [hbm4b:s9+s31], $0x1000, s4, s31, $0x200038;
	[tilespmem:$0x1F480] =	vst v63  }
0x256: {  	s30 =	ssub.s32 s28, s12;
	v11 =	vor.u32 s7, v6;
	p2 =	seq.s32 s16, $0x1;
	s9 =	simm.s32 $0xA  }
0x257: {  	v63 =	vmov s30;
	v13 =	vor.u32 s7, v10;
	s9 =	simm.s32 @!p2 $0x9  }
0x258: {  	v14 =	vshll.u32 v63, $0x3;
	_ =	swait.ge [sflag:s9], $0x1000  }
0x259: {  	v12 =	vand.u32 $0x7F, v63;
	s7 =	simm.s32 $0x1D480;
	v14 =	vand.u32 $0xFFFFFC00, v14;
	[sflag:s9] =	ssyncset.done $0x0  }
0x25a: {  	v12 =	vor.u32 v12, v14;
	s7 =	simm.s32 @!p2 $0x1C480;
	[sflag:s9] =	ssyncadd.s32 $0xFFFFF000  }
0x25b: {  	s28 =	sshra.s32 s20, $0xE;
	v14 =	vadd.s32 v8, v12;
	v11 =	vld.idx.msk [tilespmem:v11+s7+$0x0], $0xffff  }
0x25c: {  	v12 =	vadd.s32 v9, v12;
	p2 =	slt.s32 s28, s13;
	v13 =	vld.idx.msk [tilespmem:v13+s7+$0x0], $0xffff  }
.Ltmp19:
0x25d: {  	_ = 	snop;
	(pc) =	sbr.rel @p2 .LBB2_27-.Ltmp19, $3  }
0x25e: {  	_ =	sdelay $0x1  }
0x25f: {  	[tilespmem:v14+s5+$0x0] =	vst.idx.msk $0xffff, v11  }
0x260: {  	s11 =	smov.u32 s18;
	s16 =	smov.u32 s20;
	[tilespmem:v12+s5+$0x0] =	vst.idx.msk $0xffff, v13  }
.LBB2_28:
0x261: {  	s7 =	sadd.s32 s12, s19  }
0x262: {  	[hbm4b:s7+s23] =	stream.strided.scatter [tilespmem:s5], [sflag:$0x7], $0x4000, s24, s23, $0x200038;
	[tilespmem:$0x1F480] =	vst v63  }
0x263: {  	s7 =	sadd.s32 $0x4, s22  }
0x264: {  	p2 =	sge.u32 s7, s17  }
0x265: {  	_ =	swait.ge [sflag:s2], $0x4000;
	s7 =	sshll.u32 @!p2 s7, $0xC  }
0x266: {  	s13 =	sshll.u32 s14, $0x9;
	[sflag:s2] =	ssyncset.done $0x0;
	s7 =	sadd.s32 @!p2 s6, s7  }
0x267: {  	s9 =	simm.s32 @!p2 $0x1000;
	s10 =	simm.s32 @!p2 $0x7A1400;
	s7 =	sshrl.u32 @!p2 s7, $0x3  }
0x268: {  	s12 =	simm.s32 @!p2 $0xC480;
	[sflag:s2] =	ssyncadd.s32 $0xFFFFC000;
	s7 =	sadd.s32 @!p2 s1, s7  }
0x269: {  	[tilespmem:s12], [sflag:$0x1] =	stream.strided.gather @!p2 [hbm4b:s7+s9], $0x4000, s10, s9, $0x200038;
	[tilespmem:$0x1F480] =	vst v63  }
0x26a: {  	s18 =	sshra.s32 s16, $0xE;
	s12 =	sadd.s32 $0x200, s13  }
0x26b: {  	p2 =	sge.s32 s18, s12  }
.Ltmp20:
0x26c: {  	_ = 	snop;
	(pc) =	sbr.rel @p2 .LBB2_30-.Ltmp20, $4  }
0x26d: {  	s30 =	simm.s32 $0x4  }
0x26e: {  	_ =	swait.ge [sflag:s30], $0x4000  }
0x26f: {  	[sflag:s30] =	ssyncset.done $0x0  }
0x270: {  	[sflag:s30] =	ssyncadd.s32 $0xFFFFC000  }
.LBB2_29:
0x271: {  	s14 =	sadd.s32 $0x1, s11  }
0x272: {  	s7 =	sand.u32 $0xFFFFFFF0, s14  }
0x273: {  	v11 =	vld [tilespmem:s7+$0x8400];
	_ =	sdelay $0x2  }
0x274: {  	s9 =	sand.u32 $0xF, s14  }
0x275: {  	v12 =	vmov s9  }
0x276: {  	vm3 =	veq.s32 v12, v3;
	v11 =	vxor.u32 $0x80000000, v11  }
0x277: {  	v11 =	vnsel vm3, $0x0, v11  }
0x278: {  	(xrf0) =	vmax.scan.msk.u32 $0xffff, v11;
	_ =	sdelay $0x5  }
0x279: {  	v11, _, _ =	vpop (xrf0)  }
0x27a: {  	(v2sf) =	vpush v11, $0xF;
	_ =	sdelay $0xe  }
0x27b: {  	s10 =	spop (v2sf)  }
0x27c: {  	p2 =	slt.s32 s14, s15;
	s20 =	sxor.u32 $0x80000000, s10  }
0x27d: {  	s20 =	simm.s32 @!p2 $0x7FFFFFF0  }
0x27e: {  	p2 =	seq.s32 s20, $0x7FFFFFF0  }
0x27f: {  	s7 =	sand.u32 @!p2 $0x1, s14  }
0x280: {  	p3 =	seq.s32 @!p2 s7, $0x1;
	s7 =	sand.u32 @!p2 $0x3F80, s20  }
0x281: {  	s9 =	sadd.s32 @!p2 s3, s7;
	p4 =	por p3, p2  }
0x282: {  	s7 =	simm.s32 @!p4 $0x400;
	s10 =	simm.s32 @!p4 $0x20000;
	s28 =	simm.s32 @!p4 $0x1C480  }
0x283: {  	[tilespmem:s28], [sflag:$0x9] =	stream.strided.gather @!p4 [hbm4b:s9+s7], $0x1000, s10, s7, $0x200038;
	[tilespmem:$0x1F480] =	vst v63  }
0x284: {  	s7 =	sand.u32 @!p4 $0x1, s11  }
0x285: {  	p4 =	seq.s32 @!p4 s7, $0x1  }
0x286: {  	p3 =	por @!p2 p3, !p4  }
0x287: {  	s16 =	sand.u32 $0x7F, s16;
	s28 =	sand.u32 $0x1, s11;
	p2 =	por p2, !p3  }
0x288: {  	[tilespmem:s0], [sflag:$0xA] =	stream.strided.gather @!p2 [hbm4b:s9+s31], $0x1000, s4, s31, $0x200038;
	[tilespmem:$0x1F480] =	vst v63  }
0x289: {  	s30 =	ssub.s32 s18, s13;
	v11 =	vor.u32 s16, v6;
	p2 =	seq.s32 s28, $0x1;
	s9 =	simm.s32 $0xA  }
0x28a: {  	v63 =	vmov s30;
	v13 =	vor.u32 s16, v10;
	s9 =	simm.s32 @!p2 $0x9  }
0x28b: {  	v14 =	vshll.u32 v63, $0x3;
	_ =	swait.ge [sflag:s9], $0x1000  }
0x28c: {  	v12 =	vand.u32 $0x7F, v63;
	v14 =	vand.u32 $0xFFFFFC00, v14;
	s7 =	simm.s32 $0x1D480;
	[sflag:s9] =	ssyncset.done $0x0  }
0x28d: {  	v12 =	vor.u32 v12, v14;
	s7 =	simm.s32 @!p2 $0x1C480;
	[sflag:s9] =	ssyncadd.s32 $0xFFFFF000  }
0x28e: {  	v14 =	vadd.s32 v8, v12;
	s18 =	sshra.s32 s20, $0xE;
	v11 =	vld.idx.msk [tilespmem:v11+s7+$0x0], $0xffff  }
0x28f: {  	v12 =	vadd.s32 v9, v12;
	p2 =	slt.s32 s18, s12;
	v13 =	vld.idx.msk [tilespmem:v13+s7+$0x0], $0xffff  }
.Ltmp21:
0x290: {  	_ = 	snop;
	(pc) =	sbr.rel @p2 .LBB2_29-.Ltmp21, $3  }
0x291: {  	_ =	sdelay $0x1  }
0x292: {  	[tilespmem:v14+s8+$0x0] =	vst.idx.msk $0xffff, v11  }
0x293: {  	s16 =	smov.u32 s20;
	s11 =	smov.u32 s14;
	[tilespmem:v12+s8+$0x0] =	vst.idx.msk $0xffff, v13  }
.Ltmp22:
0x294: {  	_ = 	snop;
	(pc) =	sbr.rel .LBB2_30-.Ltmp22, $1  }
0x295: {  	_ =	sdelay $0x3  }
.LBB2_31:
0x296: {  	s13 =	sshra.s32 s16, $0xE  }
0x297: {  	p2 =	sgt.s32 s13, $0x79FF  }
.Ltmp23:
0x298: {  	_ = 	snop;
	(pc) =	sbr.rel @p2 .LBB2_33-.Ltmp23, $4  }
0x299: {  	s7 =	simm.s32 $0x1  }
0x29a: {  	_ =	swait.ge [sflag:s7], $0x4000  }
0x29b: {  	[sflag:s7] =	ssyncset.done $0x0  }
0x29c: {  	s18 =	smov.u32 s16;
	s21 =	simm.s32 $0x1E480;
	[sflag:s7] =	ssyncadd.s32 $0xFFFFC000  }
.LBB2_32:
0x29d: {  	s12 =	sadd.s32 $0x1, s11  }
0x29e: {  	s7 =	sand.u32 $0xFFFFFFF0, s12  }
0x29f: {  	v11 =	vld [tilespmem:s7+$0x8400];
	_ =	sdelay $0x2  }
0x2a0: {  	s18 =	sand.u32 $0xF, s12  }
0x2a1: {  	v12 =	vmov s18  }
0x2a2: {  	vm3 =	veq.s32 v12, v3;
	v11 =	vxor.u32 $0x80000000, v11  }
0x2a3: {  	v11 =	vnsel vm3, $0x0, v11  }
0x2a4: {  	(xrf0) =	vmax.scan.msk.u32 $0xffff, v11;
	_ =	sdelay $0x5  }
0x2a5: {  	v11, _, _ =	vpop (xrf0)  }
0x2a6: {  	(v2sf) =	vpush v11, $0xF;
	_ =	sdelay $0xe  }
0x2a7: {  	s20 =	spop (v2sf)  }
0x2a8: {  	s14 =	sxor.u32 $0x80000000, s20  }
0x2a9: {  	p2 =	slt.s32 s12, s15;
	s18 =	smov.u32 s14  }
0x2aa: {  	s18 =	simm.s32 @!p2 $0x7FFFFFF0  }
0x2ab: {  	p2 =	seq.s32 s18, $0x7FFFFFF0  }
0x2ac: {  	s7 =	sand.u32 @!p2 $0x1, s12  }
0x2ad: {  	p3 =	seq.s32 @!p2 s7, $0x1;
	s7 =	sand.u32 @!p2 $0x3F80, s18  }
0x2ae: {  	s9 =	sadd.s32 @!p2 s3, s7;
	p4 =	por p3, p2  }
0x2af: {  	s7 =	simm.s32 @!p4 $0x400;
	s10 =	simm.s32 @!p4 $0x20000;
	s20 =	simm.s32 @!p4 $0x1C480  }
0x2b0: {  	[tilespmem:s20], [sflag:$0x9] =	stream.strided.gather @!p4 [hbm4b:s9+s7], $0x1000, s10, s7, $0x200038;
	[tilespmem:$0x1F480] =	vst v63  }
0x2b1: {  	s7 =	sand.u32 @!p4 $0x1, s11  }
0x2b2: {  	p4 =	seq.s32 @!p4 s7, $0x1  }
0x2b3: {  	p3 =	por @!p2 p3, !p4  }
0x2b4: {  	s22 =	sand.u32 $0x7F, s16;
	s28 =	sand.u32 $0x1, s11;
	p2 =	por p2, !p3  }
0x2b5: {  	[tilespmem:s0], [sflag:$0xA] =	stream.strided.gather @!p2 [hbm4b:s9+s31], $0x1000, s4, s31, $0x200038;
	[tilespmem:$0x1F480] =	vst v63  }
0x2b6: {  	s30 =	sadd.s32 $0xFFFF8800, s13;
	v11 =	vor.u32 s22, v6;
	p2 =	seq.s32 s28, $0x1;
	s9 =	simm.s32 $0xA  }
0x2b7: {  	v63 =	vmov s30;
	v13 =	vor.u32 s22, v10;
	s9 =	simm.s32 @!p2 $0x9  }
0x2b8: {  	v14 =	vshll.u32 v63, $0x3;
	_ =	swait.ge [sflag:s9], $0x1000  }
0x2b9: {  	v12 =	vand.u32 $0x7F, v63;
	v14 =	vand.u32 $0xFFFFFC00, v14;
	s7 =	simm.s32 $0x1D480;
	[sflag:s9] =	ssyncset.done $0x0  }
0x2ba: {  	v12 =	vor.u32 v12, v14;
	s7 =	simm.s32 @!p2 $0x1C480;
	[sflag:s9] =	ssyncadd.s32 $0xFFFFF000  }
0x2bb: {  	v14 =	vadd.s32 v8, v12;
	s13 =	sshra.s32 s18, $0xE;
	v11 =	vld.idx.msk [tilespmem:v11+s7+$0x0], $0xffff  }
0x2bc: {  	v12 =	vadd.s32 v9, v12;
	p2 =	slt.s32 s13, $0x7A00;
	v13 =	vld.idx.msk [tilespmem:v13+s7+$0x0], $0xffff  }
.Ltmp24:
0x2bd: {  	_ = 	snop;
	(pc) =	sbr.rel @p2 .LBB2_32-.Ltmp24, $3  }
0x2be: {  	_ =	sdelay $0x1  }
0x2bf: {  	[tilespmem:v14+s25+$0x0] =	vst.idx.msk $0xffff, v11  }
0x2c0: {  	s16 =	smov.u32 s14;
	s11 =	smov.u32 s12;
	[tilespmem:v12+s25+$0x0] =	vst.idx.msk $0xffff, v13  }
.LBB2_33:
.Ltmp25:
0x2c1: {  	s7 =	rddreg [dreg:$0x11];
	s30 =	simm.s32 $0x7;
	(pc) =	sbr.rel @p0 .LBB2_38-.Ltmp25, $4  }
0x2c2: {  	[hbm4b:s7+s23] =	stream.strided.scatter [tilespmem:s25], [sflag:$0x5], $0x4000, s24, s23, $0x200038;
	[tilespmem:$0x1F480] =	vst v63  }
0x2c3: {  	_ =	swait.ge [sflag:s30], $0x4000  }
0x2c4: {  	[sflag:s30] =	ssyncset.done $0x0  }
0x2c5: {  	[sflag:s30] =	ssyncadd.s32 $0xFFFFC000  }
0x2c6: {  	p2 =	sgt.u32 s18, $0x1EFFFFFF  }
.Ltmp26:
0x2c7: {  	_ = 	snop;
	(pc) =	sbr.rel @p2 .LBB2_37-.Ltmp26, $4  }
0x2c8: {  	s7 =	simm.s32 $0x2  }
0x2c9: {  	_ =	swait.ge [sflag:s7], $0x4000  }
0x2ca: {  	[sflag:s7] =	ssyncset.done $0x0  }
0x2cb: {  	[sflag:s7] =	ssyncadd.s32 $0xFFFFC000  }
0x2cc: {  	s13 =	sshrl.u32 s18, $0xE;
	s11 =	sadd.s32 $0x1, s11  }
.LBB2_36:
0x2cd: {  	s7 =	sand.u32 $0xFFFFFFF0, s11  }
0x2ce: {  	v11 =	vld [tilespmem:s7+$0x8400];
	_ =	sdelay $0x2  }
0x2cf: {  	s20 =	sand.u32 $0xF, s11  }
0x2d0: {  	v12 =	vmov s20  }
0x2d1: {  	vm3 =	veq.s32 v12, v3;
	v11 =	vxor.u32 $0x80000000, v11  }
0x2d2: {  	v11 =	vnsel vm3, $0x0, v11  }
0x2d3: {  	(xrf0) =	vmax.scan.msk.u32 $0xffff, v11;
	_ =	sdelay $0x5  }
0x2d4: {  	v11, _, _ =	vpop (xrf0)  }
0x2d5: {  	(v2sf) =	vpush v11, $0xF;
	_ =	sdelay $0xe  }
0x2d6: {  	s21 =	spop (v2sf)  }
0x2d7: {  	s12 =	sxor.u32 $0x80000000, s21  }
0x2d8: {  	p2 =	slt.s32 s11, s15;
	s14 =	smov.u32 s12  }
0x2d9: {  	s14 =	simm.s32 @!p2 $0x7FFFFFF0  }
0x2da: {  	p2 =	seq.s32 s14, $0x7FFFFFF0  }
0x2db: {  	s7 =	sand.u32 @!p2 $0x1, s11  }
0x2dc: {  	p3 =	seq.s32 @!p2 s7, $0x1;
	s7 =	sand.u32 @!p2 $0x3F80, s14  }
0x2dd: {  	s16 =	sadd.s32 $0xFFFFFFFF, s11;
	s9 =	sadd.s32 @!p2 s3, s7;
	p4 =	por p3, p2  }
0x2de: {  	s7 =	simm.s32 @!p4 $0x400;
	s10 =	simm.s32 @!p4 $0x20000;
	s20 =	simm.s32 @!p4 $0x1C480  }
0x2df: {  	[tilespmem:s20], [sflag:$0x9] =	stream.strided.gather @!p4 [hbm4b:s9+s7], $0x1000, s10, s7, $0x200038;
	[tilespmem:$0x1F480] =	vst v63  }
0x2e0: {  	s7 =	sand.u32 @!p4 $0x1, s16  }
0x2e1: {  	p4 =	seq.s32 @!p4 s7, $0x1  }
0x2e2: {  	p3 =	por @!p2 p3, !p4  }
0x2e3: {  	s22 =	sand.u32 $0x7F, s18;
	s28 =	sand.u32 $0x1, s16;
	p2 =	por p2, !p3  }
0x2e4: {  	[tilespmem:s0], [sflag:$0xA] =	stream.strided.gather @!p2 [hbm4b:s9+s31], $0x1000, s4, s31, $0x200038;
	[tilespmem:$0x1F480] =	vst v63  }
0x2e5: {  	s30 =	sadd.s32 $0xFFFF8600, s13;
	v11 =	vor.u32 s22, v6;
	p2 =	seq.s32 s28, $0x1;
	s9 =	simm.s32 $0xA  }
0x2e6: {  	v63 =	vmov s30;
	v13 =	vor.u32 s22, v10;
	s9 =	simm.s32 @!p2 $0x9  }
0x2e7: {  	v14 =	vshll.u32 v63, $0x3;
	_ =	swait.ge [sflag:s9], $0x1000  }
0x2e8: {  	v12 =	vand.u32 $0x7F, v63;
	v14 =	vand.u32 $0xFFFFFC00, v14;
	s7 =	simm.s32 $0x1D480;
	[sflag:s9] =	ssyncset.done $0x0  }
0x2e9: {  	v12 =	vor.u32 v12, v14;
	s7 =	simm.s32 @!p2 $0x1C480;
	[sflag:s9] =	ssyncadd.s32 $0xFFFFF000  }
0x2ea: {  	v14 =	vadd.s32 v8, v12;
	s13 =	sshra.s32 s14, $0xE;
	v11 =	vld.idx.msk [tilespmem:v11+s7+$0x0], $0xffff  }
0x2eb: {  	v12 =	vadd.s32 v9, v12;
	p2 =	slt.s32 s13, $0x7C00;
	v13 =	vld.idx.msk [tilespmem:v13+s7+$0x0], $0xffff  }
.Ltmp27:
0x2ec: {  	_ = 	snop;
	(pc) =	sbr.rel @p2 .LBB2_36-.Ltmp27, $3  }
0x2ed: {  	_ =	sdelay $0x1  }
0x2ee: {  	[tilespmem:v14+s26+$0x0] =	vst.idx.msk $0xffff, v11  }
0x2ef: {  	s18 =	smov.u32 s12;
	s11 =	sadd.s32 $0x1, s11;
	[tilespmem:v12+s26+$0x0] =	vst.idx.msk $0xffff, v13  }
.Ltmp28:
0x2f0: {  	_ = 	snop;
	(pc) =	sbr.rel .LBB2_37-.Ltmp28, $1  }
0x2f1: {  	_ =	sdelay $0x3  }
.LBB2_38:
0x2f2: {  	s7 =	simm.s32 $0x8  }
0x2f3: {  	_ =	swait.ge [sflag:s7], $0x4000  }
.Ltmp29:
0x2f4: {  	[sflag:s7] =	ssyncset.done $0x0;
	(pc) =	sbr.rel @p1 .LBB2_43-.Ltmp29, $4  }
0x2f5: {  	[sflag:s7] =	ssyncadd.s32 $0xFFFFC000  }
0x2f6: {  	_ =	swait.ge [sflag:s2], $0x4000  }
0x2f7: {  	[sflag:s2] =	ssyncset.done $0x0  }
0x2f8: {  	s9 =	rddreg [dreg:$0x14];
	[sflag:s2] =	ssyncadd.s32 $0xFFFFC000  }
0x2f9: {  	s7 =	simm.s32 $0x0;
	p2 =	sgt.u32 s18, $0x1E8FFFFF  }
.Ltmp30:
0x2fa: {  	s9 =	rddreg [dreg:$0x6];
	s30 =	simm.s32 $0x2;
	(pc) =	sbr.rel @p2 .LBB2_42-.Ltmp30, $4  }
0x2fb: {  	[tilespmem:s21], [sflag:$0x2] =	stream.linear.gather [hbm4b:s9+s7], $0x1000, $0x200038;
	[tilespmem:$0x1F480] =	vst v63  }
0x2fc: {  	_ =	swait.ge [sflag:s30], $0x1000  }
0x2fd: {  	[sflag:s30] =	ssyncset.done $0x0  }
0x2fe: {  	[sflag:s30] =	ssyncadd.s32 $0xFFFFF000  }
0x2ff: {  	s12 =	sshrl.u32 s18, $0xE;
	s11 =	sadd.s32 $0x1, s11  }
.LBB2_41:
0x300: {  	s7 =	sand.u32 $0xFFFFFFF0, s11  }
0x301: {  	v11 =	vld [tilespmem:s7+$0x8400];
	_ =	sdelay $0x2  }
0x302: {  	s16 =	sand.u32 $0xF, s11  }
0x303: {  	v12 =	vmov s16  }
0x304: {  	vm3 =	veq.s32 v12, v3;
	v11 =	vxor.u32 $0x80000000, v11  }
0x305: {  	v11 =	vnsel vm3, $0x0, v11  }
0x306: {  	(xrf0) =	vmax.scan.msk.u32 $0xffff, v11;
	_ =	sdelay $0x5  }
0x307: {  	v11, _, _ =	vpop (xrf0)  }
0x308: {  	(v2sf) =	vpush v11, $0xF;
	_ =	sdelay $0xe  }
0x309: {  	s20 =	spop (v2sf)  }
0x30a: {  	s13 =	sxor.u32 $0x80000000, s20  }
0x30b: {  	p2 =	slt.s32 s11, s15;
	s14 =	smov.u32 s13  }
0x30c: {  	s14 =	simm.s32 @!p2 $0x7FFFFFF0  }
0x30d: {  	p2 =	seq.s32 s14, $0x7FFFFFF0  }
0x30e: {  	s7 =	sand.u32 @!p2 $0x1, s11  }
0x30f: {  	p3 =	seq.s32 @!p2 s7, $0x1;
	s7 =	sand.u32 @!p2 $0x3F80, s14  }
0x310: {  	s16 =	sadd.s32 $0xFFFFFFFF, s11;
	s9 =	sadd.s32 @!p2 s3, s7;
	p4 =	por p3, p2  }
0x311: {  	s7 =	simm.s32 @!p4 $0x400;
	s10 =	simm.s32 @!p4 $0x20000;
	s20 =	simm.s32 @!p4 $0x1C480  }
0x312: {  	[tilespmem:s20], [sflag:$0x9] =	stream.strided.gather @!p4 [hbm4b:s9+s7], $0x1000, s10, s7, $0x200038;
	[tilespmem:$0x1F480] =	vst v63  }
0x313: {  	s7 =	sand.u32 @!p4 $0x1, s16  }
0x314: {  	p4 =	seq.s32 @!p4 s7, $0x1  }
0x315: {  	p3 =	por @!p2 p3, !p4  }
0x316: {  	s22 =	sand.u32 $0x7F, s18;
	s28 =	sand.u32 $0x1, s16;
	p2 =	por p2, !p3  }
0x317: {  	[tilespmem:s0], [sflag:$0xA] =	stream.strided.gather @!p2 [hbm4b:s9+s31], $0x1000, s4, s31, $0x200038;
	[tilespmem:$0x1F480] =	vst v63  }
0x318: {  	v11 =	vor.u32 s22, v6;
	p2 =	seq.s32 s28, $0x1;
	s9 =	simm.s32 $0xA  }
0x319: {  	v63 =	vor.u32 s22, v10;
	s9 =	simm.s32 @!p2 $0x9  }
0x31a: {  	_ =	swait.ge [sflag:s9], $0x1000  }
0x31b: {  	s7 =	simm.s32 $0x1D480;
	[sflag:s9] =	ssyncset.done $0x0  }
0x31c: {  	s30 =	sadd.s32 $0xFFFF8600, s12;
	s7 =	simm.s32 @!p2 $0x1C480;
	[sflag:s9] =	ssyncadd.s32 $0xFFFFF000  }
0x31d: {  	v13 =	vadd.s32 s30, v6;
	s12 =	sshra.s32 s14, $0xE;
	v11 =	vld.idx.msk [tilespmem:v11+s7+$0x0], $0xffff  }
0x31e: {  	v14 =	vadd.s32 s30, v10;
	p2 =	slt.s32 s12, $0x7A40;
	v12 =	vld.idx.msk [tilespmem:v63+s7+$0x0], $0xffff  }
.Ltmp31:
0x31f: {  	_ = 	snop;
	(pc) =	sbr.rel @p2 .LBB2_41-.Ltmp31, $3  }
0x320: {  	_ =	sdelay $0x1  }
0x321: {  	[tilespmem:v13+s21+$0x0] =	vst.idx.msk $0xffff, v11  }
0x322: {  	s18 =	smov.u32 s13;
	s11 =	sadd.s32 $0x1, s11;
	[tilespmem:v14+s21+$0x0] =	vst.idx.msk $0xffff, v12  }
.LBB2_42:
0x323: {  	s7 =	simm.s32 $0x0  }
.Ltmp32:
0x324: {  	s9 =	rddreg [dreg:$0x7];
	s30 =	simm.s32 $0x6;
	(pc) =	sbr.rel .LBB2_43-.Ltmp32, $4  }
0x325: {  	[hbm4b:s9+s7] =	stream.linear.scatter [tilespmem:s21], [sflag:$0x6], $0x1000, $0x200038;
	[tilespmem:$0x1F480] =	vst v63  }
0x326: {  	_ =	swait.ge [sflag:s30], $0x1000  }
0x327: {  	[sflag:s30] =	ssyncset.done $0x0  }
0x328: {  	s9 =	rddreg [dreg:$0x14];
	[sflag:s30] =	ssyncadd.s32 $0xFFFFF000  }
.LBB2_44:
0x329: {  	_ =	sfence.sel $0x180000  }
0x32a: {  	[bflag:$0x0] =	sbarrier.arrive $0xFFFF  }
0x32b: {  	_ =	strace $0x90000047  }
0x32c: {  	s0 =	stileid.u32;
	[bflag:$0x2] =	sbarrier.arrive $0xFFFF  }
0x32d: {  	p0 =	sne.s32 s0, $0x0;
	s0 =	rddreg [dreg:$0x5]  }
0x32e: {  	s0 =	sadd.s32 @!p0 $0x100000, s0  }
0x32f: {  	[sflag:s0] =	ssyncadd.tile.s32 @!p0 $0x1;
	_ =	shalt  }
.Lfunc_end2:
_tile_overlayer_lowered:
.L_overlay_start_2:
0x330: {  	(tag) =	ssettag $0x2  }
0x331: {  	s0 =	rddreg [dreg:$0x0];
	s2 =	stileid.u32  }
0x332: {  	s1 =	rddreg [dreg:$0x1];
	p0 =	sne.s32 s2, $0x0  }
0x333: {  	s3 =	rddreg [dreg:$0x2];
	[bflag:$0x3] =	sbarrier.arrive $0xFFFF;
	s2 =	simm.s32 @!p0 $0x1C0B  }
0x334: {  	[timem:s3], [sflag:s2] =	dma.local @!p0 [hbm:s0], s1  }
0x335: {  	s0 =	simm.s32 @!p0 $0xB  }
0x336: {  	_ =	swait.ge @!p0 [sflag:s0], s1  }
0x337: {  	s1 =	ssub.s32 @!p0 $0x0, s1;
	[sflag:s0] =	ssyncset.done @!p0 $0x0  }
0x338: {  	[sflag:s0] =	ssyncadd.s32 @!p0 s1  }
0x339: {  	[bflag:$0x3] =	sbarrier.arrive $0xFFFF  }
0x33a: {  	_ =	shalt  }

</sc_bundles>
